<compile_context>
chip_gen: v7x
topology: tpu7x:2x2x1
jax: 0.10.2.dev20260603
libtpu: 0.0.44.dev20260713+nightly
codegen_flags: <defaults>
</compile_context>

<pallas_src>
import functools

import jax
import jax.numpy as jnp
from jax import lax
from jax.experimental import pallas as pl
from jax.experimental.pallas import tpu as pltpu
from jax.experimental.pallas import tpu_sc as plsc

N = 10000
E = 160000
C = 256
HIDDEN = 512

NC = 2
NS = 16
NW = NC * NS
PB = 128
EPW = 5120
NBK = EPW // PB
EPAD = NW * EPW
NP = 10240
RPS = NP // NS
HW = 128
NPH = 7


def _agg_body(xh, srcs, dsts, wcat, zeros,
              outacc,
              src_v, dst_v, wb, msgb, acc,
              gsem0, gsem1, ssem0, ssem1):
    cid = lax.axis_index("c")
    sid = lax.axis_index("s")
    wid = cid * NS + sid

    pltpu.sync_copy(srcs.at[wid], src_v)
    pltpu.sync_copy(dsts.at[wid], dst_v)

    zero16 = jnp.zeros((16,), jnp.float32)
    iota16 = lax.iota(jnp.int32, 16)

    _dnums = lax.GatherDimensionNumbers(
        offset_dims=(), collapsed_slice_dims=(0,), start_index_map=(0,))

    def _bcast(vec16, t):
        idx = jnp.full((16, 1), t, jnp.int32)
        return lax.gather(vec16, idx, _dnums, (1,),
                          mode=lax.GatherScatterMode.PROMISE_IN_BOUNDS)

    row0 = sid * RPS
    gsems = (gsem0, gsem1)
    ssems = (ssem0, ssem1)

    def _zero_acc():
        pltpu.sync_copy(zeros, acc.at[pl.ds(row0, RPS)])

    def _dump(p):
        pltpu.sync_copy(acc.at[pl.ds(row0, RPS)],
                        outacc.at[p * NC + cid, pl.ds(row0, RPS)])

    def _issue_gather(p, g, j):
        half = p // 3
        cf = p - 3 * half
        pltpu.async_copy(xh.at[half].at[src_v.at[g, pl.ds(0, PB // 2)]],
                         msgb.at[j, pl.ds(0, PB // 2)], gsems[j])
        pltpu.async_copy(xh.at[half].at[src_v.at[g, pl.ds(PB // 2, PB // 2)]],
                         msgb.at[j, pl.ds(PB // 2, PB // 2)], gsems[j])
        pltpu.async_copy(wcat.at[cf, wid, g], wb.at[j, pl.ds(0, PB)], gsems[j])

    def _wait_gather(j):
        pltpu.make_async_copy(xh.at[0].at[src_v.at[0, pl.ds(0, PB // 2)]],
                              msgb.at[j, pl.ds(0, PB // 2)], gsems[j]).wait()
        pltpu.make_async_copy(xh.at[0].at[src_v.at[0, pl.ds(0, PB // 2)]],
                              msgb.at[j, pl.ds(PB // 2, PB // 2)], gsems[j]).wait()
        pltpu.make_async_copy(wcat.at[0, 0, 0], wb.at[j, pl.ds(0, PB)], gsems[j]).wait()

    def _compute(j):
        def _grp(gx, _):
            base = gx * 16
            w16 = wb[j, pl.ds(gx * 16, 16)]

            def _e2(t, _):
                e = base + t
                w_b = _bcast(w16, t)
                for r in range(HW // 16):
                    msgb[j, e, pl.ds(r * 16, 16)] = w_b * msgb[j, e, pl.ds(r * 16, 16)]
                return ()
            lax.fori_loop(0, 16, _e2, (), unroll=4)
            return ()
        lax.fori_loop(0, PB // 16, _grp, ())

    def _issue_scatter(g, j):
        pltpu.async_copy(msgb.at[j], acc.at[dst_v.at[g]], ssems[j], add=True)

    def _wait_scatter(j):
        pltpu.make_async_copy(msgb.at[j], acc.at[pl.ds(0, PB)], ssems[j]).wait()

    _issue_gather(0, 0, 0)

    def _phase(p, _):
        plsc.subcore_barrier()
        _zero_acc()
        plsc.subcore_barrier()

        def _quad(q, _):
            g0 = q * 2
            g1 = g0 + 1
            _wait_gather(0)

            @pl.when(g0 >= 1)
            def _():
                _wait_scatter(1)
            _issue_gather(p, g1, 1)
            _compute(0)
            _issue_scatter(g0, 0)
            _wait_gather(1)
            _wait_scatter(0)

            @pl.when(g1 + 1 < NBK)
            def _():
                _issue_gather(p, g1 + 1, 0)
            _compute(1)
            _issue_scatter(g1, 1)
            return ()
        lax.fori_loop(0, NBK // 2, _quad, ())

        _wait_scatter(1)

        @pl.when(p + 1 < 6)
        def _():
            _issue_gather(p + 1, 0, 0)
        plsc.subcore_barrier()
        _dump(p)
        return ()
    lax.fori_loop(0, 6, _phase, ())

    plsc.subcore_barrier()
    _zero_acc()
    plsc.subcore_barrier()

    def _zmsg(e, _):
        for j in range(HW // 16):
            msgb[0, e, pl.ds(j * 16, 16)] = zero16
            msgb[1, e, pl.ds(j * 16, 16)] = zero16
        return ()
    lax.fori_loop(0, PB, _zmsg, ())

    lane0 = iota16 == 0
    lane1 = iota16 == 1
    lane2 = iota16 == 2

    def _issue_w3(g, j):
        for kc in range(3):
            pltpu.async_copy(wcat.at[kc, wid, g], wb.at[j, pl.ds(kc * PB, PB)],
                             gsems[j])

    def _wait_w3(j):
        for kc in range(3):
            pltpu.make_async_copy(wcat.at[0, 0, 0], wb.at[j, pl.ds(kc * PB, PB)],
                                  gsems[j]).wait()

    def _dcompute(j):
        def _dgrp(gx, _):
            base = gx * 16
            wdx16 = wb[j, pl.ds(gx * 16, 16)]
            wdy16 = wb[j, pl.ds(PB + gx * 16, 16)]
            wlap16 = wb[j, pl.ds(2 * PB + gx * 16, 16)]

            def _de(t, _):
                e = base + t
                v = jnp.where(lane0, _bcast(wdx16, t), zero16)
                v = jnp.where(lane1, _bcast(wdy16, t), v)
                v = jnp.where(lane2, _bcast(wlap16, t), v)
                msgb[j, e, pl.ds(0, 16)] = v
                return ()
            lax.fori_loop(0, 16, _de, (), unroll=4)
            return ()
        lax.fori_loop(0, PB // 16, _dgrp, ())

    _issue_w3(0, 0)

    def _dquad(q, _):
        g0 = q * 2
        g1 = g0 + 1
        _wait_w3(0)

        @pl.when(g0 >= 1)
        def _():
            _wait_scatter(1)
        _issue_w3(g1, 1)
        _dcompute(0)
        _issue_scatter(g0, 0)

        _wait_w3(1)
        _wait_scatter(0)

        @pl.when(g1 + 1 < NBK)
        def _():
            _issue_w3(g1 + 1, 0)
        _dcompute(1)
        _issue_scatter(g1, 1)
        return ()
    lax.fori_loop(0, NBK // 2, _dquad, ())

    _wait_scatter(1)
    plsc.subcore_barrier()
    _dump(6)


_agg = functools.partial(
    pl.kernel,
    out_type=[
        jax.ShapeDtypeStruct((NPH * NC, NP, HW), jnp.float32),
    ],
    mesh=plsc.VectorSubcoreMesh(core_axis_name="c", subcore_axis_name="s",
                                num_cores=NC, num_subcores=NS),
    scratch_types=[
        pltpu.VMEM((NBK, PB), jnp.int32),
        pltpu.VMEM((NBK, PB), jnp.int32),
        pltpu.VMEM((2, 3 * PB), jnp.float32),
        pltpu.VMEM((2, PB, HW), jnp.float32),
        pltpu.VMEM_SHARED((NP, HW), jnp.float32),
        pltpu.SemaphoreType.DMA,
        pltpu.SemaphoreType.DMA,
        pltpu.SemaphoreType.DMA,
        pltpu.SemaphoreType.DMA,
    ],
)(_agg_body)


BLK = 128


def _mlp_body(hc_ref, x_ref, acc_ref,
              W1_ref, b1_ref, g1_ref, bt1_ref,
              W2_ref, b2_ref, g2_ref, bt2_ref,
              W3_ref, b3_ref, o_ref):
    h = hc_ref[0, 0]
    xb = x_ref[...]
    acct = acc_ref[...]
    degc = acct[12] + acct[13]

    inv_sqrt2 = 0.7071067811865476

    def gelu(v):
        return 0.5 * v * (1.0 + lax.erf(v * inv_sqrt2))

    def ln(v, g, b):
        mu = jnp.mean(v, axis=-1, keepdims=True)
        var = jnp.mean((v - mu) ** 2, axis=-1, keepdims=True)
        return (v - mu) * lax.rsqrt(var + 1e-5) * g + b

    hs = [h, h, h * h]
    z = xb @ W1_ref[0:C]
    for kc in range(3):
        Y = jnp.concatenate(
            [acct[2 * kc] + acct[2 * kc + 1],
             acct[6 + 2 * kc] + acct[6 + 2 * kc + 1]], axis=1)
        deg = degc[:, kc:kc + 1]
        feat = (Y - deg * xb) * hs[kc]
        z = z + feat @ W1_ref[(kc + 1) * C:(kc + 2) * C]
    z = z + b1_ref[...]
    z = gelu(ln(z, g1_ref[...], bt1_ref[...]))
    z = z @ W2_ref[...] + b2_ref[...]
    z = gelu(ln(z, g2_ref[...], bt2_ref[...]))
    o_ref[...] = z @ W3_ref[...] + b3_ref[...] + xb


def kernel(x, edge_index, coeff_dx, coeff_dy, coeff_lap, h_char,
           W1, b1, g1, bt1, W2, b2, g2, bt2, W3, b3):
    src = edge_index[0]
    dst = edge_index[1]
    pad = EPAD - E
    srcp = jnp.concatenate([src, jnp.zeros((pad,), jnp.int32)]).reshape(NW, NBK, PB)
    dstp = jnp.concatenate([dst, jnp.zeros((pad,), jnp.int32)]).reshape(NW, NBK, PB)
    zpadf = jnp.zeros((pad,), jnp.float32)
    wcat = jnp.stack([
        jnp.concatenate([coeff_dx.reshape(E), zpadf]).reshape(NW, NBK, PB),
        jnp.concatenate([coeff_dy.reshape(E), zpadf]).reshape(NW, NBK, PB),
        jnp.concatenate([coeff_lap.reshape(E), zpadf]).reshape(NW, NBK, PB),
    ])

    xh = jnp.stack([x[:, :HW], x[:, HW:]])
    zeros = jnp.zeros((RPS, HW), jnp.float32)

    (outacc,) = _agg(xh, srcp, dstp, wcat, zeros)

    xp = jnp.pad(x, ((0, NP - N), (0, 0)))
    hc = h_char.reshape(1, 1)

    grid = (NP // BLK,)
    out = pl.pallas_call(
        _mlp_body,
        grid=grid,
        in_specs=[
            pl.BlockSpec(memory_space=pltpu.SMEM),
            pl.BlockSpec((BLK, C), lambda i: (i, 0)),
            pl.BlockSpec((NPH * NC, BLK, HW), lambda i: (0, i, 0)),
            pl.BlockSpec((4 * C, HIDDEN), lambda i: (0, 0)),
            pl.BlockSpec((1, HIDDEN), lambda i: (0, 0)),
            pl.BlockSpec((1, HIDDEN), lambda i: (0, 0)),
            pl.BlockSpec((1, HIDDEN), lambda i: (0, 0)),
            pl.BlockSpec((HIDDEN, C), lambda i: (0, 0)),
            pl.BlockSpec((1, C), lambda i: (0, 0)),
            pl.BlockSpec((1, C), lambda i: (0, 0)),
            pl.BlockSpec((1, C), lambda i: (0, 0)),
            pl.BlockSpec((C, C), lambda i: (0, 0)),
            pl.BlockSpec((1, C), lambda i: (0, 0)),
        ],
        out_specs=pl.BlockSpec((BLK, C), lambda i: (i, 0)),
        out_shape=jax.ShapeDtypeStruct((NP, C), jnp.float32),
    )(hc, xp, outacc,
      W1, b1.reshape(1, HIDDEN), g1.reshape(1, HIDDEN), bt1.reshape(1, HIDDEN),
      W2, b2.reshape(1, C), g2.reshape(1, C), bt2.reshape(1, C),
      W3, b3.reshape(1, C))
    return out[:N]

# --- scband reference (transcript-rebuilt; emitter-appended) ---
"""Pipeline reference for scband-ggrn-layer-50276887167076 (READ-ONLY COPY).

The authoritative reference and input builder live on the scoring server;
editing this copy changes nothing except your own understanding.
"""

import jax, jax.numpy as jnp
import numpy as np

N = 10000
E = 160000
C = 256
COMBINED = C * 4
HIDDEN = C * 2


def layer_norm(v, g, b, eps=1e-5):
    mu = jnp.mean(v, axis=-1, keepdims=True)
    var = jnp.mean((v - mu) ** 2, axis=-1, keepdims=True)
    return (v - mu) / jnp.sqrt(var + eps) * g + b


def setup_inputs(seed: int = 0) -> dict:
    key = jax.random.key(seed)
    ks = jax.random.split(key, 16)
    x = jax.random.normal(ks[0], (N, C), dtype=jnp.float32)
    edge_index = jax.random.randint(ks[1], (2, E), 0, N, dtype=jnp.int32)
    coeff_dx = jax.random.normal(ks[2], (E, 1), dtype=jnp.float32)
    coeff_dy = jax.random.normal(ks[3], (E, 1), dtype=jnp.float32)
    coeff_lap = jax.random.normal(ks[4], (E, 1), dtype=jnp.float32)
    h_char = jax.random.uniform(ks[5], (1,), dtype=jnp.float32, minval=0.5, maxval=1.5)
    W1 = jax.random.normal(ks[6], (COMBINED, HIDDEN), dtype=jnp.float32) * 0.02
    b1 = jnp.zeros((HIDDEN,), dtype=jnp.float32)
    g1 = jnp.ones((HIDDEN,), dtype=jnp.float32)
    bt1 = jnp.zeros((HIDDEN,), dtype=jnp.float32)
    W2 = jax.random.normal(ks[7], (HIDDEN, C), dtype=jnp.float32) * 0.02
    b2 = jnp.zeros((C,), dtype=jnp.float32)
    g2 = jnp.ones((C,), dtype=jnp.float32)
    bt2 = jnp.zeros((C,), dtype=jnp.float32)
    W3 = jax.random.normal(ks[8], (C, C), dtype=jnp.float32) * 0.02
    b3 = jnp.zeros((C,), dtype=jnp.float32)
    return {"x": x, "edge_index": edge_index, "coeff_dx": coeff_dx, "coeff_dy": coeff_dy,
            "coeff_lap": coeff_lap, "h_char": h_char, "W1": W1, "b1": b1, "g1": g1, "bt1": bt1,
            "W2": W2, "b2": b2, "g2": g2, "bt2": bt2, "W3": W3, "b3": b3}


def reference(x, edge_index, coeff_dx, coeff_dy, coeff_lap, h_char,
              W1, b1, g1, bt1, W2, b2, g2, bt2, W3, b3):
    src = edge_index[0]
    dst = edge_index[1]

    def aggregate(w):
        # message: w_ij * (x_j - x_i), scatter-add to target node i (dst)
        msg = w * (x[src] - x[dst])
        return jnp.zeros_like(x).at[dst].add(msg)

    feat_dx = aggregate(coeff_dx) * h_char
    feat_dy = aggregate(coeff_dy) * h_char
    feat_lap = aggregate(coeff_lap) * (h_char ** 2)
    combined = jnp.concatenate([x, feat_dx, feat_dy, feat_lap], axis=1)
    h = combined @ W1 + b1
    h = layer_norm(h, g1, bt1)
    h = jax.nn.gelu(h, approximate=False)
    h = h @ W2 + b2
    h = layer_norm(h, g2, bt2)
    h = jax.nn.gelu(h, approximate=False)
    out = h @ W3 + b3
    # residual (in_channels == out_channels)
    return out + x

if __name__ == "__main__":
    import jax
    _d = setup_inputs()
    print(jax.jit(kernel)(*tuple(_d.values())))

</pallas_src>

<mosaic_0001>
#map = affine_map<(d0, d1) -> (0, 0, 0)>
#map1 = affine_map<(d0, d1) -> (0, 0, 0, 0)>
#map2 = affine_map<(d0, d1) -> (0, 0)>
module attributes {stable_mosaic.version = 14 : i64} {
  func.func @_agg_body(%arg0: i32, %arg1: i32, %arg2: memref<2x10000x128xf32, #tpu.memory_space<hbm>>, %arg3: memref<32x40x128xi32, #tpu.memory_space<hbm>>, %arg4: memref<32x40x128xi32, #tpu.memory_space<hbm>>, %arg5: memref<3x32x40x128xf32, #tpu.memory_space<hbm>>, %arg6: memref<640x128xf32, #tpu.memory_space<hbm>>, %arg7: memref<14x10240x128xf32, #tpu.memory_space<hbm>>, %arg8: memref<40x128xi32, #tpu.memory_space<vmem>>, %arg9: memref<40x128xi32, #tpu.memory_space<vmem>>, %arg10: memref<2x384xf32, #tpu.memory_space<vmem>>, %arg11: memref<2x128x128xf32, #tpu.memory_space<vmem>>, %arg12: memref<10240x128xf32, #tpu.memory_space<vmem_shared>>, %arg13: memref<!tpu.dma_semaphore, #tpu.memory_space<semaphore_mem>>, %arg14: memref<!tpu.dma_semaphore, #tpu.memory_space<semaphore_mem>>, %arg15: memref<!tpu.dma_semaphore, #tpu.memory_space<semaphore_mem>>, %arg16: memref<!tpu.dma_semaphore, #tpu.memory_space<semaphore_mem>>) attributes {dimension_semantics = [#tpu.dimension_semantics<core_parallel>, #tpu.dimension_semantics<subcore_parallel>], iteration_bounds = array<i64: 2, 16>, scalar_prefetch = 0 : i64, scratch_operands = 9 : i64, tpu.core_type = #tpu.core_type<sc_vector_subcore>, window_params = [{transform_indices = #map}, {transform_indices = #map}, {transform_indices = #map}, {transform_indices = #map1}, {transform_indices = #map2}, {transform_indices = #map}]} {
    %mul3A = arith.constant 16 : i32
    %mul3A_0 = arith.muli %arg0, %mul3A : i32
    %add3A = arith.addi %mul3A_0, %arg1 : i32
    "tpu.region"() ({
      %run_scoped3A = tpu.sem_alloc : memref<!tpu.dma_semaphore, #tpu.memory_space<semaphore_mem>>
      %dma_start3A_137 = arith.constant 0 : i32
      %dma_start3A_138 = arith.constant 0 : i32
      %dma_start3A_139 = tpu.memref_slice %arg3[%add3A, %dma_start3A_137, %dma_start3A_138] : memref<32x40x128xi32, #tpu.memory_space<hbm>> -> memref<1x40x128xi32, #tpu.memory_space<hbm>>
      %dma_start3A_140 = tpu.memref_squeeze %dma_start3A_139 : memref<1x40x128xi32, #tpu.memory_space<hbm>> -> memref<40x128xi32, #tpu.memory_space<hbm>>
      %dma_start3A_141 = arith.constant 0 : i32
      %dma_start3A_142 = arith.constant 0 : i32
      %dma_start3A_143 = tpu.memref_slice %arg3[%add3A, %dma_start3A_141, %dma_start3A_142] : memref<32x40x128xi32, #tpu.memory_space<hbm>> -> memref<1x40x128xi32, #tpu.memory_space<hbm>>
      %dma_start3A_144 = tpu.memref_squeeze %dma_start3A_143 : memref<1x40x128xi32, #tpu.memory_space<hbm>> -> memref<40x128xi32, #tpu.memory_space<hbm>>
      tpu.enqueue_dma source(%dma_start3A_144 : memref<40x128xi32, #tpu.memory_space<hbm>>) target(%arg8 : memref<40x128xi32, #tpu.memory_space<vmem>>) target_semaphore(%run_scoped3A : memref<!tpu.dma_semaphore, #tpu.memory_space<semaphore_mem>>)
      %dma_wait3A_145 = arith.constant 0 : i32
      %dma_wait3A_146 = arith.constant 0 : i32
      %dma_wait3A_147 = tpu.memref_slice %arg3[%add3A, %dma_wait3A_145, %dma_wait3A_146] : memref<32x40x128xi32, #tpu.memory_space<hbm>> -> memref<1x40x128xi32, #tpu.memory_space<hbm>>
      %dma_wait3A_148 = tpu.memref_squeeze %dma_wait3A_147 : memref<1x40x128xi32, #tpu.memory_space<hbm>> -> memref<40x128xi32, #tpu.memory_space<hbm>>
      %dma_wait3A_149 = arith.constant 0 : i32
      %dma_wait3A_150 = arith.constant 0 : i32
      %dma_wait3A_151 = tpu.memref_slice %arg3[%add3A, %dma_wait3A_149, %dma_wait3A_150] : memref<32x40x128xi32, #tpu.memory_space<hbm>> -> memref<1x40x128xi32, #tpu.memory_space<hbm>>
      %dma_wait3A_152 = tpu.memref_squeeze %dma_wait3A_151 : memref<1x40x128xi32, #tpu.memory_space<hbm>> -> memref<40x128xi32, #tpu.memory_space<hbm>>
      tpu.wait_dma2 semaphore(%run_scoped3A : memref<!tpu.dma_semaphore, #tpu.memory_space<semaphore_mem>>) src(%dma_wait3A_152 : memref<40x128xi32, #tpu.memory_space<hbm>>) dst(%arg8 : memref<40x128xi32, #tpu.memory_space<vmem>>)
      tpu.yield
    }) : () -> ()
    "tpu.region"() ({
      %run_scoped3A = tpu.sem_alloc : memref<!tpu.dma_semaphore, #tpu.memory_space<semaphore_mem>>
      %dma_start3A_137 = arith.constant 0 : i32
      %dma_start3A_138 = arith.constant 0 : i32
      %dma_start3A_139 = tpu.memref_slice %arg4[%add3A, %dma_start3A_137, %dma_start3A_138] : memref<32x40x128xi32, #tpu.memory_space<hbm>> -> memref<1x40x128xi32, #tpu.memory_space<hbm>>
      %dma_start3A_140 = tpu.memref_squeeze %dma_start3A_139 : memref<1x40x128xi32, #tpu.memory_space<hbm>> -> memref<40x128xi32, #tpu.memory_space<hbm>>
      %dma_start3A_141 = arith.constant 0 : i32
      %dma_start3A_142 = arith.constant 0 : i32
      %dma_start3A_143 = tpu.memref_slice %arg4[%add3A, %dma_start3A_141, %dma_start3A_142] : memref<32x40x128xi32, #tpu.memory_space<hbm>> -> memref<1x40x128xi32, #tpu.memory_space<hbm>>
      %dma_start3A_144 = tpu.memref_squeeze %dma_start3A_143 : memref<1x40x128xi32, #tpu.memory_space<hbm>> -> memref<40x128xi32, #tpu.memory_space<hbm>>
      tpu.enqueue_dma source(%dma_start3A_144 : memref<40x128xi32, #tpu.memory_space<hbm>>) target(%arg9 : memref<40x128xi32, #tpu.memory_space<vmem>>) target_semaphore(%run_scoped3A : memref<!tpu.dma_semaphore, #tpu.memory_space<semaphore_mem>>)
      %dma_wait3A_145 = arith.constant 0 : i32
      %dma_wait3A_146 = arith.constant 0 : i32
      %dma_wait3A_147 = tpu.memref_slice %arg4[%add3A, %dma_wait3A_145, %dma_wait3A_146] : memref<32x40x128xi32, #tpu.memory_space<hbm>> -> memref<1x40x128xi32, #tpu.memory_space<hbm>>
      %dma_wait3A_148 = tpu.memref_squeeze %dma_wait3A_147 : memref<1x40x128xi32, #tpu.memory_space<hbm>> -> memref<40x128xi32, #tpu.memory_space<hbm>>
      %dma_wait3A_149 = arith.constant 0 : i32
      %dma_wait3A_150 = arith.constant 0 : i32
      %dma_wait3A_151 = tpu.memref_slice %arg4[%add3A, %dma_wait3A_149, %dma_wait3A_150] : memref<32x40x128xi32, #tpu.memory_space<hbm>> -> memref<1x40x128xi32, #tpu.memory_space<hbm>>
      %dma_wait3A_152 = tpu.memref_squeeze %dma_wait3A_151 : memref<1x40x128xi32, #tpu.memory_space<hbm>> -> memref<40x128xi32, #tpu.memory_space<hbm>>
      tpu.wait_dma2 semaphore(%run_scoped3A : memref<!tpu.dma_semaphore, #tpu.memory_space<semaphore_mem>>) src(%dma_wait3A_152 : memref<40x128xi32, #tpu.memory_space<hbm>>) dst(%arg9 : memref<40x128xi32, #tpu.memory_space<vmem>>)
      tpu.yield
    }) : () -> ()
    %broadcast_in_dim3A = arith.constant 0.000000e+00 : f32
    %broadcast_in_dim3A_1 = vector.broadcast %broadcast_in_dim3A : f32 to vector<16xf32>
    %iota3A = tpu.iota {dimensions = array<i32: 0>} : vector<16xi32>
    %mul3A_2 = arith.constant 640 : i32
    %mul3A_3 = arith.muli %arg1, %mul3A_2 : i32
    %dma_start3A = arith.constant 0 : i32
    %dma_start3A_4 = arith.constant 0 : i32
    %dma_start3A_5 = arith.constant 0 : i32
    %dma_start3A_6 = arith.constant 0 : i32
    %dma_start3A_7 = arith.constant 0 : i32
    %dma_start3A_8 = tpu.memref_slice %arg11[%dma_start3A_5, %dma_start3A_6, %dma_start3A_7] : memref<2x128x128xf32, #tpu.memory_space<vmem>> -> memref<1x64x128xf32, #tpu.memory_space<vmem>>
    %dma_start3A_9 = tpu.memref_squeeze %dma_start3A_8 : memref<1x64x128xf32, #tpu.memory_space<vmem>> -> memref<64x128xf32, #tpu.memory_space<vmem>>
    %dma_start3A_10 = arith.constant 0 : i32
    %dma_start3A_11 = tpu.memref_slice %arg8[%dma_start3A_4, %dma_start3A_10] : memref<40x128xi32, #tpu.memory_space<vmem>> -> memref<1x64xi32, #tpu.memory_space<vmem>>
    %dma_start3A_12 = tpu.memref_squeeze %dma_start3A_11 : memref<1x64xi32, #tpu.memory_space<vmem>> -> memref<64xi32, #tpu.memory_space<vmem>>
    %dma_start3A_13 = arith.constant 0 : i32
    %dma_start3A_14 = arith.constant 0 : i32
    %dma_start3A_15 = tpu.memref_slice %arg2[%dma_start3A, %dma_start3A_13, %dma_start3A_14] : memref<2x10000x128xf32, #tpu.memory_space<hbm>> -> memref<1x10000x128xf32, #tpu.memory_space<hbm>>
    %dma_start3A_16 = tpu.memref_squeeze %dma_start3A_15 : memref<1x10000x128xf32, #tpu.memory_space<hbm>> -> memref<10000x128xf32, #tpu.memory_space<hbm>>
    %dma_start3A_17 = arith.constant 0 : i32
    %dma_start3A_18 = arith.constant 0 : i32
    %dma_start3A_19 = tpu.memref_slice %dma_start3A_16[%dma_start3A_17, %dma_start3A_18] : memref<10000x128xf32, #tpu.memory_space<hbm>> -> memref<10000x128xf32, #tpu.memory_space<hbm>>
    tpu.enqueue_indirect_dma source(%dma_start3A_19 : memref<10000x128xf32, #tpu.memory_space<hbm>>) target(%dma_start3A_9 : memref<64x128xf32, #tpu.memory_space<vmem>>) offsets(%dma_start3A_12 : memref<64xi32, #tpu.memory_space<vmem>>) semaphore(%arg13 : memref<!tpu.dma_semaphore, #tpu.memory_space<semaphore_mem>>)
    %dma_start3A_20 = arith.constant 0 : i32
    %dma_start3A_21 = arith.constant 0 : i32
    %dma_start3A_22 = arith.constant 0 : i32
    %dma_start3A_23 = arith.constant 64 : i32
    %dma_start3A_24 = arith.constant 0 : i32
    %dma_start3A_25 = tpu.memref_slice %arg11[%dma_start3A_22, %dma_start3A_23, %dma_start3A_24] : memref<2x128x128xf32, #tpu.memory_space<vmem>> -> memref<1x64x128xf32, #tpu.memory_space<vmem>>
    %dma_start3A_26 = tpu.memref_squeeze %dma_start3A_25 : memref<1x64x128xf32, #tpu.memory_space<vmem>> -> memref<64x128xf32, #tpu.memory_space<vmem>>
    %dma_start3A_27 = arith.constant 64 : i32
    %dma_start3A_28 = tpu.memref_slice %arg8[%dma_start3A_21, %dma_start3A_27] : memref<40x128xi32, #tpu.memory_space<vmem>> -> memref<1x64xi32, #tpu.memory_space<vmem>>
    %dma_start3A_29 = tpu.memref_squeeze %dma_start3A_28 : memref<1x64xi32, #tpu.memory_space<vmem>> -> memref<64xi32, #tpu.memory_space<vmem>>
    %dma_start3A_30 = arith.constant 0 : i32
    %dma_start3A_31 = arith.constant 0 : i32
    %dma_start3A_32 = tpu.memref_slice %arg2[%dma_start3A_20, %dma_start3A_30, %dma_start3A_31] : memref<2x10000x128xf32, #tpu.memory_space<hbm>> -> memref<1x10000x128xf32, #tpu.memory_space<hbm>>
    %dma_start3A_33 = tpu.memref_squeeze %dma_start3A_32 : memref<1x10000x128xf32, #tpu.memory_space<hbm>> -> memref<10000x128xf32, #tpu.memory_space<hbm>>
    %dma_start3A_34 = arith.constant 0 : i32
    %dma_start3A_35 = arith.constant 0 : i32
    %dma_start3A_36 = tpu.memref_slice %dma_start3A_33[%dma_start3A_34, %dma_start3A_35] : memref<10000x128xf32, #tpu.memory_space<hbm>> -> memref<10000x128xf32, #tpu.memory_space<hbm>>
    tpu.enqueue_indirect_dma source(%dma_start3A_36 : memref<10000x128xf32, #tpu.memory_space<hbm>>) target(%dma_start3A_26 : memref<64x128xf32, #tpu.memory_space<vmem>>) offsets(%dma_start3A_29 : memref<64xi32, #tpu.memory_space<vmem>>) semaphore(%arg13 : memref<!tpu.dma_semaphore, #tpu.memory_space<semaphore_mem>>)
    %dma_start3A_37 = arith.constant 0 : i32
    %dma_start3A_38 = arith.constant 0 : i32
    %dma_start3A_39 = arith.constant 0 : i32
    %dma_start3A_40 = arith.constant 0 : i32
    %dma_start3A_41 = tpu.memref_slice %arg10[%dma_start3A_39, %dma_start3A_40] : memref<2x384xf32, #tpu.memory_space<vmem>> -> memref<1x128xf32, #tpu.memory_space<vmem>>
    %dma_start3A_42 = tpu.memref_squeeze %dma_start3A_41 : memref<1x128xf32, #tpu.memory_space<vmem>> -> memref<128xf32, #tpu.memory_space<vmem>>
    %dma_start3A_43 = arith.constant 0 : i32
    %dma_start3A_44 = tpu.memref_slice %arg5[%dma_start3A_37, %add3A, %dma_start3A_38, %dma_start3A_43] : memref<3x32x40x128xf32, #tpu.memory_space<hbm>> -> memref<1x1x1x128xf32, #tpu.memory_space<hbm>>
    %dma_start3A_45 = tpu.memref_squeeze %dma_start3A_44 : memref<1x1x1x128xf32, #tpu.memory_space<hbm>> -> memref<128xf32, #tpu.memory_space<hbm>>
    %dma_start3A_46 = arith.constant 0 : i32
    %dma_start3A_47 = tpu.memref_slice %arg10[%dma_start3A_39, %dma_start3A_46] : memref<2x384xf32, #tpu.memory_space<vmem>> -> memref<1x128xf32, #tpu.memory_space<vmem>>
    %dma_start3A_48 = tpu.memref_squeeze %dma_start3A_47 : memref<1x128xf32, #tpu.memory_space<vmem>> -> memref<128xf32, #tpu.memory_space<vmem>>
    %dma_start3A_49 = arith.constant 0 : i32
    %dma_start3A_50 = tpu.memref_slice %arg5[%dma_start3A_37, %add3A, %dma_start3A_38, %dma_start3A_49] : memref<3x32x40x128xf32, #tpu.memory_space<hbm>> -> memref<1x1x1x128xf32, #tpu.memory_space<hbm>>
    %dma_start3A_51 = tpu.memref_squeeze %dma_start3A_50 : memref<1x1x1x128xf32, #tpu.memory_space<hbm>> -> memref<128xf32, #tpu.memory_space<hbm>>
    tpu.enqueue_dma source(%dma_start3A_51 : memref<128xf32, #tpu.memory_space<hbm>>) target(%dma_start3A_48 : memref<128xf32, #tpu.memory_space<vmem>>) target_semaphore(%arg13 : memref<!tpu.dma_semaphore, #tpu.memory_space<semaphore_mem>>)
    %scan3A = arith.constant 0 : i32
    %scan3A_52 = arith.constant 6 : i32
    %scan3A_53 = arith.addi %scan3A, %scan3A_52 : i32
    %scan3A_54 = arith.constant 1 : i32
    scf.for %scan3A_137 = %scan3A to %scan3A_53 step %scan3A_54  : i32 {
      %barrier3A_138 = arith.constant 0 : index
      tpu.barrier barrier_id(%barrier3A_138)
      "tpu.region"() ({
        %run_scoped3A = tpu.sem_alloc : memref<!tpu.dma_semaphore, #tpu.memory_space<semaphore_mem>>
        %dma_start3A_168 = arith.constant 0 : i32
        %dma_start3A_169 = tpu.memref_slice %arg12[%mul3A_3, %dma_start3A_168] : memref<10240x128xf32, #tpu.memory_space<vmem_shared>> -> memref<640x128xf32, #tpu.memory_space<vmem_shared>>
        tpu.enqueue_dma source(%arg6 : memref<640x128xf32, #tpu.memory_space<hbm>>) target(%dma_start3A_169 : memref<640x128xf32, #tpu.memory_space<vmem_shared>>) target_semaphore(%run_scoped3A : memref<!tpu.dma_semaphore, #tpu.memory_space<semaphore_mem>>)
        %dma_wait3A_170 = arith.constant 0 : i32
        %dma_wait3A_171 = tpu.memref_slice %arg12[%mul3A_3, %dma_wait3A_170] : memref<10240x128xf32, #tpu.memory_space<vmem_shared>> -> memref<640x128xf32, #tpu.memory_space<vmem_shared>>
        tpu.wait_dma2 semaphore(%run_scoped3A : memref<!tpu.dma_semaphore, #tpu.memory_space<semaphore_mem>>) src(%arg6 : memref<640x128xf32, #tpu.memory_space<hbm>>) dst(%dma_wait3A_171 : memref<640x128xf32, #tpu.memory_space<vmem_shared>>)
        tpu.yield
      }) : () -> ()
      %barrier3A_139 = arith.constant 0 : index
      tpu.barrier barrier_id(%barrier3A_139)
      %scan3A_140 = arith.constant 0 : i32
      %scan3A_141 = arith.constant 20 : i32
      %scan3A_142 = arith.addi %scan3A_140, %scan3A_141 : i32
      %scan3A_143 = arith.constant 1 : i32
      scf.for %scan3A_168 = %scan3A_140 to %scan3A_142 step %scan3A_143  : i32 {
        %mul3A_169 = arith.constant 2 : i32
        %mul3A_170 = arith.muli %scan3A_168, %mul3A_169 : i32
        %add3A_171 = arith.constant 1 : i32
        %add3A_172 = arith.addi %mul3A_170, %add3A_171 : i32
        %dma_wait3A_173 = arith.constant 0 : i32
        %dma_wait3A_174 = arith.constant 0 : i32
        %dma_wait3A_175 = arith.constant 0 : i32
        %dma_wait3A_176 = arith.constant 0 : i32
        %dma_wait3A_177 = arith.constant 0 : i32
        %dma_wait3A_178 = tpu.memref_slice %arg11[%dma_wait3A_175, %dma_wait3A_176, %dma_wait3A_177] : memref<2x128x128xf32, #tpu.memory_space<vmem>> -> memref<1x64x128xf32, #tpu.memory_space<vmem>>
        %dma_wait3A_179 = tpu.memref_squeeze %dma_wait3A_178 : memref<1x64x128xf32, #tpu.memory_space<vmem>> -> memref<64x128xf32, #tpu.memory_space<vmem>>
        %dma_wait3A_180 = arith.constant 0 : i32
        %dma_wait3A_181 = tpu.memref_slice %arg8[%dma_wait3A_174, %dma_wait3A_180] : memref<40x128xi32, #tpu.memory_space<vmem>> -> memref<1x64xi32, #tpu.memory_space<vmem>>
        %dma_wait3A_182 = tpu.memref_squeeze %dma_wait3A_181 : memref<1x64xi32, #tpu.memory_space<vmem>> -> memref<64xi32, #tpu.memory_space<vmem>>
        %dma_wait3A_183 = arith.constant 0 : i32
        %dma_wait3A_184 = arith.constant 0 : i32
        %dma_wait3A_185 = tpu.memref_slice %arg2[%dma_wait3A_173, %dma_wait3A_183, %dma_wait3A_184] : memref<2x10000x128xf32, #tpu.memory_space<hbm>> -> memref<1x10000x128xf32, #tpu.memory_space<hbm>>
        %dma_wait3A_186 = tpu.memref_squeeze %dma_wait3A_185 : memref<1x10000x128xf32, #tpu.memory_space<hbm>> -> memref<10000x128xf32, #tpu.memory_space<hbm>>
        %dma_wait3A_187 = arith.constant 0 : i32
        %dma_wait3A_188 = arith.constant 0 : i32
        %dma_wait3A_189 = tpu.memref_slice %dma_wait3A_186[%dma_wait3A_187, %dma_wait3A_188] : memref<10000x128xf32, #tpu.memory_space<hbm>> -> memref<10000x128xf32, #tpu.memory_space<hbm>>
        tpu.wait_indirect_dma semaphore(%arg13 : memref<!tpu.dma_semaphore, #tpu.memory_space<semaphore_mem>>) src(%dma_wait3A_189 : memref<10000x128xf32, #tpu.memory_space<hbm>>) dst(%dma_wait3A_179 : memref<64x128xf32, #tpu.memory_space<vmem>>)
        %dma_wait3A_190 = arith.constant 0 : i32
        %dma_wait3A_191 = arith.constant 0 : i32
        %dma_wait3A_192 = arith.constant 0 : i32
        %dma_wait3A_193 = arith.constant 64 : i32
        %dma_wait3A_194 = arith.constant 0 : i32
        %dma_wait3A_195 = tpu.memref_slice %arg11[%dma_wait3A_192, %dma_wait3A_193, %dma_wait3A_194] : memref<2x128x128xf32, #tpu.memory_space<vmem>> -> memref<1x64x128xf32, #tpu.memory_space<vmem>>
        %dma_wait3A_196 = tpu.memref_squeeze %dma_wait3A_195 : memref<1x64x128xf32, #tpu.memory_space<vmem>> -> memref<64x128xf32, #tpu.memory_space<vmem>>
        %dma_wait3A_197 = arith.constant 0 : i32
        %dma_wait3A_198 = tpu.memref_slice %arg8[%dma_wait3A_191, %dma_wait3A_197] : memref<40x128xi32, #tpu.memory_space<vmem>> -> memref<1x64xi32, #tpu.memory_space<vmem>>
        %dma_wait3A_199 = tpu.memref_squeeze %dma_wait3A_198 : memref<1x64xi32, #tpu.memory_space<vmem>> -> memref<64xi32, #tpu.memory_space<vmem>>
        %dma_wait3A_200 = arith.constant 0 : i32
        %dma_wait3A_201 = arith.constant 0 : i32
        %dma_wait3A_202 = tpu.memref_slice %arg2[%dma_wait3A_190, %dma_wait3A_200, %dma_wait3A_201] : memref<2x10000x128xf32, #tpu.memory_space<hbm>> -> memref<1x10000x128xf32, #tpu.memory_space<hbm>>
        %dma_wait3A_203 = tpu.memref_squeeze %dma_wait3A_202 : memref<1x10000x128xf32, #tpu.memory_space<hbm>> -> memref<10000x128xf32, #tpu.memory_space<hbm>>
        %dma_wait3A_204 = arith.constant 0 : i32
        %dma_wait3A_205 = arith.constant 0 : i32
        %dma_wait3A_206 = tpu.memref_slice %dma_wait3A_203[%dma_wait3A_204, %dma_wait3A_205] : memref<10000x128xf32, #tpu.memory_space<hbm>> -> memref<10000x128xf32, #tpu.memory_space<hbm>>
        tpu.wait_indirect_dma semaphore(%arg13 : memref<!tpu.dma_semaphore, #tpu.memory_space<semaphore_mem>>) src(%dma_wait3A_206 : memref<10000x128xf32, #tpu.memory_space<hbm>>) dst(%dma_wait3A_196 : memref<64x128xf32, #tpu.memory_space<vmem>>)
        %dma_wait3A_207 = arith.constant 0 : i32
        %dma_wait3A_208 = arith.constant 0 : i32
        %dma_wait3A_209 = arith.constant 0 : i32
        %dma_wait3A_210 = arith.constant 0 : i32
        %dma_wait3A_211 = arith.constant 0 : i32
        %dma_wait3A_212 = tpu.memref_slice %arg10[%dma_wait3A_210, %dma_wait3A_211] : memref<2x384xf32, #tpu.memory_space<vmem>> -> memref<1x128xf32, #tpu.memory_space<vmem>>
        %dma_wait3A_213 = tpu.memref_squeeze %dma_wait3A_212 : memref<1x128xf32, #tpu.memory_space<vmem>> -> memref<128xf32, #tpu.memory_space<vmem>>
        %dma_wait3A_214 = arith.constant 0 : i32
        %dma_wait3A_215 = tpu.memref_slice %arg5[%dma_wait3A_207, %dma_wait3A_208, %dma_wait3A_209, %dma_wait3A_214] : memref<3x32x40x128xf32, #tpu.memory_space<hbm>> -> memref<1x1x1x128xf32, #tpu.memory_space<hbm>>
        %dma_wait3A_216 = tpu.memref_squeeze %dma_wait3A_215 : memref<1x1x1x128xf32, #tpu.memory_space<hbm>> -> memref<128xf32, #tpu.memory_space<hbm>>
        %dma_wait3A_217 = arith.constant 0 : i32
        %dma_wait3A_218 = tpu.memref_slice %arg10[%dma_wait3A_210, %dma_wait3A_217] : memref<2x384xf32, #tpu.memory_space<vmem>> -> memref<1x128xf32, #tpu.memory_space<vmem>>
        %dma_wait3A_219 = tpu.memref_squeeze %dma_wait3A_218 : memref<1x128xf32, #tpu.memory_space<vmem>> -> memref<128xf32, #tpu.memory_space<vmem>>
        %dma_wait3A_220 = arith.constant 0 : i32
        %dma_wait3A_221 = tpu.memref_slice %arg5[%dma_wait3A_207, %dma_wait3A_208, %dma_wait3A_209, %dma_wait3A_220] : memref<3x32x40x128xf32, #tpu.memory_space<hbm>> -> memref<1x1x1x128xf32, #tpu.memory_space<hbm>>
        %dma_wait3A_222 = tpu.memref_squeeze %dma_wait3A_221 : memref<1x1x1x128xf32, #tpu.memory_space<hbm>> -> memref<128xf32, #tpu.memory_space<hbm>>
        tpu.wait_dma2 semaphore(%arg13 : memref<!tpu.dma_semaphore, #tpu.memory_space<semaphore_mem>>) src(%dma_wait3A_222 : memref<128xf32, #tpu.memory_space<hbm>>) dst(%dma_wait3A_219 : memref<128xf32, #tpu.memory_space<vmem>>)
        %ge3A = arith.constant 1 : i32
        %ge3A_223 = arith.cmpi sge, %mul3A_170, %ge3A : i32
        %convert_element_type3A_224 = arith.extui %ge3A_223 : i1 to i32
        %cond3A_225 = arith.constant 0 : i32
        %cond3A_226 = arith.cmpi ne, %convert_element_type3A_224, %cond3A_225 : i32
        scf.if %cond3A_226 {
          %dma_wait3A_393 = arith.constant 1 : i32
          %dma_wait3A_394 = arith.constant 0 : i32
          %dma_wait3A_395 = arith.constant 0 : i32
          %dma_wait3A_396 = tpu.memref_slice %arg11[%dma_wait3A_393, %dma_wait3A_394, %dma_wait3A_395] : memref<2x128x128xf32, #tpu.memory_space<vmem>> -> memref<1x128x128xf32, #tpu.memory_space<vmem>>
          %dma_wait3A_397 = tpu.memref_squeeze %dma_wait3A_396 : memref<1x128x128xf32, #tpu.memory_space<vmem>> -> memref<128x128xf32, #tpu.memory_space<vmem>>
          %dma_wait3A_398 = arith.constant 0 : i32
          %dma_wait3A_399 = arith.constant 0 : i32
          %dma_wait3A_400 = tpu.memref_slice %arg12[%dma_wait3A_398, %dma_wait3A_399] : memref<10240x128xf32, #tpu.memory_space<vmem_shared>> -> memref<128x128xf32, #tpu.memory_space<vmem_shared>>
          %dma_wait3A_401 = arith.constant 0 : i32
          %dma_wait3A_402 = arith.constant 0 : i32
          %dma_wait3A_403 = tpu.memref_slice %arg12[%dma_wait3A_401, %dma_wait3A_402] : memref<10240x128xf32, #tpu.memory_space<vmem_shared>> -> memref<128x128xf32, #tpu.memory_space<vmem_shared>>
          %dma_wait3A_404 = arith.constant 0 : i32
          %dma_wait3A_405 = arith.constant 0 : i32
          %dma_wait3A_406 = tpu.memref_slice %arg11[%dma_wait3A_393, %dma_wait3A_404, %dma_wait3A_405] : memref<2x128x128xf32, #tpu.memory_space<vmem>> -> memref<1x128x128xf32, #tpu.memory_space<vmem>>
          %dma_wait3A_407 = tpu.memref_squeeze %dma_wait3A_406 : memref<1x128x128xf32, #tpu.memory_space<vmem>> -> memref<128x128xf32, #tpu.memory_space<vmem>>
          tpu.wait_dma2 semaphore(%arg16 : memref<!tpu.dma_semaphore, #tpu.memory_space<semaphore_mem>>) src(%dma_wait3A_407 : memref<128x128xf32, #tpu.memory_space<vmem>>) dst(%dma_wait3A_403 : memref<128x128xf32, #tpu.memory_space<vmem_shared>>)
        } else {
        }
        %jit3A = arith.constant 3 : i32
        %div3A = arith.divsi %scan3A_137, %jit3A : i32
        %sign3A = arith.constant 0 : i32
        %sign3A_227 = arith.cmpi sgt, %scan3A_137, %sign3A : i32
        %sign3A_228 = arith.extui %sign3A_227 : i1 to i32
        %sign3A_229 = arith.constant 0 : i32
        %sign3A_230 = arith.cmpi slt, %scan3A_137, %sign3A_229 : i32
        %sign3A_231 = arith.extui %sign3A_230 : i1 to i32
        %sign3A_232 = arith.subi %sign3A_228, %sign3A_231 : i32
        %sign3A_233 = arith.constant 0 : i32
        %sign3A_234 = arith.cmpi sgt, %jit3A, %sign3A_233 : i32
        %sign3A_235 = arith.extui %sign3A_234 : i1 to i32
        %sign3A_236 = arith.constant 0 : i32
        %sign3A_237 = arith.cmpi slt, %jit3A, %sign3A_236 : i32
        %sign3A_238 = arith.extui %sign3A_237 : i1 to i32
        %sign3A_239 = arith.subi %sign3A_235, %sign3A_238 : i32
        %ne3A = arith.cmpi ne, %sign3A_232, %sign3A_239 : i32
        %rem3A = arith.remsi %scan3A_137, %jit3A : i32
        %ne3A_240 = arith.constant 0 : i32
        %ne3A_241 = arith.cmpi ne, %rem3A, %ne3A_240 : i32
        %and3A = arith.andi %ne3A, %ne3A_241 : i1
        %sub3A = arith.constant 1 : i32
        %sub3A_242 = arith.subi %div3A, %sub3A : i32
        %select_n3A = arith.select %and3A, %sub3A_242, %div3A : i32
        %mul3A_243 = arith.constant 3 : i32
        %mul3A_244 = arith.muli %mul3A_243, %select_n3A : i32
        %sub3A_245 = arith.subi %scan3A_137, %mul3A_244 : i32
        %dma_start3A_246 = arith.constant 1 : i32
        %dma_start3A_247 = arith.constant 0 : i32
        %dma_start3A_248 = arith.constant 0 : i32
        %dma_start3A_249 = tpu.memref_slice %arg11[%dma_start3A_246, %dma_start3A_247, %dma_start3A_248] : memref<2x128x128xf32, #tpu.memory_space<vmem>> -> memref<1x64x128xf32, #tpu.memory_space<vmem>>
        %dma_start3A_250 = tpu.memref_squeeze %dma_start3A_249 : memref<1x64x128xf32, #tpu.memory_space<vmem>> -> memref<64x128xf32, #tpu.memory_space<vmem>>
        %dma_start3A_251 = arith.constant 0 : i32
        %dma_start3A_252 = tpu.memref_slice %arg8[%add3A_172, %dma_start3A_251] : memref<40x128xi32, #tpu.memory_space<vmem>> -> memref<1x64xi32, #tpu.memory_space<vmem>>
        %dma_start3A_253 = tpu.memref_squeeze %dma_start3A_252 : memref<1x64xi32, #tpu.memory_space<vmem>> -> memref<64xi32, #tpu.memory_space<vmem>>
        %dma_start3A_254 = arith.constant 0 : i32
        %dma_start3A_255 = arith.constant 0 : i32
        %dma_start3A_256 = tpu.memref_slice %arg2[%select_n3A, %dma_start3A_254, %dma_start3A_255] : memref<2x10000x128xf32, #tpu.memory_space<hbm>> -> memref<1x10000x128xf32, #tpu.memory_space<hbm>>
        %dma_start3A_257 = tpu.memref_squeeze %dma_start3A_256 : memref<1x10000x128xf32, #tpu.memory_space<hbm>> -> memref<10000x128xf32, #tpu.memory_space<hbm>>
        %dma_start3A_258 = arith.constant 0 : i32
        %dma_start3A_259 = arith.constant 0 : i32
        %dma_start3A_260 = tpu.memref_slice %dma_start3A_257[%dma_start3A_258, %dma_start3A_259] : memref<10000x128xf32, #tpu.memory_space<hbm>> -> memref<10000x128xf32, #tpu.memory_space<hbm>>
        tpu.enqueue_indirect_dma source(%dma_start3A_260 : memref<10000x128xf32, #tpu.memory_space<hbm>>) target(%dma_start3A_250 : memref<64x128xf32, #tpu.memory_space<vmem>>) offsets(%dma_start3A_253 : memref<64xi32, #tpu.memory_space<vmem>>) semaphore(%arg14 : memref<!tpu.dma_semaphore, #tpu.memory_space<semaphore_mem>>)
        %dma_start3A_261 = arith.constant 1 : i32
        %dma_start3A_262 = arith.constant 64 : i32
        %dma_start3A_263 = arith.constant 0 : i32
        %dma_start3A_264 = tpu.memref_slice %arg11[%dma_start3A_261, %dma_start3A_262, %dma_start3A_263] : memref<2x128x128xf32, #tpu.memory_space<vmem>> -> memref<1x64x128xf32, #tpu.memory_space<vmem>>
        %dma_start3A_265 = tpu.memref_squeeze %dma_start3A_264 : memref<1x64x128xf32, #tpu.memory_space<vmem>> -> memref<64x128xf32, #tpu.memory_space<vmem>>
        %dma_start3A_266 = arith.constant 64 : i32
        %dma_start3A_267 = tpu.memref_slice %arg8[%add3A_172, %dma_start3A_266] : memref<40x128xi32, #tpu.memory_space<vmem>> -> memref<1x64xi32, #tpu.memory_space<vmem>>
        %dma_start3A_268 = tpu.memref_squeeze %dma_start3A_267 : memref<1x64xi32, #tpu.memory_space<vmem>> -> memref<64xi32, #tpu.memory_space<vmem>>
        %dma_start3A_269 = arith.constant 0 : i32
        %dma_start3A_270 = arith.constant 0 : i32
        %dma_start3A_271 = tpu.memref_slice %arg2[%select_n3A, %dma_start3A_269, %dma_start3A_270] : memref<2x10000x128xf32, #tpu.memory_space<hbm>> -> memref<1x10000x128xf32, #tpu.memory_space<hbm>>
        %dma_start3A_272 = tpu.memref_squeeze %dma_start3A_271 : memref<1x10000x128xf32, #tpu.memory_space<hbm>> -> memref<10000x128xf32, #tpu.memory_space<hbm>>
        %dma_start3A_273 = arith.constant 0 : i32
        %dma_start3A_274 = arith.constant 0 : i32
        %dma_start3A_275 = tpu.memref_slice %dma_start3A_272[%dma_start3A_273, %dma_start3A_274] : memref<10000x128xf32, #tpu.memory_space<hbm>> -> memref<10000x128xf32, #tpu.memory_space<hbm>>
        tpu.enqueue_indirect_dma source(%dma_start3A_275 : memref<10000x128xf32, #tpu.memory_space<hbm>>) target(%dma_start3A_265 : memref<64x128xf32, #tpu.memory_space<vmem>>) offsets(%dma_start3A_268 : memref<64xi32, #tpu.memory_space<vmem>>) semaphore(%arg14 : memref<!tpu.dma_semaphore, #tpu.memory_space<semaphore_mem>>)
        %dma_start3A_276 = arith.constant 1 : i32
        %dma_start3A_277 = arith.constant 0 : i32
        %dma_start3A_278 = tpu.memref_slice %arg10[%dma_start3A_276, %dma_start3A_277] : memref<2x384xf32, #tpu.memory_space<vmem>> -> memref<1x128xf32, #tpu.memory_space<vmem>>
        %dma_start3A_279 = tpu.memref_squeeze %dma_start3A_278 : memref<1x128xf32, #tpu.memory_space<vmem>> -> memref<128xf32, #tpu.memory_space<vmem>>
        %dma_start3A_280 = arith.constant 0 : i32
        %dma_start3A_281 = tpu.memref_slice %arg5[%sub3A_245, %add3A, %add3A_172, %dma_start3A_280] : memref<3x32x40x128xf32, #tpu.memory_space<hbm>> -> memref<1x1x1x128xf32, #tpu.memory_space<hbm>>
        %dma_start3A_282 = tpu.memref_squeeze %dma_start3A_281 : memref<1x1x1x128xf32, #tpu.memory_space<hbm>> -> memref<128xf32, #tpu.memory_space<hbm>>
        %dma_start3A_283 = arith.constant 0 : i32
        %dma_start3A_284 = tpu.memref_slice %arg10[%dma_start3A_276, %dma_start3A_283] : memref<2x384xf32, #tpu.memory_space<vmem>> -> memref<1x128xf32, #tpu.memory_space<vmem>>
        %dma_start3A_285 = tpu.memref_squeeze %dma_start3A_284 : memref<1x128xf32, #tpu.memory_space<vmem>> -> memref<128xf32, #tpu.memory_space<vmem>>
        %dma_start3A_286 = arith.constant 0 : i32
        %dma_start3A_287 = tpu.memref_slice %arg5[%sub3A_245, %add3A, %add3A_172, %dma_start3A_286] : memref<3x32x40x128xf32, #tpu.memory_space<hbm>> -> memref<1x1x1x128xf32, #tpu.memory_space<hbm>>
        %dma_start3A_288 = tpu.memref_squeeze %dma_start3A_287 : memref<1x1x1x128xf32, #tpu.memory_space<hbm>> -> memref<128xf32, #tpu.memory_space<hbm>>
        tpu.enqueue_dma source(%dma_start3A_288 : memref<128xf32, #tpu.memory_space<hbm>>) target(%dma_start3A_285 : memref<128xf32, #tpu.memory_space<vmem>>) target_semaphore(%arg14 : memref<!tpu.dma_semaphore, #tpu.memory_space<semaphore_mem>>)
        %scan3A_289 = arith.constant 0 : i32
        %scan3A_290 = arith.constant 8 : i32
        %scan3A_291 = arith.addi %scan3A_289, %scan3A_290 : i32
        %scan3A_292 = arith.constant 1 : i32
        scf.for %scan3A_393 = %scan3A_289 to %scan3A_291 step %scan3A_292  : i32 {
          %mul3A_394 = arith.constant 16 : i32
          %mul3A_395 = arith.muli %scan3A_393, %mul3A_394 : i32
          %mul3A_396 = arith.constant 16 : i32
          %mul3A_397 = arith.muli %scan3A_393, %mul3A_396 : i32
          %get3A = arith.constant 0 : i32
          %get3A_398 = arith.index_cast %get3A : i32 to index
          %get3A_399 = arith.index_cast %mul3A_397 : i32 to index
          %get3A_400 = tpu.vector_load %arg10[%get3A_398, %get3A_399] {strides = array<i32>} : memref<2x384xf32, #tpu.memory_space<vmem>>, vector<1x16xf32>,
          %get3A_401 = vector.shape_cast %get3A_400 : vector<1x16xf32> to vector<16xf32>
          %scan3A_402 = arith.constant 0 : i32
          %scan3A_403 = arith.constant 16 : i32
          %scan3A_404 = arith.addi %scan3A_402, %scan3A_403 : i32
          %scan3A_405 = arith.constant 4 : i32
          scf.for %scan3A_407 = %scan3A_402 to %scan3A_404 step %scan3A_405  : i32 {
            %add3A_408 = arith.addi %mul3A_395, %scan3A_407 : i32
            %broadcast_in_dim3A_409 = vector.broadcast %scan3A_407 : i32 to vector<16x1xi32>
            %gather3A = vector.shape_cast %broadcast_in_dim3A_409 : vector<16x1xi32> to vector<16xi32>
            %gather3A_410 = tpu.dynamic_gather %get3A_401[%gather3A] in [0] : vector<16xf32>, vector<16xi32> -> vector<16xf32>
            %get3A_411 = arith.constant 0 : i32
            %get3A_412 = arith.index_cast %get3A_411 : i32 to index
            %get3A_413 = arith.index_cast %add3A_408 : i32 to index
            %get3A_414 = arith.constant 0 : index
            %get3A_415 = tpu.vector_load %arg11[%get3A_412, %get3A_413, %get3A_414] {strides = array<i32>} : memref<2x128x128xf32, #tpu.memory_space<vmem>>, vector<1x1x16xf32>,
            %get3A_416 = vector.shape_cast %get3A_415 : vector<1x1x16xf32> to vector<16xf32>
            %mul3A_417 = arith.mulf %gather3A_410, %get3A_416 : vector<16xf32>
            %swap3A = arith.constant 0 : i32
            %swap3A_418 = arith.index_cast %swap3A : i32 to index
            %swap3A_419 = arith.index_cast %add3A_408 : i32 to index
            %swap3A_420 = arith.constant 0 : index
            %swap3A_421 = tpu.vector_load %arg11[%swap3A_418, %swap3A_419, %swap3A_420] {strides = array<i32>} : memref<2x128x128xf32, #tpu.memory_space<vmem>>, vector<1x1x16xf32>,
            %swap3A_422 = vector.shape_cast %swap3A_421 : vector<1x1x16xf32> to vector<16xf32>
            %swap3A_423 = vector.shape_cast %mul3A_417 : vector<16xf32> to vector<1x1x16xf32>
            tpu.vector_store %arg11[%swap3A_418, %swap3A_419, %swap3A_420], %swap3A_423 {strides = array<i32>} : memref<2x128x128xf32, #tpu.memory_space<vmem>>, vector<1x1x16xf32>,
            %get3A_424 = arith.constant 0 : i32
            %get3A_425 = arith.index_cast %get3A_424 : i32 to index
            %get3A_426 = arith.index_cast %add3A_408 : i32 to index
            %get3A_427 = arith.constant 16 : index
            %get3A_428 = tpu.vector_load %arg11[%get3A_425, %get3A_426, %get3A_427] {strides = array<i32>} : memref<2x128x128xf32, #tpu.memory_space<vmem>>, vector<1x1x16xf32>,
            %get3A_429 = vector.shape_cast %get3A_428 : vector<1x1x16xf32> to vector<16xf32>
            %mul3A_430 = arith.mulf %gather3A_410, %get3A_429 : vector<16xf32>
            %swap3A_431 = arith.constant 0 : i32
            %swap3A_432 = arith.index_cast %swap3A_431 : i32 to index
            %swap3A_433 = arith.index_cast %add3A_408 : i32 to index
            %swap3A_434 = arith.constant 16 : index
            %swap3A_435 = tpu.vector_load %arg11[%swap3A_432, %swap3A_433, %swap3A_434] {strides = array<i32>} : memref<2x128x128xf32, #tpu.memory_space<vmem>>, vector<1x1x16xf32>,
            %swap3A_436 = vector.shape_cast %swap3A_435 : vector<1x1x16xf32> to vector<16xf32>
            %swap3A_437 = vector.shape_cast %mul3A_430 : vector<16xf32> to vector<1x1x16xf32>
            tpu.vector_store %arg11[%swap3A_432, %swap3A_433, %swap3A_434], %swap3A_437 {strides = array<i32>} : memref<2x128x128xf32, #tpu.memory_space<vmem>>, vector<1x1x16xf32>,
            %get3A_438 = arith.constant 0 : i32
            %get3A_439 = arith.index_cast %get3A_438 : i32 to index
            %get3A_440 = arith.index_cast %add3A_408 : i32 to index
            %get3A_441 = arith.constant 32 : index
            %get3A_442 = tpu.vector_load %arg11[%get3A_439, %get3A_440, %get3A_441] {strides = array<i32>} : memref<2x128x128xf32, #tpu.memory_space<vmem>>, vector<1x1x16xf32>,
            %get3A_443 = vector.shape_cast %get3A_442 : vector<1x1x16xf32> to vector<16xf32>
            %mul3A_444 = arith.mulf %gather3A_410, %get3A_443 : vector<16xf32>
            %swap3A_445 = arith.constant 0 : i32
            %swap3A_446 = arith.index_cast %swap3A_445 : i32 to index
            %swap3A_447 = arith.index_cast %add3A_408 : i32 to index
            %swap3A_448 = arith.constant 32 : index
            %swap3A_449 = tpu.vector_load %arg11[%swap3A_446, %swap3A_447, %swap3A_448] {strides = array<i32>} : memref<2x128x128xf32, #tpu.memory_space<vmem>>, vector<1x1x16xf32>,
            %swap3A_450 = vector.shape_cast %swap3A_449 : vector<1x1x16xf32> to vector<16xf32>
            %swap3A_451 = vector.shape_cast %mul3A_444 : vector<16xf32> to vector<1x1x16xf32>
            tpu.vector_store %arg11[%swap3A_446, %swap3A_447, %swap3A_448], %swap3A_451 {strides = array<i32>} : memref<2x128x128xf32, #tpu.memory_space<vmem>>, vector<1x1x16xf32>,
            %get3A_452 = arith.constant 0 : i32
            %get3A_453 = arith.index_cast %get3A_452 : i32 to index
            %get3A_454 = arith.index_cast %add3A_408 : i32 to index
            %get3A_455 = arith.constant 48 : index
            %get3A_456 = tpu.vector_load %arg11[%get3A_453, %get3A_454, %get3A_455] {strides = array<i32>} : memref<2x128x128xf32, #tpu.memory_space<vmem>>, vector<1x1x16xf32>,
            %get3A_457 = vector.shape_cast %get3A_456 : vector<1x1x16xf32> to vector<16xf32>
            %mul3A_458 = arith.mulf %gather3A_410, %get3A_457 : vector<16xf32>
            %swap3A_459 = arith.constant 0 : i32
            %swap3A_460 = arith.index_cast %swap3A_459 : i32 to index
            %swap3A_461 = arith.index_cast %add3A_408 : i32 to index
            %swap3A_462 = arith.constant 48 : index
            %swap3A_463 = tpu.vector_load %arg11[%swap3A_460, %swap3A_461, %swap3A_462] {strides = array<i32>} : memref<2x128x128xf32, #tpu.memory_space<vmem>>, vector<1x1x16xf32>,
            %swap3A_464 = vector.shape_cast %swap3A_463 : vector<1x1x16xf32> to vector<16xf32>
            %swap3A_465 = vector.shape_cast %mul3A_458 : vector<16xf32> to vector<1x1x16xf32>
            tpu.vector_store %arg11[%swap3A_460, %swap3A_461, %swap3A_462], %swap3A_465 {strides = array<i32>} : memref<2x128x128xf32, #tpu.memory_space<vmem>>, vector<1x1x16xf32>,
            %get3A_466 = arith.constant 0 : i32
            %get3A_467 = arith.index_cast %get3A_466 : i32 to index
            %get3A_468 = arith.index_cast %add3A_408 : i32 to index
            %get3A_469 = arith.constant 64 : index
            %get3A_470 = tpu.vector_load %arg11[%get3A_467, %get3A_468, %get3A_469] {strides = array<i32>} : memref<2x128x128xf32, #tpu.memory_space<vmem>>, vector<1x1x16xf32>,
            %get3A_471 = vector.shape_cast %get3A_470 : vector<1x1x16xf32> to vector<16xf32>
            %mul3A_472 = arith.mulf %gather3A_410, %get3A_471 : vector<16xf32>
            %swap3A_473 = arith.constant 0 : i32
            %swap3A_474 = arith.index_cast %swap3A_473 : i32 to index
            %swap3A_475 = arith.index_cast %add3A_408 : i32 to index
            %swap3A_476 = arith.constant 64 : index
            %swap3A_477 = tpu.vector_load %arg11[%swap3A_474, %swap3A_475, %swap3A_476] {strides = array<i32>} : memref<2x128x128xf32, #tpu.memory_space<vmem>>, vector<1x1x16xf32>,
            %swap3A_478 = vector.shape_cast %swap3A_477 : vector<1x1x16xf32> to vector<16xf32>
            %swap3A_479 = vector.shape_cast %mul3A_472 : vector<16xf32> to vector<1x1x16xf32>
            tpu.vector_store %arg11[%swap3A_474, %swap3A_475, %swap3A_476], %swap3A_479 {strides = array<i32>} : memref<2x128x128xf32, #tpu.memory_space<vmem>>, vector<1x1x16xf32>,
            %get3A_480 = arith.constant 0 : i32
            %get3A_481 = arith.index_cast %get3A_480 : i32 to index
            %get3A_482 = arith.index_cast %add3A_408 : i32 to index
            %get3A_483 = arith.constant 80 : index
            %get3A_484 = tpu.vector_load %arg11[%get3A_481, %get3A_482, %get3A_483] {strides = array<i32>} : memref<2x128x128xf32, #tpu.memory_space<vmem>>, vector<1x1x16xf32>,
            %get3A_485 = vector.shape_cast %get3A_484 : vector<1x1x16xf32> to vector<16xf32>
            %mul3A_486 = arith.mulf %gather3A_410, %get3A_485 : vector<16xf32>
            %swap3A_487 = arith.constant 0 : i32
            %swap3A_488 = arith.index_cast %swap3A_487 : i32 to index
            %swap3A_489 = arith.index_cast %add3A_408 : i32 to index
            %swap3A_490 = arith.constant 80 : index
            %swap3A_491 = tpu.vector_load %arg11[%swap3A_488, %swap3A_489, %swap3A_490] {strides = array<i32>} : memref<2x128x128xf32, #tpu.memory_space<vmem>>, vector<1x1x16xf32>,
            %swap3A_492 = vector.shape_cast %swap3A_491 : vector<1x1x16xf32> to vector<16xf32>
            %swap3A_493 = vector.shape_cast %mul3A_486 : vector<16xf32> to vector<1x1x16xf32>
            tpu.vector_store %arg11[%swap3A_488, %swap3A_489, %swap3A_490], %swap3A_493 {strides = array<i32>} : memref<2x128x128xf32, #tpu.memory_space<vmem>>, vector<1x1x16xf32>,
            %get3A_494 = arith.constant 0 : i32
            %get3A_495 = arith.index_cast %get3A_494 : i32 to index
            %get3A_496 = arith.index_cast %add3A_408 : i32 to index
            %get3A_497 = arith.constant 96 : index
            %get3A_498 = tpu.vector_load %arg11[%get3A_495, %get3A_496, %get3A_497] {strides = array<i32>} : memref<2x128x128xf32, #tpu.memory_space<vmem>>, vector<1x1x16xf32>,
            %get3A_499 = vector.shape_cast %get3A_498 : vector<1x1x16xf32> to vector<16xf32>
            %mul3A_500 = arith.mulf %gather3A_410, %get3A_499 : vector<16xf32>
            %swap3A_501 = arith.constant 0 : i32
            %swap3A_502 = arith.index_cast %swap3A_501 : i32 to index
            %swap3A_503 = arith.index_cast %add3A_408 : i32 to index
            %swap3A_504 = arith.constant 96 : index
            %swap3A_505 = tpu.vector_load %arg11[%swap3A_502, %swap3A_503, %swap3A_504] {strides = array<i32>} : memref<2x128x128xf32, #tpu.memory_space<vmem>>, vector<1x1x16xf32>,
            %swap3A_506 = vector.shape_cast %swap3A_505 : vector<1x1x16xf32> to vector<16xf32>
            %swap3A_507 = vector.shape_cast %mul3A_500 : vector<16xf32> to vector<1x1x16xf32>
            tpu.vector_store %arg11[%swap3A_502, %swap3A_503, %swap3A_504], %swap3A_507 {strides = array<i32>} : memref<2x128x128xf32, #tpu.memory_space<vmem>>, vector<1x1x16xf32>,
            %get3A_508 = arith.constant 0 : i32
            %get3A_509 = arith.index_cast %get3A_508 : i32 to index
            %get3A_510 = arith.index_cast %add3A_408 : i32 to index
            %get3A_511 = arith.constant 112 : index
            %get3A_512 = tpu.vector_load %arg11[%get3A_509, %get3A_510, %get3A_511] {strides = array<i32>} : memref<2x128x128xf32, #tpu.memory_space<vmem>>, vector<1x1x16xf32>,
            %get3A_513 = vector.shape_cast %get3A_512 : vector<1x1x16xf32> to vector<16xf32>
            %mul3A_514 = arith.mulf %gather3A_410, %get3A_513 : vector<16xf32>
            %swap3A_515 = arith.constant 0 : i32
            %swap3A_516 = arith.index_cast %swap3A_515 : i32 to index
            %swap3A_517 = arith.index_cast %add3A_408 : i32 to index
            %swap3A_518 = arith.constant 112 : index
            %swap3A_519 = tpu.vector_load %arg11[%swap3A_516, %swap3A_517, %swap3A_518] {strides = array<i32>} : memref<2x128x128xf32, #tpu.memory_space<vmem>>, vector<1x1x16xf32>,
            %swap3A_520 = vector.shape_cast %swap3A_519 : vector<1x1x16xf32> to vector<16xf32>
            %swap3A_521 = vector.shape_cast %mul3A_514 : vector<16xf32> to vector<1x1x16xf32>
            tpu.vector_store %arg11[%swap3A_516, %swap3A_517, %swap3A_518], %swap3A_521 {strides = array<i32>} : memref<2x128x128xf32, #tpu.memory_space<vmem>>, vector<1x1x16xf32>,
            %scan3A_522 = arith.constant 1 : i32
            %scan3A_523 = arith.addi %scan3A_407, %scan3A_522 : i32
            %add3A_524 = arith.addi %mul3A_395, %scan3A_523 : i32
            %broadcast_in_dim3A_525 = vector.broadcast %scan3A_523 : i32 to vector<16x1xi32>
            %gather3A_526 = vector.shape_cast %broadcast_in_dim3A_525 : vector<16x1xi32> to vector<16xi32>
            %gather3A_527 = tpu.dynamic_gather %get3A_401[%gather3A_526] in [0] : vector<16xf32>, vector<16xi32> -> vector<16xf32>
            %get3A_528 = arith.constant 0 : i32
            %get3A_529 = arith.index_cast %get3A_528 : i32 to index
            %get3A_530 = arith.index_cast %add3A_524 : i32 to index
            %get3A_531 = arith.constant 0 : index
            %get3A_532 = tpu.vector_load %arg11[%get3A_529, %get3A_530, %get3A_531] {strides = array<i32>} : memref<2x128x128xf32, #tpu.memory_space<vmem>>, vector<1x1x16xf32>,
            %get3A_533 = vector.shape_cast %get3A_532 : vector<1x1x16xf32> to vector<16xf32>
            %mul3A_534 = arith.mulf %gather3A_527, %get3A_533 : vector<16xf32>
            %swap3A_535 = arith.constant 0 : i32
            %swap3A_536 = arith.index_cast %swap3A_535 : i32 to index
            %swap3A_537 = arith.index_cast %add3A_524 : i32 to index
            %swap3A_538 = arith.constant 0 : index
            %swap3A_539 = tpu.vector_load %arg11[%swap3A_536, %swap3A_537, %swap3A_538] {strides = array<i32>} : memref<2x128x128xf32, #tpu.memory_space<vmem>>, vector<1x1x16xf32>,
            %swap3A_540 = vector.shape_cast %swap3A_539 : vector<1x1x16xf32> to vector<16xf32>
            %swap3A_541 = vector.shape_cast %mul3A_534 : vector<16xf32> to vector<1x1x16xf32>
            tpu.vector_store %arg11[%swap3A_536, %swap3A_537, %swap3A_538], %swap3A_541 {strides = array<i32>} : memref<2x128x128xf32, #tpu.memory_space<vmem>>, vector<1x1x16xf32>,
            %get3A_542 = arith.constant 0 : i32
            %get3A_543 = arith.index_cast %get3A_542 : i32 to index
            %get3A_544 = arith.index_cast %add3A_524 : i32 to index
            %get3A_545 = arith.constant 16 : index
            %get3A_546 = tpu.vector_load %arg11[%get3A_543, %get3A_544, %get3A_545] {strides = array<i32>} : memref<2x128x128xf32, #tpu.memory_space<vmem>>, vector<1x1x16xf32>,
            %get3A_547 = vector.shape_cast %get3A_546 : vector<1x1x16xf32> to vector<16xf32>
            %mul3A_548 = arith.mulf %gather3A_527, %get3A_547 : vector<16xf32>
            %swap3A_549 = arith.constant 0 : i32
            %swap3A_550 = arith.index_cast %swap3A_549 : i32 to index
            %swap3A_551 = arith.index_cast %add3A_524 : i32 to index
            %swap3A_552 = arith.constant 16 : index
            %swap3A_553 = tpu.vector_load %arg11[%swap3A_550, %swap3A_551, %swap3A_552] {strides = array<i32>} : memref<2x128x128xf32, #tpu.memory_space<vmem>>, vector<1x1x16xf32>,
            %swap3A_554 = vector.shape_cast %swap3A_553 : vector<1x1x16xf32> to vector<16xf32>
            %swap3A_555 = vector.shape_cast %mul3A_548 : vector<16xf32> to vector<1x1x16xf32>
            tpu.vector_store %arg11[%swap3A_550, %swap3A_551, %swap3A_552], %swap3A_555 {strides = array<i32>} : memref<2x128x128xf32, #tpu.memory_space<vmem>>, vector<1x1x16xf32>,
            %get3A_556 = arith.constant 0 : i32
            %get3A_557 = arith.index_cast %get3A_556 : i32 to index
            %get3A_558 = arith.index_cast %add3A_524 : i32 to index
            %get3A_559 = arith.constant 32 : index
            %get3A_560 = tpu.vector_load %arg11[%get3A_557, %get3A_558, %get3A_559] {strides = array<i32>} : memref<2x128x128xf32, #tpu.memory_space<vmem>>, vector<1x1x16xf32>,
            %get3A_561 = vector.shape_cast %get3A_560 : vector<1x1x16xf32> to vector<16xf32>
            %mul3A_562 = arith.mulf %gather3A_527, %get3A_561 : vector<16xf32>
            %swap3A_563 = arith.constant 0 : i32
            %swap3A_564 = arith.index_cast %swap3A_563 : i32 to index
            %swap3A_565 = arith.index_cast %add3A_524 : i32 to index
            %swap3A_566 = arith.constant 32 : index
            %swap3A_567 = tpu.vector_load %arg11[%swap3A_564, %swap3A_565, %swap3A_566] {strides = array<i32>} : memref<2x128x128xf32, #tpu.memory_space<vmem>>, vector<1x1x16xf32>,
            %swap3A_568 = vector.shape_cast %swap3A_567 : vector<1x1x16xf32> to vector<16xf32>
            %swap3A_569 = vector.shape_cast %mul3A_562 : vector<16xf32> to vector<1x1x16xf32>
            tpu.vector_store %arg11[%swap3A_564, %swap3A_565, %swap3A_566], %swap3A_569 {strides = array<i32>} : memref<2x128x128xf32, #tpu.memory_space<vmem>>, vector<1x1x16xf32>,
            %get3A_570 = arith.constant 0 : i32
            %get3A_571 = arith.index_cast %get3A_570 : i32 to index
            %get3A_572 = arith.index_cast %add3A_524 : i32 to index
            %get3A_573 = arith.constant 48 : index
            %get3A_574 = tpu.vector_load %arg11[%get3A_571, %get3A_572, %get3A_573] {strides = array<i32>} : memref<2x128x128xf32, #tpu.memory_space<vmem>>, vector<1x1x16xf32>,
            %get3A_575 = vector.shape_cast %get3A_574 : vector<1x1x16xf32> to vector<16xf32>
            %mul3A_576 = arith.mulf %gather3A_527, %get3A_575 : vector<16xf32>
            %swap3A_577 = arith.constant 0 : i32
            %swap3A_578 = arith.index_cast %swap3A_577 : i32 to index
            %swap3A_579 = arith.index_cast %add3A_524 : i32 to index
            %swap3A_580 = arith.constant 48 : index
            %swap3A_581 = tpu.vector_load %arg11[%swap3A_578, %swap3A_579, %swap3A_580] {strides = array<i32>} : memref<2x128x128xf32, #tpu.memory_space<vmem>>, vector<1x1x16xf32>,
            %swap3A_582 = vector.shape_cast %swap3A_581 : vector<1x1x16xf32> to vector<16xf32>
            %swap3A_583 = vector.shape_cast %mul3A_576 : vector<16xf32> to vector<1x1x16xf32>
            tpu.vector_store %arg11[%swap3A_578, %swap3A_579, %swap3A_580], %swap3A_583 {strides = array<i32>} : memref<2x128x128xf32, #tpu.memory_space<vmem>>, vector<1x1x16xf32>,
            %get3A_584 = arith.constant 0 : i32
            %get3A_585 = arith.index_cast %get3A_584 : i32 to index
            %get3A_586 = arith.index_cast %add3A_524 : i32 to index
            %get3A_587 = arith.constant 64 : index
            %get3A_588 = tpu.vector_load %arg11[%get3A_585, %get3A_586, %get3A_587] {strides = array<i32>} : memref<2x128x128xf32, #tpu.memory_space<vmem>>, vector<1x1x16xf32>,
            %get3A_589 = vector.shape_cast %get3A_588 : vector<1x1x16xf32> to vector<16xf32>
            %mul3A_590 = arith.mulf %gather3A_527, %get3A_589 : vector<16xf32>
            %swap3A_591 = arith.constant 0 : i32
            %swap3A_592 = arith.index_cast %swap3A_591 : i32 to index
            %swap3A_593 = arith.index_cast %add3A_524 : i32 to index
            %swap3A_594 = arith.constant 64 : index
            %swap3A_595 = tpu.vector_load %arg11[%swap3A_592, %swap3A_593, %swap3A_594] {strides = array<i32>} : memref<2x128x128xf32, #tpu.memory_space<vmem>>, vector<1x1x16xf32>,
            %swap3A_596 = vector.shape_cast %swap3A_595 : vector<1x1x16xf32> to vector<16xf32>
            %swap3A_597 = vector.shape_cast %mul3A_590 : vector<16xf32> to vector<1x1x16xf32>
            tpu.vector_store %arg11[%swap3A_592, %swap3A_593, %swap3A_594], %swap3A_597 {strides = array<i32>} : memref<2x128x128xf32, #tpu.memory_space<vmem>>, vector<1x1x16xf32>,
            %get3A_598 = arith.constant 0 : i32
            %get3A_599 = arith.index_cast %get3A_598 : i32 to index
            %get3A_600 = arith.index_cast %add3A_524 : i32 to index
            %get3A_601 = arith.constant 80 : index
            %get3A_602 = tpu.vector_load %arg11[%get3A_599, %get3A_600, %get3A_601] {strides = array<i32>} : memref<2x128x128xf32, #tpu.memory_space<vmem>>, vector<1x1x16xf32>,
            %get3A_603 = vector.shape_cast %get3A_602 : vector<1x1x16xf32> to vector<16xf32>
            %mul3A_604 = arith.mulf %gather3A_527, %get3A_603 : vector<16xf32>
            %swap3A_605 = arith.constant 0 : i32
            %swap3A_606 = arith.index_cast %swap3A_605 : i32 to index
            %swap3A_607 = arith.index_cast %add3A_524 : i32 to index
            %swap3A_608 = arith.constant 80 : index
            %swap3A_609 = tpu.vector_load %arg11[%swap3A_606, %swap3A_607, %swap3A_608] {strides = array<i32>} : memref<2x128x128xf32, #tpu.memory_space<vmem>>, vector<1x1x16xf32>,
            %swap3A_610 = vector.shape_cast %swap3A_609 : vector<1x1x16xf32> to vector<16xf32>
            %swap3A_611 = vector.shape_cast %mul3A_604 : vector<16xf32> to vector<1x1x16xf32>
            tpu.vector_store %arg11[%swap3A_606, %swap3A_607, %swap3A_608], %swap3A_611 {strides = array<i32>} : memref<2x128x128xf32, #tpu.memory_space<vmem>>, vector<1x1x16xf32>,
            %get3A_612 = arith.constant 0 : i32
            %get3A_613 = arith.index_cast %get3A_612 : i32 to index
            %get3A_614 = arith.index_cast %add3A_524 : i32 to index
            %get3A_615 = arith.constant 96 : index
            %get3A_616 = tpu.vector_load %arg11[%get3A_613, %get3A_614, %get3A_615] {strides = array<i32>} : memref<2x128x128xf32, #tpu.memory_space<vmem>>, vector<1x1x16xf32>,
            %get3A_617 = vector.shape_cast %get3A_616 : vector<1x1x16xf32> to vector<16xf32>
            %mul3A_618 = arith.mulf %gather3A_527, %get3A_617 : vector<16xf32>
            %swap3A_619 = arith.constant 0 : i32
            %swap3A_620 = arith.index_cast %swap3A_619 : i32 to index
            %swap3A_621 = arith.index_cast %add3A_524 : i32 to index
            %swap3A_622 = arith.constant 96 : index
            %swap3A_623 = tpu.vector_load %arg11[%swap3A_620, %swap3A_621, %swap3A_622] {strides = array<i32>} : memref<2x128x128xf32, #tpu.memory_space<vmem>>, vector<1x1x16xf32>,
            %swap3A_624 = vector.shape_cast %swap3A_623 : vector<1x1x16xf32> to vector<16xf32>
            %swap3A_625 = vector.shape_cast %mul3A_618 : vector<16xf32> to vector<1x1x16xf32>
            tpu.vector_store %arg11[%swap3A_620, %swap3A_621, %swap3A_622], %swap3A_625 {strides = array<i32>} : memref<2x128x128xf32, #tpu.memory_space<vmem>>, vector<1x1x16xf32>,
            %get3A_626 = arith.constant 0 : i32
            %get3A_627 = arith.index_cast %get3A_626 : i32 to index
            %get3A_628 = arith.index_cast %add3A_524 : i32 to index
            %get3A_629 = arith.constant 112 : index
            %get3A_630 = tpu.vector_load %arg11[%get3A_627, %get3A_628, %get3A_629] {strides = array<i32>} : memref<2x128x128xf32, #tpu.memory_space<vmem>>, vector<1x1x16xf32>,
            %get3A_631 = vector.shape_cast %get3A_630 : vector<1x1x16xf32> to vector<16xf32>
            %mul3A_632 = arith.mulf %gather3A_527, %get3A_631 : vector<16xf32>
            %swap3A_633 = arith.constant 0 : i32
            %swap3A_634 = arith.index_cast %swap3A_633 : i32 to index
            %swap3A_635 = arith.index_cast %add3A_524 : i32 to index
            %swap3A_636 = arith.constant 112 : index
            %swap3A_637 = tpu.vector_load %arg11[%swap3A_634, %swap3A_635, %swap3A_636] {strides = array<i32>} : memref<2x128x128xf32, #tpu.memory_space<vmem>>, vector<1x1x16xf32>,
            %swap3A_638 = vector.shape_cast %swap3A_637 : vector<1x1x16xf32> to vector<16xf32>
            %swap3A_639 = vector.shape_cast %mul3A_632 : vector<16xf32> to vector<1x1x16xf32>
            tpu.vector_store %arg11[%swap3A_634, %swap3A_635, %swap3A_636], %swap3A_639 {strides = array<i32>} : memref<2x128x128xf32, #tpu.memory_space<vmem>>, vector<1x1x16xf32>,
            %scan3A_640 = arith.constant 2 : i32
            %scan3A_641 = arith.addi %scan3A_407, %scan3A_640 : i32
            %add3A_642 = arith.addi %mul3A_395, %scan3A_641 : i32
            %broadcast_in_dim3A_643 = vector.broadcast %scan3A_641 : i32 to vector<16x1xi32>
            %gather3A_644 = vector.shape_cast %broadcast_in_dim3A_643 : vector<16x1xi32> to vector<16xi32>
            %gather3A_645 = tpu.dynamic_gather %get3A_401[%gather3A_644] in [0] : vector<16xf32>, vector<16xi32> -> vector<16xf32>
            %get3A_646 = arith.constant 0 : i32
            %get3A_647 = arith.index_cast %get3A_646 : i32 to index
            %get3A_648 = arith.index_cast %add3A_642 : i32 to index
            %get3A_649 = arith.constant 0 : index
            %get3A_650 = tpu.vector_load %arg11[%get3A_647, %get3A_648, %get3A_649] {strides = array<i32>} : memref<2x128x128xf32, #tpu.memory_space<vmem>>, vector<1x1x16xf32>,
            %get3A_651 = vector.shape_cast %get3A_650 : vector<1x1x16xf32> to vector<16xf32>
            %mul3A_652 = arith.mulf %gather3A_645, %get3A_651 : vector<16xf32>
            %swap3A_653 = arith.constant 0 : i32
            %swap3A_654 = arith.index_cast %swap3A_653 : i32 to index
            %swap3A_655 = arith.index_cast %add3A_642 : i32 to index
            %swap3A_656 = arith.constant 0 : index
            %swap3A_657 = tpu.vector_load %arg11[%swap3A_654, %swap3A_655, %swap3A_656] {strides = array<i32>} : memref<2x128x128xf32, #tpu.memory_space<vmem>>, vector<1x1x16xf32>,
            %swap3A_658 = vector.shape_cast %swap3A_657 : vector<1x1x16xf32> to vector<16xf32>
            %swap3A_659 = vector.shape_cast %mul3A_652 : vector<16xf32> to vector<1x1x16xf32>
            tpu.vector_store %arg11[%swap3A_654, %swap3A_655, %swap3A_656], %swap3A_659 {strides = array<i32>} : memref<2x128x128xf32, #tpu.memory_space<vmem>>, vector<1x1x16xf32>,
            %get3A_660 = arith.constant 0 : i32
            %get3A_661 = arith.index_cast %get3A_660 : i32 to index
            %get3A_662 = arith.index_cast %add3A_642 : i32 to index
            %get3A_663 = arith.constant 16 : index
            %get3A_664 = tpu.vector_load %arg11[%get3A_661, %get3A_662, %get3A_663] {strides = array<i32>} : memref<2x128x128xf32, #tpu.memory_space<vmem>>, vector<1x1x16xf32>,
            %get3A_665 = vector.shape_cast %get3A_664 : vector<1x1x16xf32> to vector<16xf32>
            %mul3A_666 = arith.mulf %gather3A_645, %get3A_665 : vector<16xf32>
            %swap3A_667 = arith.constant 0 : i32
            %swap3A_668 = arith.index_cast %swap3A_667 : i32 to index
            %swap3A_669 = arith.index_cast %add3A_642 : i32 to index
            %swap3A_670 = arith.constant 16 : index
            %swap3A_671 = tpu.vector_load %arg11[%swap3A_668, %swap3A_669, %swap3A_670] {strides = array<i32>} : memref<2x128x128xf32, #tpu.memory_space<vmem>>, vector<1x1x16xf32>,
            %swap3A_672 = vector.shape_cast %swap3A_671 : vector<1x1x16xf32> to vector<16xf32>
            %swap3A_673 = vector.shape_cast %mul3A_666 : vector<16xf32> to vector<1x1x16xf32>
            tpu.vector_store %arg11[%swap3A_668, %swap3A_669, %swap3A_670], %swap3A_673 {strides = array<i32>} : memref<2x128x128xf32, #tpu.memory_space<vmem>>, vector<1x1x16xf32>,
            %get3A_674 = arith.constant 0 : i32
            %get3A_675 = arith.index_cast %get3A_674 : i32 to index
            %get3A_676 = arith.index_cast %add3A_642 : i32 to index
            %get3A_677 = arith.constant 32 : index
            %get3A_678 = tpu.vector_load %arg11[%get3A_675, %get3A_676, %get3A_677] {strides = array<i32>} : memref<2x128x128xf32, #tpu.memory_space<vmem>>, vector<1x1x16xf32>,
            %get3A_679 = vector.shape_cast %get3A_678 : vector<1x1x16xf32> to vector<16xf32>
            %mul3A_680 = arith.mulf %gather3A_645, %get3A_679 : vector<16xf32>
            %swap3A_681 = arith.constant 0 : i32
            %swap3A_682 = arith.index_cast %swap3A_681 : i32 to index
            %swap3A_683 = arith.index_cast %add3A_642 : i32 to index
            %swap3A_684 = arith.constant 32 : index
            %swap3A_685 = tpu.vector_load %arg11[%swap3A_682, %swap3A_683, %swap3A_684] {strides = array<i32>} : memref<2x128x128xf32, #tpu.memory_space<vmem>>, vector<1x1x16xf32>,
            %swap3A_686 = vector.shape_cast %swap3A_685 : vector<1x1x16xf32> to vector<16xf32>
            %swap3A_687 = vector.shape_cast %mul3A_680 : vector<16xf32> to vector<1x1x16xf32>
            tpu.vector_store %arg11[%swap3A_682, %swap3A_683, %swap3A_684], %swap3A_687 {strides = array<i32>} : memref<2x128x128xf32, #tpu.memory_space<vmem>>, vector<1x1x16xf32>,
            %get3A_688 = arith.constant 0 : i32
            %get3A_689 = arith.index_cast %get3A_688 : i32 to index
            %get3A_690 = arith.index_cast %add3A_642 : i32 to index
            %get3A_691 = arith.constant 48 : index
            %get3A_692 = tpu.vector_load %arg11[%get3A_689, %get3A_690, %get3A_691] {strides = array<i32>} : memref<2x128x128xf32, #tpu.memory_space<vmem>>, vector<1x1x16xf32>,
            %get3A_693 = vector.shape_cast %get3A_692 : vector<1x1x16xf32> to vector<16xf32>
            %mul3A_694 = arith.mulf %gather3A_645, %get3A_693 : vector<16xf32>
            %swap3A_695 = arith.constant 0 : i32
            %swap3A_696 = arith.index_cast %swap3A_695 : i32 to index
            %swap3A_697 = arith.index_cast %add3A_642 : i32 to index
            %swap3A_698 = arith.constant 48 : index
            %swap3A_699 = tpu.vector_load %arg11[%swap3A_696, %swap3A_697, %swap3A_698] {strides = array<i32>} : memref<2x128x128xf32, #tpu.memory_space<vmem>>, vector<1x1x16xf32>,
            %swap3A_700 = vector.shape_cast %swap3A_699 : vector<1x1x16xf32> to vector<16xf32>
            %swap3A_701 = vector.shape_cast %mul3A_694 : vector<16xf32> to vector<1x1x16xf32>
            tpu.vector_store %arg11[%swap3A_696, %swap3A_697, %swap3A_698], %swap3A_701 {strides = array<i32>} : memref<2x128x128xf32, #tpu.memory_space<vmem>>, vector<1x1x16xf32>,
            %get3A_702 = arith.constant 0 : i32
            %get3A_703 = arith.index_cast %get3A_702 : i32 to index
            %get3A_704 = arith.index_cast %add3A_642 : i32 to index
            %get3A_705 = arith.constant 64 : index
            %get3A_706 = tpu.vector_load %arg11[%get3A_703, %get3A_704, %get3A_705] {strides = array<i32>} : memref<2x128x128xf32, #tpu.memory_space<vmem>>, vector<1x1x16xf32>,
            %get3A_707 = vector.shape_cast %get3A_706 : vector<1x1x16xf32> to vector<16xf32>
            %mul3A_708 = arith.mulf %gather3A_645, %get3A_707 : vector<16xf32>
            %swap3A_709 = arith.constant 0 : i32
            %swap3A_710 = arith.index_cast %swap3A_709 : i32 to index
            %swap3A_711 = arith.index_cast %add3A_642 : i32 to index
            %swap3A_712 = arith.constant 64 : index
            %swap3A_713 = tpu.vector_load %arg11[%swap3A_710, %swap3A_711, %swap3A_712] {strides = array<i32>} : memref<2x128x128xf32, #tpu.memory_space<vmem>>, vector<1x1x16xf32>,
            %swap3A_714 = vector.shape_cast %swap3A_713 : vector<1x1x16xf32> to vector<16xf32>
            %swap3A_715 = vector.shape_cast %mul3A_708 : vector<16xf32> to vector<1x1x16xf32>
            tpu.vector_store %arg11[%swap3A_710, %swap3A_711, %swap3A_712], %swap3A_715 {strides = array<i32>} : memref<2x128x128xf32, #tpu.memory_space<vmem>>, vector<1x1x16xf32>,
            %get3A_716 = arith.constant 0 : i32
            %get3A_717 = arith.index_cast %get3A_716 : i32 to index
            %get3A_718 = arith.index_cast %add3A_642 : i32 to index
            %get3A_719 = arith.constant 80 : index
            %get3A_720 = tpu.vector_load %arg11[%get3A_717, %get3A_718, %get3A_719] {strides = array<i32>} : memref<2x128x128xf32, #tpu.memory_space<vmem>>, vector<1x1x16xf32>,
            %get3A_721 = vector.shape_cast %get3A_720 : vector<1x1x16xf32> to vector<16xf32>
            %mul3A_722 = arith.mulf %gather3A_645, %get3A_721 : vector<16xf32>
            %swap3A_723 = arith.constant 0 : i32
            %swap3A_724 = arith.index_cast %swap3A_723 : i32 to index
            %swap3A_725 = arith.index_cast %add3A_642 : i32 to index
            %swap3A_726 = arith.constant 80 : index
            %swap3A_727 = tpu.vector_load %arg11[%swap3A_724, %swap3A_725, %swap3A_726] {strides = array<i32>} : memref<2x128x128xf32, #tpu.memory_space<vmem>>, vector<1x1x16xf32>,
            %swap3A_728 = vector.shape_cast %swap3A_727 : vector<1x1x16xf32> to vector<16xf32>
            %swap3A_729 = vector.shape_cast %mul3A_722 : vector<16xf32> to vector<1x1x16xf32>
            tpu.vector_store %arg11[%swap3A_724, %swap3A_725, %swap3A_726], %swap3A_729 {strides = array<i32>} : memref<2x128x128xf32, #tpu.memory_space<vmem>>, vector<1x1x16xf32>,
            %get3A_730 = arith.constant 0 : i32
            %get3A_731 = arith.index_cast %get3A_730 : i32 to index
            %get3A_732 = arith.index_cast %add3A_642 : i32 to index
            %get3A_733 = arith.constant 96 : index
            %get3A_734 = tpu.vector_load %arg11[%get3A_731, %get3A_732, %get3A_733] {strides = array<i32>} : memref<2x128x128xf32, #tpu.memory_space<vmem>>, vector<1x1x16xf32>,
            %get3A_735 = vector.shape_cast %get3A_734 : vector<1x1x16xf32> to vector<16xf32>
            %mul3A_736 = arith.mulf %gather3A_645, %get3A_735 : vector<16xf32>
            %swap3A_737 = arith.constant 0 : i32
            %swap3A_738 = arith.index_cast %swap3A_737 : i32 to index
            %swap3A_739 = arith.index_cast %add3A_642 : i32 to index
            %swap3A_740 = arith.constant 96 : index
            %swap3A_741 = tpu.vector_load %arg11[%swap3A_738, %swap3A_739, %swap3A_740] {strides = array<i32>} : memref<2x128x128xf32, #tpu.memory_space<vmem>>, vector<1x1x16xf32>,
            %swap3A_742 = vector.shape_cast %swap3A_741 : vector<1x1x16xf32> to vector<16xf32>
            %swap3A_743 = vector.shape_cast %mul3A_736 : vector<16xf32> to vector<1x1x16xf32>
            tpu.vector_store %arg11[%swap3A_738, %swap3A_739, %swap3A_740], %swap3A_743 {strides = array<i32>} : memref<2x128x128xf32, #tpu.memory_space<vmem>>, vector<1x1x16xf32>,
            %get3A_744 = arith.constant 0 : i32
            %get3A_745 = arith.index_cast %get3A_744 : i32 to index
            %get3A_746 = arith.index_cast %add3A_642 : i32 to index
            %get3A_747 = arith.constant 112 : index
            %get3A_748 = tpu.vector_load %arg11[%get3A_745, %get3A_746, %get3A_747] {strides = array<i32>} : memref<2x128x128xf32, #tpu.memory_space<vmem>>, vector<1x1x16xf32>,
            %get3A_749 = vector.shape_cast %get3A_748 : vector<1x1x16xf32> to vector<16xf32>
            %mul3A_750 = arith.mulf %gather3A_645, %get3A_749 : vector<16xf32>
            %swap3A_751 = arith.constant 0 : i32
            %swap3A_752 = arith.index_cast %swap3A_751 : i32 to index
            %swap3A_753 = arith.index_cast %add3A_642 : i32 to index
            %swap3A_754 = arith.constant 112 : index
            %swap3A_755 = tpu.vector_load %arg11[%swap3A_752, %swap3A_753, %swap3A_754] {strides = array<i32>} : memref<2x128x128xf32, #tpu.memory_space<vmem>>, vector<1x1x16xf32>,
            %swap3A_756 = vector.shape_cast %swap3A_755 : vector<1x1x16xf32> to vector<16xf32>
            %swap3A_757 = vector.shape_cast %mul3A_750 : vector<16xf32> to vector<1x1x16xf32>
            tpu.vector_store %arg11[%swap3A_752, %swap3A_753, %swap3A_754], %swap3A_757 {strides = array<i32>} : memref<2x128x128xf32, #tpu.memory_space<vmem>>, vector<1x1x16xf32>,
            %scan3A_758 = arith.constant 3 : i32
            %scan3A_759 = arith.addi %scan3A_407, %scan3A_758 : i32
            %add3A_760 = arith.addi %mul3A_395, %scan3A_759 : i32
            %broadcast_in_dim3A_761 = vector.broadcast %scan3A_759 : i32 to vector<16x1xi32>
            %gather3A_762 = vector.shape_cast %broadcast_in_dim3A_761 : vector<16x1xi32> to vector<16xi32>
            %gather3A_763 = tpu.dynamic_gather %get3A_401[%gather3A_762] in [0] : vector<16xf32>, vector<16xi32> -> vector<16xf32>
            %get3A_764 = arith.constant 0 : i32
            %get3A_765 = arith.index_cast %get3A_764 : i32 to index
            %get3A_766 = arith.index_cast %add3A_760 : i32 to index
            %get3A_767 = arith.constant 0 : index
            %get3A_768 = tpu.vector_load %arg11[%get3A_765, %get3A_766, %get3A_767] {strides = array<i32>} : memref<2x128x128xf32, #tpu.memory_space<vmem>>, vector<1x1x16xf32>,
            %get3A_769 = vector.shape_cast %get3A_768 : vector<1x1x16xf32> to vector<16xf32>
            %mul3A_770 = arith.mulf %gather3A_763, %get3A_769 : vector<16xf32>
            %swap3A_771 = arith.constant 0 : i32
            %swap3A_772 = arith.index_cast %swap3A_771 : i32 to index
            %swap3A_773 = arith.index_cast %add3A_760 : i32 to index
            %swap3A_774 = arith.constant 0 : index
            %swap3A_775 = tpu.vector_load %arg11[%swap3A_772, %swap3A_773, %swap3A_774] {strides = array<i32>} : memref<2x128x128xf32, #tpu.memory_space<vmem>>, vector<1x1x16xf32>,
            %swap3A_776 = vector.shape_cast %swap3A_775 : vector<1x1x16xf32> to vector<16xf32>
            %swap3A_777 = vector.shape_cast %mul3A_770 : vector<16xf32> to vector<1x1x16xf32>
            tpu.vector_store %arg11[%swap3A_772, %swap3A_773, %swap3A_774], %swap3A_777 {strides = array<i32>} : memref<2x128x128xf32, #tpu.memory_space<vmem>>, vector<1x1x16xf32>,
            %get3A_778 = arith.constant 0 : i32
            %get3A_779 = arith.index_cast %get3A_778 : i32 to index
            %get3A_780 = arith.index_cast %add3A_760 : i32 to index
            %get3A_781 = arith.constant 16 : index
            %get3A_782 = tpu.vector_load %arg11[%get3A_779, %get3A_780, %get3A_781] {strides = array<i32>} : memref<2x128x128xf32, #tpu.memory_space<vmem>>, vector<1x1x16xf32>,
            %get3A_783 = vector.shape_cast %get3A_782 : vector<1x1x16xf32> to vector<16xf32>
            %mul3A_784 = arith.mulf %gather3A_763, %get3A_783 : vector<16xf32>
            %swap3A_785 = arith.constant 0 : i32
            %swap3A_786 = arith.index_cast %swap3A_785 : i32 to index
            %swap3A_787 = arith.index_cast %add3A_760 : i32 to index
            %swap3A_788 = arith.constant 16 : index
            %swap3A_789 = tpu.vector_load %arg11[%swap3A_786, %swap3A_787, %swap3A_788] {strides = array<i32>} : memref<2x128x128xf32, #tpu.memory_space<vmem>>, vector<1x1x16xf32>,
            %swap3A_790 = vector.shape_cast %swap3A_789 : vector<1x1x16xf32> to vector<16xf32>
            %swap3A_791 = vector.shape_cast %mul3A_784 : vector<16xf32> to vector<1x1x16xf32>
            tpu.vector_store %arg11[%swap3A_786, %swap3A_787, %swap3A_788], %swap3A_791 {strides = array<i32>} : memref<2x128x128xf32, #tpu.memory_space<vmem>>, vector<1x1x16xf32>,
            %get3A_792 = arith.constant 0 : i32
            %get3A_793 = arith.index_cast %get3A_792 : i32 to index
            %get3A_794 = arith.index_cast %add3A_760 : i32 to index
            %get3A_795 = arith.constant 32 : index
            %get3A_796 = tpu.vector_load %arg11[%get3A_793, %get3A_794, %get3A_795] {strides = array<i32>} : memref<2x128x128xf32, #tpu.memory_space<vmem>>, vector<1x1x16xf32>,
            %get3A_797 = vector.shape_cast %get3A_796 : vector<1x1x16xf32> to vector<16xf32>
            %mul3A_798 = arith.mulf %gather3A_763, %get3A_797 : vector<16xf32>
            %swap3A_799 = arith.constant 0 : i32
            %swap3A_800 = arith.index_cast %swap3A_799 : i32 to index
            %swap3A_801 = arith.index_cast %add3A_760 : i32 to index
            %swap3A_802 = arith.constant 32 : index
            %swap3A_803 = tpu.vector_load %arg11[%swap3A_800, %swap3A_801, %swap3A_802] {strides = array<i32>} : memref<2x128x128xf32, #tpu.memory_space<vmem>>, vector<1x1x16xf32>,
            %swap3A_804 = vector.shape_cast %swap3A_803 : vector<1x1x16xf32> to vector<16xf32>
            %swap3A_805 = vector.shape_cast %mul3A_798 : vector<16xf32> to vector<1x1x16xf32>
            tpu.vector_store %arg11[%swap3A_800, %swap3A_801, %swap3A_802], %swap3A_805 {strides = array<i32>} : memref<2x128x128xf32, #tpu.memory_space<vmem>>, vector<1x1x16xf32>,
            %get3A_806 = arith.constant 0 : i32
            %get3A_807 = arith.index_cast %get3A_806 : i32 to index
            %get3A_808 = arith.index_cast %add3A_760 : i32 to index
            %get3A_809 = arith.constant 48 : index
            %get3A_810 = tpu.vector_load %arg11[%get3A_807, %get3A_808, %get3A_809] {strides = array<i32>} : memref<2x128x128xf32, #tpu.memory_space<vmem>>, vector<1x1x16xf32>,
            %get3A_811 = vector.shape_cast %get3A_810 : vector<1x1x16xf32> to vector<16xf32>
            %mul3A_812 = arith.mulf %gather3A_763, %get3A_811 : vector<16xf32>
            %swap3A_813 = arith.constant 0 : i32
            %swap3A_814 = arith.index_cast %swap3A_813 : i32 to index
            %swap3A_815 = arith.index_cast %add3A_760 : i32 to index
            %swap3A_816 = arith.constant 48 : index
            %swap3A_817 = tpu.vector_load %arg11[%swap3A_814, %swap3A_815, %swap3A_816] {strides = array<i32>} : memref<2x128x128xf32, #tpu.memory_space<vmem>>, vector<1x1x16xf32>,
            %swap3A_818 = vector.shape_cast %swap3A_817 : vector<1x1x16xf32> to vector<16xf32>
            %swap3A_819 = vector.shape_cast %mul3A_812 : vector<16xf32> to vector<1x1x16xf32>
            tpu.vector_store %arg11[%swap3A_814, %swap3A_815, %swap3A_816], %swap3A_819 {strides = array<i32>} : memref<2x128x128xf32, #tpu.memory_space<vmem>>, vector<1x1x16xf32>,
            %get3A_820 = arith.constant 0 : i32
            %get3A_821 = arith.index_cast %get3A_820 : i32 to index
            %get3A_822 = arith.index_cast %add3A_760 : i32 to index
            %get3A_823 = arith.constant 64 : index
            %get3A_824 = tpu.vector_load %arg11[%get3A_821, %get3A_822, %get3A_823] {strides = array<i32>} : memref<2x128x128xf32, #tpu.memory_space<vmem>>, vector<1x1x16xf32>,
            %get3A_825 = vector.shape_cast %get3A_824 : vector<1x1x16xf32> to vector<16xf32>
            %mul3A_826 = arith.mulf %gather3A_763, %get3A_825 : vector<16xf32>
            %swap3A_827 = arith.constant 0 : i32
            %swap3A_828 = arith.index_cast %swap3A_827 : i32 to index
            %swap3A_829 = arith.index_cast %add3A_760 : i32 to index
            %swap3A_830 = arith.constant 64 : index
            %swap3A_831 = tpu.vector_load %arg11[%swap3A_828, %swap3A_829, %swap3A_830] {strides = array<i32>} : memref<2x128x128xf32, #tpu.memory_space<vmem>>, vector<1x1x16xf32>,
            %swap3A_832 = vector.shape_cast %swap3A_831 : vector<1x1x16xf32> to vector<16xf32>
            %swap3A_833 = vector.shape_cast %mul3A_826 : vector<16xf32> to vector<1x1x16xf32>
            tpu.vector_store %arg11[%swap3A_828, %swap3A_829, %swap3A_830], %swap3A_833 {strides = array<i32>} : memref<2x128x128xf32, #tpu.memory_space<vmem>>, vector<1x1x16xf32>,
            %get3A_834 = arith.constant 0 : i32
            %get3A_835 = arith.index_cast %get3A_834 : i32 to index
            %get3A_836 = arith.index_cast %add3A_760 : i32 to index
            %get3A_837 = arith.constant 80 : index
            %get3A_838 = tpu.vector_load %arg11[%get3A_835, %get3A_836, %get3A_837] {strides = array<i32>} : memref<2x128x128xf32, #tpu.memory_space<vmem>>, vector<1x1x16xf32>,
            %get3A_839 = vector.shape_cast %get3A_838 : vector<1x1x16xf32> to vector<16xf32>
            %mul3A_840 = arith.mulf %gather3A_763, %get3A_839 : vector<16xf32>
            %swap3A_841 = arith.constant 0 : i32
            %swap3A_842 = arith.index_cast %swap3A_841 : i32 to index
            %swap3A_843 = arith.index_cast %add3A_760 : i32 to index
            %swap3A_844 = arith.constant 80 : index
            %swap3A_845 = tpu.vector_load %arg11[%swap3A_842, %swap3A_843, %swap3A_844] {strides = array<i32>} : memref<2x128x128xf32, #tpu.memory_space<vmem>>, vector<1x1x16xf32>,
            %swap3A_846 = vector.shape_cast %swap3A_845 : vector<1x1x16xf32> to vector<16xf32>
            %swap3A_847 = vector.shape_cast %mul3A_840 : vector<16xf32> to vector<1x1x16xf32>
            tpu.vector_store %arg11[%swap3A_842, %swap3A_843, %swap3A_844], %swap3A_847 {strides = array<i32>} : memref<2x128x128xf32, #tpu.memory_space<vmem>>, vector<1x1x16xf32>,
            %get3A_848 = arith.constant 0 : i32
            %get3A_849 = arith.index_cast %get3A_848 : i32 to index
            %get3A_850 = arith.index_cast %add3A_760 : i32 to index
            %get3A_851 = arith.constant 96 : index
            %get3A_852 = tpu.vector_load %arg11[%get3A_849, %get3A_850, %get3A_851] {strides = array<i32>} : memref<2x128x128xf32, #tpu.memory_space<vmem>>, vector<1x1x16xf32>,
            %get3A_853 = vector.shape_cast %get3A_852 : vector<1x1x16xf32> to vector<16xf32>
            %mul3A_854 = arith.mulf %gather3A_763, %get3A_853 : vector<16xf32>
            %swap3A_855 = arith.constant 0 : i32
            %swap3A_856 = arith.index_cast %swap3A_855 : i32 to index
            %swap3A_857 = arith.index_cast %add3A_760 : i32 to index
            %swap3A_858 = arith.constant 96 : index
            %swap3A_859 = tpu.vector_load %arg11[%swap3A_856, %swap3A_857, %swap3A_858] {strides = array<i32>} : memref<2x128x128xf32, #tpu.memory_space<vmem>>, vector<1x1x16xf32>,
            %swap3A_860 = vector.shape_cast %swap3A_859 : vector<1x1x16xf32> to vector<16xf32>
            %swap3A_861 = vector.shape_cast %mul3A_854 : vector<16xf32> to vector<1x1x16xf32>
            tpu.vector_store %arg11[%swap3A_856, %swap3A_857, %swap3A_858], %swap3A_861 {strides = array<i32>} : memref<2x128x128xf32, #tpu.memory_space<vmem>>, vector<1x1x16xf32>,
            %get3A_862 = arith.constant 0 : i32
            %get3A_863 = arith.index_cast %get3A_862 : i32 to index
            %get3A_864 = arith.index_cast %add3A_760 : i32 to index
            %get3A_865 = arith.constant 112 : index
            %get3A_866 = tpu.vector_load %arg11[%get3A_863, %get3A_864, %get3A_865] {strides = array<i32>} : memref<2x128x128xf32, #tpu.memory_space<vmem>>, vector<1x1x16xf32>,
            %get3A_867 = vector.shape_cast %get3A_866 : vector<1x1x16xf32> to vector<16xf32>
            %mul3A_868 = arith.mulf %gather3A_763, %get3A_867 : vector<16xf32>
            %swap3A_869 = arith.constant 0 : i32
            %swap3A_870 = arith.index_cast %swap3A_869 : i32 to index
            %swap3A_871 = arith.index_cast %add3A_760 : i32 to index
            %swap3A_872 = arith.constant 112 : index
            %swap3A_873 = tpu.vector_load %arg11[%swap3A_870, %swap3A_871, %swap3A_872] {strides = array<i32>} : memref<2x128x128xf32, #tpu.memory_space<vmem>>, vector<1x1x16xf32>,
            %swap3A_874 = vector.shape_cast %swap3A_873 : vector<1x1x16xf32> to vector<16xf32>
            %swap3A_875 = vector.shape_cast %mul3A_868 : vector<16xf32> to vector<1x1x16xf32>
            tpu.vector_store %arg11[%swap3A_870, %swap3A_871, %swap3A_872], %swap3A_875 {strides = array<i32>} : memref<2x128x128xf32, #tpu.memory_space<vmem>>, vector<1x1x16xf32>,
          }
          %scan3A_406 = arith.constant 16 : i32
        }
        %scan3A_293 = arith.constant 8 : i32
        %dma_start3A_294 = arith.constant 0 : i32
        %dma_start3A_295 = arith.constant 0 : i32
        %dma_start3A_296 = arith.constant 0 : i32
        %dma_start3A_297 = tpu.memref_slice %arg11[%dma_start3A_294, %dma_start3A_295, %dma_start3A_296] : memref<2x128x128xf32, #tpu.memory_space<vmem>> -> memref<1x128x128xf32, #tpu.memory_space<vmem>>
        %dma_start3A_298 = tpu.memref_squeeze %dma_start3A_297 : memref<1x128x128xf32, #tpu.memory_space<vmem>> -> memref<128x128xf32, #tpu.memory_space<vmem>>
        %dma_start3A_299 = arith.constant 0 : i32
        %dma_start3A_300 = tpu.memref_slice %arg9[%mul3A_170, %dma_start3A_299] : memref<40x128xi32, #tpu.memory_space<vmem>> -> memref<1x128xi32, #tpu.memory_space<vmem>>
        %dma_start3A_301 = tpu.memref_squeeze %dma_start3A_300 : memref<1x128xi32, #tpu.memory_space<vmem>> -> memref<128xi32, #tpu.memory_space<vmem>>
        %dma_start3A_302 = arith.constant 0 : i32
        %dma_start3A_303 = arith.constant 0 : i32
        %dma_start3A_304 = tpu.memref_slice %arg12[%dma_start3A_302, %dma_start3A_303] : memref<10240x128xf32, #tpu.memory_space<vmem_shared>> -> memref<10240x128xf32, #tpu.memory_space<vmem_shared>>
        tpu.enqueue_indirect_dma source(%dma_start3A_298 : memref<128x128xf32, #tpu.memory_space<vmem>>) target(%dma_start3A_304 : memref<10240x128xf32, #tpu.memory_space<vmem_shared>>) offsets(%dma_start3A_301 : memref<128xi32, #tpu.memory_space<vmem>>) semaphore(%arg15 : memref<!tpu.dma_semaphore, #tpu.memory_space<semaphore_mem>>) {add = true}
        %dma_wait3A_305 = arith.constant 0 : i32
        %dma_wait3A_306 = arith.constant 0 : i32
        %dma_wait3A_307 = arith.constant 1 : i32
        %dma_wait3A_308 = arith.constant 0 : i32
        %dma_wait3A_309 = arith.constant 0 : i32
        %dma_wait3A_310 = tpu.memref_slice %arg11[%dma_wait3A_307, %dma_wait3A_308, %dma_wait3A_309] : memref<2x128x128xf32, #tpu.memory_space<vmem>> -> memref<1x64x128xf32, #tpu.memory_space<vmem>>
        %dma_wait3A_311 = tpu.memref_squeeze %dma_wait3A_310 : memref<1x64x128xf32, #tpu.memory_space<vmem>> -> memref<64x128xf32, #tpu.memory_space<vmem>>
        %dma_wait3A_312 = arith.constant 0 : i32
        %dma_wait3A_313 = tpu.memref_slice %arg8[%dma_wait3A_306, %dma_wait3A_312] : memref<40x128xi32, #tpu.memory_space<vmem>> -> memref<1x64xi32, #tpu.memory_space<vmem>>
        %dma_wait3A_314 = tpu.memref_squeeze %dma_wait3A_313 : memref<1x64xi32, #tpu.memory_space<vmem>> -> memref<64xi32, #tpu.memory_space<vmem>>
        %dma_wait3A_315 = arith.constant 0 : i32
        %dma_wait3A_316 = arith.constant 0 : i32
        %dma_wait3A_317 = tpu.memref_slice %arg2[%dma_wait3A_305, %dma_wait3A_315, %dma_wait3A_316] : memref<2x10000x128xf32, #tpu.memory_space<hbm>> -> memref<1x10000x128xf32, #tpu.memory_space<hbm>>
        %dma_wait3A_318 = tpu.memref_squeeze %dma_wait3A_317 : memref<1x10000x128xf32, #tpu.memory_space<hbm>> -> memref<10000x128xf32, #tpu.memory_space<hbm>>
        %dma_wait3A_319 = arith.constant 0 : i32
        %dma_wait3A_320 = arith.constant 0 : i32
        %dma_wait3A_321 = tpu.memref_slice %dma_wait3A_318[%dma_wait3A_319, %dma_wait3A_320] : memref<10000x128xf32, #tpu.memory_space<hbm>> -> memref<10000x128xf32, #tpu.memory_space<hbm>>
        tpu.wait_indirect_dma semaphore(%arg14 : memref<!tpu.dma_semaphore, #tpu.memory_space<semaphore_mem>>) src(%dma_wait3A_321 : memref<10000x128xf32, #tpu.memory_space<hbm>>) dst(%dma_wait3A_311 : memref<64x128xf32, #tpu.memory_space<vmem>>)
        %dma_wait3A_322 = arith.constant 0 : i32
        %dma_wait3A_323 = arith.constant 0 : i32
        %dma_wait3A_324 = arith.constant 1 : i32
        %dma_wait3A_325 = arith.constant 64 : i32
        %dma_wait3A_326 = arith.constant 0 : i32
        %dma_wait3A_327 = tpu.memref_slice %arg11[%dma_wait3A_324, %dma_wait3A_325, %dma_wait3A_326] : memref<2x128x128xf32, #tpu.memory_space<vmem>> -> memref<1x64x128xf32, #tpu.memory_space<vmem>>
        %dma_wait3A_328 = tpu.memref_squeeze %dma_wait3A_327 : memref<1x64x128xf32, #tpu.memory_space<vmem>> -> memref<64x128xf32, #tpu.memory_space<vmem>>
        %dma_wait3A_329 = arith.constant 0 : i32
        %dma_wait3A_330 = tpu.memref_slice %arg8[%dma_wait3A_323, %dma_wait3A_329] : memref<40x128xi32, #tpu.memory_space<vmem>> -> memref<1x64xi32, #tpu.memory_space<vmem>>
        %dma_wait3A_331 = tpu.memref_squeeze %dma_wait3A_330 : memref<1x64xi32, #tpu.memory_space<vmem>> -> memref<64xi32, #tpu.memory_space<vmem>>
        %dma_wait3A_332 = arith.constant 0 : i32
        %dma_wait3A_333 = arith.constant 0 : i32
        %dma_wait3A_334 = tpu.memref_slice %arg2[%dma_wait3A_322, %dma_wait3A_332, %dma_wait3A_333] : memref<2x10000x128xf32, #tpu.memory_space<hbm>> -> memref<1x10000x128xf32, #tpu.memory_space<hbm>>
        %dma_wait3A_335 = tpu.memref_squeeze %dma_wait3A_334 : memref<1x10000x128xf32, #tpu.memory_space<hbm>> -> memref<10000x128xf32, #tpu.memory_space<hbm>>
        %dma_wait3A_336 = arith.constant 0 : i32
        %dma_wait3A_337 = arith.constant 0 : i32
        %dma_wait3A_338 = tpu.memref_slice %dma_wait3A_335[%dma_wait3A_336, %dma_wait3A_337] : memref<10000x128xf32, #tpu.memory_space<hbm>> -> memref<10000x128xf32, #tpu.memory_space<hbm>>
        tpu.wait_indirect_dma semaphore(%arg14 : memref<!tpu.dma_semaphore, #tpu.memory_space<semaphore_mem>>) src(%dma_wait3A_338 : memref<10000x128xf32, #tpu.memory_space<hbm>>) dst(%dma_wait3A_328 : memref<64x128xf32, #tpu.memory_space<vmem>>)
        %dma_wait3A_339 = arith.constant 0 : i32
        %dma_wait3A_340 = arith.constant 0 : i32
        %dma_wait3A_341 = arith.constant 0 : i32
        %dma_wait3A_342 = arith.constant 1 : i32
        %dma_wait3A_343 = arith.constant 0 : i32
        %dma_wait3A_344 = tpu.memref_slice %arg10[%dma_wait3A_342, %dma_wait3A_343] : memref<2x384xf32, #tpu.memory_space<vmem>> -> memref<1x128xf32, #tpu.memory_space<vmem>>
        %dma_wait3A_345 = tpu.memref_squeeze %dma_wait3A_344 : memref<1x128xf32, #tpu.memory_space<vmem>> -> memref<128xf32, #tpu.memory_space<vmem>>
        %dma_wait3A_346 = arith.constant 0 : i32
        %dma_wait3A_347 = tpu.memref_slice %arg5[%dma_wait3A_339, %dma_wait3A_340, %dma_wait3A_341, %dma_wait3A_346] : memref<3x32x40x128xf32, #tpu.memory_space<hbm>> -> memref<1x1x1x128xf32, #tpu.memory_space<hbm>>
        %dma_wait3A_348 = tpu.memref_squeeze %dma_wait3A_347 : memref<1x1x1x128xf32, #tpu.memory_space<hbm>> -> memref<128xf32, #tpu.memory_space<hbm>>
        %dma_wait3A_349 = arith.constant 0 : i32
        %dma_wait3A_350 = tpu.memref_slice %arg10[%dma_wait3A_342, %dma_wait3A_349] : memref<2x384xf32, #tpu.memory_space<vmem>> -> memref<1x128xf32, #tpu.memory_space<vmem>>
        %dma_wait3A_351 = tpu.memref_squeeze %dma_wait3A_350 : memref<1x128xf32, #tpu.memory_space<vmem>> -> memref<128xf32, #tpu.memory_space<vmem>>
        %dma_wait3A_352 = arith.constant 0 : i32
        %dma_wait3A_353 = tpu.memref_slice %arg5[%dma_wait3A_339, %dma_wait3A_340, %dma_wait3A_341, %dma_wait3A_352] : memref<3x32x40x128xf32, #tpu.memory_space<hbm>> -> memref<1x1x1x128xf32, #tpu.memory_space<hbm>>
        %dma_wait3A_354 = tpu.memref_squeeze %dma_wait3A_353 : memref<1x1x1x128xf32, #tpu.memory_space<hbm>> -> memref<128xf32, #tpu.memory_space<hbm>>
        tpu.wait_dma2 semaphore(%arg14 : memref<!tpu.dma_semaphore, #tpu.memory_space<semaphore_mem>>) src(%dma_wait3A_354 : memref<128xf32, #tpu.memory_space<hbm>>) dst(%dma_wait3A_351 : memref<128xf32, #tpu.memory_space<vmem>>)
        %dma_wait3A_355 = arith.constant 0 : i32
        %dma_wait3A_356 = arith.constant 0 : i32
        %dma_wait3A_357 = arith.constant 0 : i32
        %dma_wait3A_358 = tpu.memref_slice %arg11[%dma_wait3A_355, %dma_wait3A_356, %dma_wait3A_357] : memref<2x128x128xf32, #tpu.memory_space<vmem>> -> memref<1x128x128xf32, #tpu.memory_space<vmem>>
        %dma_wait3A_359 = tpu.memref_squeeze %dma_wait3A_358 : memref<1x128x128xf32, #tpu.memory_space<vmem>> -> memref<128x128xf32, #tpu.memory_space<vmem>>
        %dma_wait3A_360 = arith.constant 0 : i32
        %dma_wait3A_361 = arith.constant 0 : i32
        %dma_wait3A_362 = tpu.memref_slice %arg12[%dma_wait3A_360, %dma_wait3A_361] : memref<10240x128xf32, #tpu.memory_space<vmem_shared>> -> memref<128x128xf32, #tpu.memory_space<vmem_shared>>
        %dma_wait3A_363 = arith.constant 0 : i32
        %dma_wait3A_364 = arith.constant 0 : i32
        %dma_wait3A_365 = tpu.memref_slice %arg12[%dma_wait3A_363, %dma_wait3A_364] : memref<10240x128xf32, #tpu.memory_space<vmem_shared>> -> memref<128x128xf32, #tpu.memory_space<vmem_shared>>
        %dma_wait3A_366 = arith.constant 0 : i32
        %dma_wait3A_367 = arith.constant 0 : i32
        %dma_wait3A_368 = tpu.memref_slice %arg11[%dma_wait3A_355, %dma_wait3A_366, %dma_wait3A_367] : memref<2x128x128xf32, #tpu.memory_space<vmem>> -> memref<1x128x128xf32, #tpu.memory_space<vmem>>
        %dma_wait3A_369 = tpu.memref_squeeze %dma_wait3A_368 : memref<1x128x128xf32, #tpu.memory_space<vmem>> -> memref<128x128xf32, #tpu.memory_space<vmem>>
        tpu.wait_dma2 semaphore(%arg15 : memref<!tpu.dma_semaphore, #tpu.memory_space<semaphore_mem>>) src(%dma_wait3A_369 : memref<128x128xf32, #tpu.memory_space<vmem>>) dst(%dma_wait3A_365 : memref<128x128xf32, #tpu.memory_space<vmem_shared>>)
        %add3A_370 = arith.constant 1 : i32
        %add3A_371 = arith.addi %add3A_172, %add3A_370 : i32
        %lt3A_372 = arith.constant 40 : i32
        %lt3A_373 = arith.cmpi slt, %add3A_371, %lt3A_372 : i32
        %convert_element_type3A_374 = arith.extui %lt3A_373 : i1 to i32
        %cond3A_375 = arith.constant 0 : i32
        %cond3A_376 = arith.cmpi ne, %convert_element_type3A_374, %cond3A_375 : i32
        scf.if %cond3A_376 {
          %add3A_393 = arith.constant 1 : i32
          %add3A_394 = arith.addi %add3A_172, %add3A_393 : i32
          %jit3A_395 = arith.constant 3 : i32
          %div3A_396 = arith.divsi %scan3A_137, %jit3A_395 : i32
          %sign3A_397 = arith.constant 0 : i32
          %sign3A_398 = arith.cmpi sgt, %scan3A_137, %sign3A_397 : i32
          %sign3A_399 = arith.extui %sign3A_398 : i1 to i32
          %sign3A_400 = arith.constant 0 : i32
          %sign3A_401 = arith.cmpi slt, %scan3A_137, %sign3A_400 : i32
          %sign3A_402 = arith.extui %sign3A_401 : i1 to i32
          %sign3A_403 = arith.subi %sign3A_399, %sign3A_402 : i32
          %sign3A_404 = arith.constant 0 : i32
          %sign3A_405 = arith.cmpi sgt, %jit3A_395, %sign3A_404 : i32
          %sign3A_406 = arith.extui %sign3A_405 : i1 to i32
          %sign3A_407 = arith.constant 0 : i32
          %sign3A_408 = arith.cmpi slt, %jit3A_395, %sign3A_407 : i32
          %sign3A_409 = arith.extui %sign3A_408 : i1 to i32
          %sign3A_410 = arith.subi %sign3A_406, %sign3A_409 : i32
          %ne3A_411 = arith.cmpi ne, %sign3A_403, %sign3A_410 : i32
          %rem3A_412 = arith.remsi %scan3A_137, %jit3A_395 : i32
          %ne3A_413 = arith.constant 0 : i32
          %ne3A_414 = arith.cmpi ne, %rem3A_412, %ne3A_413 : i32
          %and3A_415 = arith.andi %ne3A_411, %ne3A_414 : i1
          %sub3A_416 = arith.constant 1 : i32
          %sub3A_417 = arith.subi %div3A_396, %sub3A_416 : i32
          %select_n3A_418 = arith.select %and3A_415, %sub3A_417, %div3A_396 : i32
          %mul3A_419 = arith.constant 3 : i32
          %mul3A_420 = arith.muli %mul3A_419, %select_n3A_418 : i32
          %sub3A_421 = arith.subi %scan3A_137, %mul3A_420 : i32
          %dma_start3A_422 = arith.constant 0 : i32
          %dma_start3A_423 = arith.constant 0 : i32
          %dma_start3A_424 = arith.constant 0 : i32
          %dma_start3A_425 = tpu.memref_slice %arg11[%dma_start3A_422, %dma_start3A_423, %dma_start3A_424] : memref<2x128x128xf32, #tpu.memory_space<vmem>> -> memref<1x64x128xf32, #tpu.memory_space<vmem>>
          %dma_start3A_426 = tpu.memref_squeeze %dma_start3A_425 : memref<1x64x128xf32, #tpu.memory_space<vmem>> -> memref<64x128xf32, #tpu.memory_space<vmem>>
          %dma_start3A_427 = arith.constant 0 : i32
          %dma_start3A_428 = tpu.memref_slice %arg8[%add3A_394, %dma_start3A_427] : memref<40x128xi32, #tpu.memory_space<vmem>> -> memref<1x64xi32, #tpu.memory_space<vmem>>
          %dma_start3A_429 = tpu.memref_squeeze %dma_start3A_428 : memref<1x64xi32, #tpu.memory_space<vmem>> -> memref<64xi32, #tpu.memory_space<vmem>>
          %dma_start3A_430 = arith.constant 0 : i32
          %dma_start3A_431 = arith.constant 0 : i32
          %dma_start3A_432 = tpu.memref_slice %arg2[%select_n3A_418, %dma_start3A_430, %dma_start3A_431] : memref<2x10000x128xf32, #tpu.memory_space<hbm>> -> memref<1x10000x128xf32, #tpu.memory_space<hbm>>
          %dma_start3A_433 = tpu.memref_squeeze %dma_start3A_432 : memref<1x10000x128xf32, #tpu.memory_space<hbm>> -> memref<10000x128xf32, #tpu.memory_space<hbm>>
          %dma_start3A_434 = arith.constant 0 : i32
          %dma_start3A_435 = arith.constant 0 : i32
          %dma_start3A_436 = tpu.memref_slice %dma_start3A_433[%dma_start3A_434, %dma_start3A_435] : memref<10000x128xf32, #tpu.memory_space<hbm>> -> memref<10000x128xf32, #tpu.memory_space<hbm>>
          tpu.enqueue_indirect_dma source(%dma_start3A_436 : memref<10000x128xf32, #tpu.memory_space<hbm>>) target(%dma_start3A_426 : memref<64x128xf32, #tpu.memory_space<vmem>>) offsets(%dma_start3A_429 : memref<64xi32, #tpu.memory_space<vmem>>) semaphore(%arg13 : memref<!tpu.dma_semaphore, #tpu.memory_space<semaphore_mem>>)
          %dma_start3A_437 = arith.constant 0 : i32
          %dma_start3A_438 = arith.constant 64 : i32
          %dma_start3A_439 = arith.constant 0 : i32
          %dma_start3A_440 = tpu.memref_slice %arg11[%dma_start3A_437, %dma_start3A_438, %dma_start3A_439] : memref<2x128x128xf32, #tpu.memory_space<vmem>> -> memref<1x64x128xf32, #tpu.memory_space<vmem>>
          %dma_start3A_441 = tpu.memref_squeeze %dma_start3A_440 : memref<1x64x128xf32, #tpu.memory_space<vmem>> -> memref<64x128xf32, #tpu.memory_space<vmem>>
          %dma_start3A_442 = arith.constant 64 : i32
          %dma_start3A_443 = tpu.memref_slice %arg8[%add3A_394, %dma_start3A_442] : memref<40x128xi32, #tpu.memory_space<vmem>> -> memref<1x64xi32, #tpu.memory_space<vmem>>
          %dma_start3A_444 = tpu.memref_squeeze %dma_start3A_443 : memref<1x64xi32, #tpu.memory_space<vmem>> -> memref<64xi32, #tpu.memory_space<vmem>>
          %dma_start3A_445 = arith.constant 0 : i32
          %dma_start3A_446 = arith.constant 0 : i32
          %dma_start3A_447 = tpu.memref_slice %arg2[%select_n3A_418, %dma_start3A_445, %dma_start3A_446] : memref<2x10000x128xf32, #tpu.memory_space<hbm>> -> memref<1x10000x128xf32, #tpu.memory_space<hbm>>
          %dma_start3A_448 = tpu.memref_squeeze %dma_start3A_447 : memref<1x10000x128xf32, #tpu.memory_space<hbm>> -> memref<10000x128xf32, #tpu.memory_space<hbm>>
          %dma_start3A_449 = arith.constant 0 : i32
          %dma_start3A_450 = arith.constant 0 : i32
          %dma_start3A_451 = tpu.memref_slice %dma_start3A_448[%dma_start3A_449, %dma_start3A_450] : memref<10000x128xf32, #tpu.memory_space<hbm>> -> memref<10000x128xf32, #tpu.memory_space<hbm>>
          tpu.enqueue_indirect_dma source(%dma_start3A_451 : memref<10000x128xf32, #tpu.memory_space<hbm>>) target(%dma_start3A_441 : memref<64x128xf32, #tpu.memory_space<vmem>>) offsets(%dma_start3A_444 : memref<64xi32, #tpu.memory_space<vmem>>) semaphore(%arg13 : memref<!tpu.dma_semaphore, #tpu.memory_space<semaphore_mem>>)
          %dma_start3A_452 = arith.constant 0 : i32
          %dma_start3A_453 = arith.constant 0 : i32
          %dma_start3A_454 = tpu.memref_slice %arg10[%dma_start3A_452, %dma_start3A_453] : memref<2x384xf32, #tpu.memory_space<vmem>> -> memref<1x128xf32, #tpu.memory_space<vmem>>
          %dma_start3A_455 = tpu.memref_squeeze %dma_start3A_454 : memref<1x128xf32, #tpu.memory_space<vmem>> -> memref<128xf32, #tpu.memory_space<vmem>>
          %dma_start3A_456 = arith.constant 0 : i32
          %dma_start3A_457 = tpu.memref_slice %arg5[%sub3A_421, %add3A, %add3A_394, %dma_start3A_456] : memref<3x32x40x128xf32, #tpu.memory_space<hbm>> -> memref<1x1x1x128xf32, #tpu.memory_space<hbm>>
          %dma_start3A_458 = tpu.memref_squeeze %dma_start3A_457 : memref<1x1x1x128xf32, #tpu.memory_space<hbm>> -> memref<128xf32, #tpu.memory_space<hbm>>
          %dma_start3A_459 = arith.constant 0 : i32
          %dma_start3A_460 = tpu.memref_slice %arg10[%dma_start3A_452, %dma_start3A_459] : memref<2x384xf32, #tpu.memory_space<vmem>> -> memref<1x128xf32, #tpu.memory_space<vmem>>
          %dma_start3A_461 = tpu.memref_squeeze %dma_start3A_460 : memref<1x128xf32, #tpu.memory_space<vmem>> -> memref<128xf32, #tpu.memory_space<vmem>>
          %dma_start3A_462 = arith.constant 0 : i32
          %dma_start3A_463 = tpu.memref_slice %arg5[%sub3A_421, %add3A, %add3A_394, %dma_start3A_462] : memref<3x32x40x128xf32, #tpu.memory_space<hbm>> -> memref<1x1x1x128xf32, #tpu.memory_space<hbm>>
          %dma_start3A_464 = tpu.memref_squeeze %dma_start3A_463 : memref<1x1x1x128xf32, #tpu.memory_space<hbm>> -> memref<128xf32, #tpu.memory_space<hbm>>
          tpu.enqueue_dma source(%dma_start3A_464 : memref<128xf32, #tpu.memory_space<hbm>>) target(%dma_start3A_461 : memref<128xf32, #tpu.memory_space<vmem>>) target_semaphore(%arg13 : memref<!tpu.dma_semaphore, #tpu.memory_space<semaphore_mem>>)
        } else {
        }
        %scan3A_377 = arith.constant 0 : i32
        %scan3A_378 = arith.constant 8 : i32
        %scan3A_379 = arith.addi %scan3A_377, %scan3A_378 : i32
        %scan3A_380 = arith.constant 1 : i32
        scf.for %scan3A_393 = %scan3A_377 to %scan3A_379 step %scan3A_380  : i32 {
          %mul3A_394 = arith.constant 16 : i32
          %mul3A_395 = arith.muli %scan3A_393, %mul3A_394 : i32
          %mul3A_396 = arith.constant 16 : i32
          %mul3A_397 = arith.muli %scan3A_393, %mul3A_396 : i32
          %get3A = arith.constant 1 : i32
          %get3A_398 = arith.index_cast %get3A : i32 to index
          %get3A_399 = arith.index_cast %mul3A_397 : i32 to index
          %get3A_400 = tpu.vector_load %arg10[%get3A_398, %get3A_399] {strides = array<i32>} : memref<2x384xf32, #tpu.memory_space<vmem>>, vector<1x16xf32>,
          %get3A_401 = vector.shape_cast %get3A_400 : vector<1x16xf32> to vector<16xf32>
          %scan3A_402 = arith.constant 0 : i32
          %scan3A_403 = arith.constant 16 : i32
          %scan3A_404 = arith.addi %scan3A_402, %scan3A_403 : i32
          %scan3A_405 = arith.constant 4 : i32
          scf.for %scan3A_407 = %scan3A_402 to %scan3A_404 step %scan3A_405  : i32 {
            %add3A_408 = arith.addi %mul3A_395, %scan3A_407 : i32
            %broadcast_in_dim3A_409 = vector.broadcast %scan3A_407 : i32 to vector<16x1xi32>
            %gather3A = vector.shape_cast %broadcast_in_dim3A_409 : vector<16x1xi32> to vector<16xi32>
            %gather3A_410 = tpu.dynamic_gather %get3A_401[%gather3A] in [0] : vector<16xf32>, vector<16xi32> -> vector<16xf32>
            %get3A_411 = arith.constant 1 : i32
            %get3A_412 = arith.index_cast %get3A_411 : i32 to index
            %get3A_413 = arith.index_cast %add3A_408 : i32 to index
            %get3A_414 = arith.constant 0 : index
            %get3A_415 = tpu.vector_load %arg11[%get3A_412, %get3A_413, %get3A_414] {strides = array<i32>} : memref<2x128x128xf32, #tpu.memory_space<vmem>>, vector<1x1x16xf32>,
            %get3A_416 = vector.shape_cast %get3A_415 : vector<1x1x16xf32> to vector<16xf32>
            %mul3A_417 = arith.mulf %gather3A_410, %get3A_416 : vector<16xf32>
            %swap3A = arith.constant 1 : i32
            %swap3A_418 = arith.index_cast %swap3A : i32 to index
            %swap3A_419 = arith.index_cast %add3A_408 : i32 to index
            %swap3A_420 = arith.constant 0 : index
            %swap3A_421 = tpu.vector_load %arg11[%swap3A_418, %swap3A_419, %swap3A_420] {strides = array<i32>} : memref<2x128x128xf32, #tpu.memory_space<vmem>>, vector<1x1x16xf32>,
            %swap3A_422 = vector.shape_cast %swap3A_421 : vector<1x1x16xf32> to vector<16xf32>
            %swap3A_423 = vector.shape_cast %mul3A_417 : vector<16xf32> to vector<1x1x16xf32>
            tpu.vector_store %arg11[%swap3A_418, %swap3A_419, %swap3A_420], %swap3A_423 {strides = array<i32>} : memref<2x128x128xf32, #tpu.memory_space<vmem>>, vector<1x1x16xf32>,
            %get3A_424 = arith.constant 1 : i32
            %get3A_425 = arith.index_cast %get3A_424 : i32 to index
            %get3A_426 = arith.index_cast %add3A_408 : i32 to index
            %get3A_427 = arith.constant 16 : index
            %get3A_428 = tpu.vector_load %arg11[%get3A_425, %get3A_426, %get3A_427] {strides = array<i32>} : memref<2x128x128xf32, #tpu.memory_space<vmem>>, vector<1x1x16xf32>,
            %get3A_429 = vector.shape_cast %get3A_428 : vector<1x1x16xf32> to vector<16xf32>
            %mul3A_430 = arith.mulf %gather3A_410, %get3A_429 : vector<16xf32>
            %swap3A_431 = arith.constant 1 : i32
            %swap3A_432 = arith.index_cast %swap3A_431 : i32 to index
            %swap3A_433 = arith.index_cast %add3A_408 : i32 to index
            %swap3A_434 = arith.constant 16 : index
            %swap3A_435 = tpu.vector_load %arg11[%swap3A_432, %swap3A_433, %swap3A_434] {strides = array<i32>} : memref<2x128x128xf32, #tpu.memory_space<vmem>>, vector<1x1x16xf32>,
            %swap3A_436 = vector.shape_cast %swap3A_435 : vector<1x1x16xf32> to vector<16xf32>
            %swap3A_437 = vector.shape_cast %mul3A_430 : vector<16xf32> to vector<1x1x16xf32>
            tpu.vector_store %arg11[%swap3A_432, %swap3A_433, %swap3A_434], %swap3A_437 {strides = array<i32>} : memref<2x128x128xf32, #tpu.memory_space<vmem>>, vector<1x1x16xf32>,
            %get3A_438 = arith.constant 1 : i32
            %get3A_439 = arith.index_cast %get3A_438 : i32 to index
            %get3A_440 = arith.index_cast %add3A_408 : i32 to index
            %get3A_441 = arith.constant 32 : index
            %get3A_442 = tpu.vector_load %arg11[%get3A_439, %get3A_440, %get3A_441] {strides = array<i32>} : memref<2x128x128xf32, #tpu.memory_space<vmem>>, vector<1x1x16xf32>,
            %get3A_443 = vector.shape_cast %get3A_442 : vector<1x1x16xf32> to vector<16xf32>
            %mul3A_444 = arith.mulf %gather3A_410, %get3A_443 : vector<16xf32>
            %swap3A_445 = arith.constant 1 : i32
            %swap3A_446 = arith.index_cast %swap3A_445 : i32 to index
            %swap3A_447 = arith.index_cast %add3A_408 : i32 to index
            %swap3A_448 = arith.constant 32 : index
            %swap3A_449 = tpu.vector_load %arg11[%swap3A_446, %swap3A_447, %swap3A_448] {strides = array<i32>} : memref<2x128x128xf32, #tpu.memory_space<vmem>>, vector<1x1x16xf32>,
            %swap3A_450 = vector.shape_cast %swap3A_449 : vector<1x1x16xf32> to vector<16xf32>
            %swap3A_451 = vector.shape_cast %mul3A_444 : vector<16xf32> to vector<1x1x16xf32>
            tpu.vector_store %arg11[%swap3A_446, %swap3A_447, %swap3A_448], %swap3A_451 {strides = array<i32>} : memref<2x128x128xf32, #tpu.memory_space<vmem>>, vector<1x1x16xf32>,
            %get3A_452 = arith.constant 1 : i32
            %get3A_453 = arith.index_cast %get3A_452 : i32 to index
            %get3A_454 = arith.index_cast %add3A_408 : i32 to index
            %get3A_455 = arith.constant 48 : index
            %get3A_456 = tpu.vector_load %arg11[%get3A_453, %get3A_454, %get3A_455] {strides = array<i32>} : memref<2x128x128xf32, #tpu.memory_space<vmem>>, vector<1x1x16xf32>,
            %get3A_457 = vector.shape_cast %get3A_456 : vector<1x1x16xf32> to vector<16xf32>
            %mul3A_458 = arith.mulf %gather3A_410, %get3A_457 : vector<16xf32>
            %swap3A_459 = arith.constant 1 : i32
            %swap3A_460 = arith.index_cast %swap3A_459 : i32 to index
            %swap3A_461 = arith.index_cast %add3A_408 : i32 to index
            %swap3A_462 = arith.constant 48 : index
            %swap3A_463 = tpu.vector_load %arg11[%swap3A_460, %swap3A_461, %swap3A_462] {strides = array<i32>} : memref<2x128x128xf32, #tpu.memory_space<vmem>>, vector<1x1x16xf32>,
            %swap3A_464 = vector.shape_cast %swap3A_463 : vector<1x1x16xf32> to vector<16xf32>
            %swap3A_465 = vector.shape_cast %mul3A_458 : vector<16xf32> to vector<1x1x16xf32>
            tpu.vector_store %arg11[%swap3A_460, %swap3A_461, %swap3A_462], %swap3A_465 {strides = array<i32>} : memref<2x128x128xf32, #tpu.memory_space<vmem>>, vector<1x1x16xf32>,
            %get3A_466 = arith.constant 1 : i32
            %get3A_467 = arith.index_cast %get3A_466 : i32 to index
            %get3A_468 = arith.index_cast %add3A_408 : i32 to index
            %get3A_469 = arith.constant 64 : index
            %get3A_470 = tpu.vector_load %arg11[%get3A_467, %get3A_468, %get3A_469] {strides = array<i32>} : memref<2x128x128xf32, #tpu.memory_space<vmem>>, vector<1x1x16xf32>,
            %get3A_471 = vector.shape_cast %get3A_470 : vector<1x1x16xf32> to vector<16xf32>
            %mul3A_472 = arith.mulf %gather3A_410, %get3A_471 : vector<16xf32>
            %swap3A_473 = arith.constant 1 : i32
            %swap3A_474 = arith.index_cast %swap3A_473 : i32 to index
            %swap3A_475 = arith.index_cast %add3A_408 : i32 to index
            %swap3A_476 = arith.constant 64 : index
            %swap3A_477 = tpu.vector_load %arg11[%swap3A_474, %swap3A_475, %swap3A_476] {strides = array<i32>} : memref<2x128x128xf32, #tpu.memory_space<vmem>>, vector<1x1x16xf32>,
            %swap3A_478 = vector.shape_cast %swap3A_477 : vector<1x1x16xf32> to vector<16xf32>
            %swap3A_479 = vector.shape_cast %mul3A_472 : vector<16xf32> to vector<1x1x16xf32>
            tpu.vector_store %arg11[%swap3A_474, %swap3A_475, %swap3A_476], %swap3A_479 {strides = array<i32>} : memref<2x128x128xf32, #tpu.memory_space<vmem>>, vector<1x1x16xf32>,
            %get3A_480 = arith.constant 1 : i32
            %get3A_481 = arith.index_cast %get3A_480 : i32 to index
            %get3A_482 = arith.index_cast %add3A_408 : i32 to index
            %get3A_483 = arith.constant 80 : index
            %get3A_484 = tpu.vector_load %arg11[%get3A_481, %get3A_482, %get3A_483] {strides = array<i32>} : memref<2x128x128xf32, #tpu.memory_space<vmem>>, vector<1x1x16xf32>,
            %get3A_485 = vector.shape_cast %get3A_484 : vector<1x1x16xf32> to vector<16xf32>
            %mul3A_486 = arith.mulf %gather3A_410, %get3A_485 : vector<16xf32>
            %swap3A_487 = arith.constant 1 : i32
            %swap3A_488 = arith.index_cast %swap3A_487 : i32 to index
            %swap3A_489 = arith.index_cast %add3A_408 : i32 to index
            %swap3A_490 = arith.constant 80 : index
            %swap3A_491 = tpu.vector_load %arg11[%swap3A_488, %swap3A_489, %swap3A_490] {strides = array<i32>} : memref<2x128x128xf32, #tpu.memory_space<vmem>>, vector<1x1x16xf32>,
            %swap3A_492 = vector.shape_cast %swap3A_491 : vector<1x1x16xf32> to vector<16xf32>
            %swap3A_493 = vector.shape_cast %mul3A_486 : vector<16xf32> to vector<1x1x16xf32>
            tpu.vector_store %arg11[%swap3A_488, %swap3A_489, %swap3A_490], %swap3A_493 {strides = array<i32>} : memref<2x128x128xf32, #tpu.memory_space<vmem>>, vector<1x1x16xf32>,
            %get3A_494 = arith.constant 1 : i32
            %get3A_495 = arith.index_cast %get3A_494 : i32 to index
            %get3A_496 = arith.index_cast %add3A_408 : i32 to index
            %get3A_497 = arith.constant 96 : index
            %get3A_498 = tpu.vector_load %arg11[%get3A_495, %get3A_496, %get3A_497] {strides = array<i32>} : memref<2x128x128xf32, #tpu.memory_space<vmem>>, vector<1x1x16xf32>,
            %get3A_499 = vector.shape_cast %get3A_498 : vector<1x1x16xf32> to vector<16xf32>
            %mul3A_500 = arith.mulf %gather3A_410, %get3A_499 : vector<16xf32>
            %swap3A_501 = arith.constant 1 : i32
            %swap3A_502 = arith.index_cast %swap3A_501 : i32 to index
            %swap3A_503 = arith.index_cast %add3A_408 : i32 to index
            %swap3A_504 = arith.constant 96 : index
            %swap3A_505 = tpu.vector_load %arg11[%swap3A_502, %swap3A_503, %swap3A_504] {strides = array<i32>} : memref<2x128x128xf32, #tpu.memory_space<vmem>>, vector<1x1x16xf32>,
            %swap3A_506 = vector.shape_cast %swap3A_505 : vector<1x1x16xf32> to vector<16xf32>
            %swap3A_507 = vector.shape_cast %mul3A_500 : vector<16xf32> to vector<1x1x16xf32>
            tpu.vector_store %arg11[%swap3A_502, %swap3A_503, %swap3A_504], %swap3A_507 {strides = array<i32>} : memref<2x128x128xf32, #tpu.memory_space<vmem>>, vector<1x1x16xf32>,
            %get3A_508 = arith.constant 1 : i32
            %get3A_509 = arith.index_cast %get3A_508 : i32 to index
            %get3A_510 = arith.index_cast %add3A_408 : i32 to index
            %get3A_511 = arith.constant 112 : index
            %get3A_512 = tpu.vector_load %arg11[%get3A_509, %get3A_510, %get3A_511] {strides = array<i32>} : memref<2x128x128xf32, #tpu.memory_space<vmem>>, vector<1x1x16xf32>,
            %get3A_513 = vector.shape_cast %get3A_512 : vector<1x1x16xf32> to vector<16xf32>
            %mul3A_514 = arith.mulf %gather3A_410, %get3A_513 : vector<16xf32>
            %swap3A_515 = arith.constant 1 : i32
            %swap3A_516 = arith.index_cast %swap3A_515 : i32 to index
            %swap3A_517 = arith.index_cast %add3A_408 : i32 to index
            %swap3A_518 = arith.constant 112 : index
            %swap3A_519 = tpu.vector_load %arg11[%swap3A_516, %swap3A_517, %swap3A_518] {strides = array<i32>} : memref<2x128x128xf32, #tpu.memory_space<vmem>>, vector<1x1x16xf32>,
            %swap3A_520 = vector.shape_cast %swap3A_519 : vector<1x1x16xf32> to vector<16xf32>
            %swap3A_521 = vector.shape_cast %mul3A_514 : vector<16xf32> to vector<1x1x16xf32>
            tpu.vector_store %arg11[%swap3A_516, %swap3A_517, %swap3A_518], %swap3A_521 {strides = array<i32>} : memref<2x128x128xf32, #tpu.memory_space<vmem>>, vector<1x1x16xf32>,
            %scan3A_522 = arith.constant 1 : i32
            %scan3A_523 = arith.addi %scan3A_407, %scan3A_522 : i32
            %add3A_524 = arith.addi %mul3A_395, %scan3A_523 : i32
            %broadcast_in_dim3A_525 = vector.broadcast %scan3A_523 : i32 to vector<16x1xi32>
            %gather3A_526 = vector.shape_cast %broadcast_in_dim3A_525 : vector<16x1xi32> to vector<16xi32>
            %gather3A_527 = tpu.dynamic_gather %get3A_401[%gather3A_526] in [0] : vector<16xf32>, vector<16xi32> -> vector<16xf32>
            %get3A_528 = arith.constant 1 : i32
            %get3A_529 = arith.index_cast %get3A_528 : i32 to index
            %get3A_530 = arith.index_cast %add3A_524 : i32 to index
            %get3A_531 = arith.constant 0 : index
            %get3A_532 = tpu.vector_load %arg11[%get3A_529, %get3A_530, %get3A_531] {strides = array<i32>} : memref<2x128x128xf32, #tpu.memory_space<vmem>>, vector<1x1x16xf32>,
            %get3A_533 = vector.shape_cast %get3A_532 : vector<1x1x16xf32> to vector<16xf32>
            %mul3A_534 = arith.mulf %gather3A_527, %get3A_533 : vector<16xf32>
            %swap3A_535 = arith.constant 1 : i32
            %swap3A_536 = arith.index_cast %swap3A_535 : i32 to index
            %swap3A_537 = arith.index_cast %add3A_524 : i32 to index
            %swap3A_538 = arith.constant 0 : index
            %swap3A_539 = tpu.vector_load %arg11[%swap3A_536, %swap3A_537, %swap3A_538] {strides = array<i32>} : memref<2x128x128xf32, #tpu.memory_space<vmem>>, vector<1x1x16xf32>,
            %swap3A_540 = vector.shape_cast %swap3A_539 : vector<1x1x16xf32> to vector<16xf32>
            %swap3A_541 = vector.shape_cast %mul3A_534 : vector<16xf32> to vector<1x1x16xf32>
            tpu.vector_store %arg11[%swap3A_536, %swap3A_537, %swap3A_538], %swap3A_541 {strides = array<i32>} : memref<2x128x128xf32, #tpu.memory_space<vmem>>, vector<1x1x16xf32>,
            %get3A_542 = arith.constant 1 : i32
            %get3A_543 = arith.index_cast %get3A_542 : i32 to index
            %get3A_544 = arith.index_cast %add3A_524 : i32 to index
            %get3A_545 = arith.constant 16 : index
            %get3A_546 = tpu.vector_load %arg11[%get3A_543, %get3A_544, %get3A_545] {strides = array<i32>} : memref<2x128x128xf32, #tpu.memory_space<vmem>>, vector<1x1x16xf32>,
            %get3A_547 = vector.shape_cast %get3A_546 : vector<1x1x16xf32> to vector<16xf32>
            %mul3A_548 = arith.mulf %gather3A_527, %get3A_547 : vector<16xf32>
            %swap3A_549 = arith.constant 1 : i32
            %swap3A_550 = arith.index_cast %swap3A_549 : i32 to index
            %swap3A_551 = arith.index_cast %add3A_524 : i32 to index
            %swap3A_552 = arith.constant 16 : index
            %swap3A_553 = tpu.vector_load %arg11[%swap3A_550, %swap3A_551, %swap3A_552] {strides = array<i32>} : memref<2x128x128xf32, #tpu.memory_space<vmem>>, vector<1x1x16xf32>,
            %swap3A_554 = vector.shape_cast %swap3A_553 : vector<1x1x16xf32> to vector<16xf32>
            %swap3A_555 = vector.shape_cast %mul3A_548 : vector<16xf32> to vector<1x1x16xf32>
            tpu.vector_store %arg11[%swap3A_550, %swap3A_551, %swap3A_552], %swap3A_555 {strides = array<i32>} : memref<2x128x128xf32, #tpu.memory_space<vmem>>, vector<1x1x16xf32>,
            %get3A_556 = arith.constant 1 : i32
            %get3A_557 = arith.index_cast %get3A_556 : i32 to index
            %get3A_558 = arith.index_cast %add3A_524 : i32 to index
            %get3A_559 = arith.constant 32 : index
            %get3A_560 = tpu.vector_load %arg11[%get3A_557, %get3A_558, %get3A_559] {strides = array<i32>} : memref<2x128x128xf32, #tpu.memory_space<vmem>>, vector<1x1x16xf32>,
            %get3A_561 = vector.shape_cast %get3A_560 : vector<1x1x16xf32> to vector<16xf32>
            %mul3A_562 = arith.mulf %gather3A_527, %get3A_561 : vector<16xf32>
            %swap3A_563 = arith.constant 1 : i32
            %swap3A_564 = arith.index_cast %swap3A_563 : i32 to index
            %swap3A_565 = arith.index_cast %add3A_524 : i32 to index
            %swap3A_566 = arith.constant 32 : index
            %swap3A_567 = tpu.vector_load %arg11[%swap3A_564, %swap3A_565, %swap3A_566] {strides = array<i32>} : memref<2x128x128xf32, #tpu.memory_space<vmem>>, vector<1x1x16xf32>,
            %swap3A_568 = vector.shape_cast %swap3A_567 : vector<1x1x16xf32> to vector<16xf32>
            %swap3A_569 = vector.shape_cast %mul3A_562 : vector<16xf32> to vector<1x1x16xf32>
            tpu.vector_store %arg11[%swap3A_564, %swap3A_565, %swap3A_566], %swap3A_569 {strides = array<i32>} : memref<2x128x128xf32, #tpu.memory_space<vmem>>, vector<1x1x16xf32>,
            %get3A_570 = arith.constant 1 : i32
            %get3A_571 = arith.index_cast %get3A_570 : i32 to index
            %get3A_572 = arith.index_cast %add3A_524 : i32 to index
            %get3A_573 = arith.constant 48 : index
            %get3A_574 = tpu.vector_load %arg11[%get3A_571, %get3A_572, %get3A_573] {strides = array<i32>} : memref<2x128x128xf32, #tpu.memory_space<vmem>>, vector<1x1x16xf32>,
            %get3A_575 = vector.shape_cast %get3A_574 : vector<1x1x16xf32> to vector<16xf32>
            %mul3A_576 = arith.mulf %gather3A_527, %get3A_575 : vector<16xf32>
            %swap3A_577 = arith.constant 1 : i32
            %swap3A_578 = arith.index_cast %swap3A_577 : i32 to index
            %swap3A_579 = arith.index_cast %add3A_524 : i32 to index
            %swap3A_580 = arith.constant 48 : index
            %swap3A_581 = tpu.vector_load %arg11[%swap3A_578, %swap3A_579, %swap3A_580] {strides = array<i32>} : memref<2x128x128xf32, #tpu.memory_space<vmem>>, vector<1x1x16xf32>,
            %swap3A_582 = vector.shape_cast %swap3A_581 : vector<1x1x16xf32> to vector<16xf32>
            %swap3A_583 = vector.shape_cast %mul3A_576 : vector<16xf32> to vector<1x1x16xf32>
            tpu.vector_store %arg11[%swap3A_578, %swap3A_579, %swap3A_580], %swap3A_583 {strides = array<i32>} : memref<2x128x128xf32, #tpu.memory_space<vmem>>, vector<1x1x16xf32>,
            %get3A_584 = arith.constant 1 : i32
            %get3A_585 = arith.index_cast %get3A_584 : i32 to index
            %get3A_586 = arith.index_cast %add3A_524 : i32 to index
            %get3A_587 = arith.constant 64 : index
            %get3A_588 = tpu.vector_load %arg11[%get3A_585, %get3A_586, %get3A_587] {strides = array<i32>} : memref<2x128x128xf32, #tpu.memory_space<vmem>>, vector<1x1x16xf32>,
            %get3A_589 = vector.shape_cast %get3A_588 : vector<1x1x16xf32> to vector<16xf32>
            %mul3A_590 = arith.mulf %gather3A_527, %get3A_589 : vector<16xf32>
            %swap3A_591 = arith.constant 1 : i32
            %swap3A_592 = arith.index_cast %swap3A_591 : i32 to index
            %swap3A_593 = arith.index_cast %add3A_524 : i32 to index
            %swap3A_594 = arith.constant 64 : index
            %swap3A_595 = tpu.vector_load %arg11[%swap3A_592, %swap3A_593, %swap3A_594] {strides = array<i32>} : memref<2x128x128xf32, #tpu.memory_space<vmem>>, vector<1x1x16xf32>,
            %swap3A_596 = vector.shape_cast %swap3A_595 : vector<1x1x16xf32> to vector<16xf32>
            %swap3A_597 = vector.shape_cast %mul3A_590 : vector<16xf32> to vector<1x1x16xf32>
            tpu.vector_store %arg11[%swap3A_592, %swap3A_593, %swap3A_594], %swap3A_597 {strides = array<i32>} : memref<2x128x128xf32, #tpu.memory_space<vmem>>, vector<1x1x16xf32>,
            %get3A_598 = arith.constant 1 : i32
            %get3A_599 = arith.index_cast %get3A_598 : i32 to index
            %get3A_600 = arith.index_cast %add3A_524 : i32 to index
            %get3A_601 = arith.constant 80 : index
            %get3A_602 = tpu.vector_load %arg11[%get3A_599, %get3A_600, %get3A_601] {strides = array<i32>} : memref<2x128x128xf32, #tpu.memory_space<vmem>>, vector<1x1x16xf32>,
            %get3A_603 = vector.shape_cast %get3A_602 : vector<1x1x16xf32> to vector<16xf32>
            %mul3A_604 = arith.mulf %gather3A_527, %get3A_603 : vector<16xf32>
            %swap3A_605 = arith.constant 1 : i32
            %swap3A_606 = arith.index_cast %swap3A_605 : i32 to index
            %swap3A_607 = arith.index_cast %add3A_524 : i32 to index
            %swap3A_608 = arith.constant 80 : index
            %swap3A_609 = tpu.vector_load %arg11[%swap3A_606, %swap3A_607, %swap3A_608] {strides = array<i32>} : memref<2x128x128xf32, #tpu.memory_space<vmem>>, vector<1x1x16xf32>,
            %swap3A_610 = vector.shape_cast %swap3A_609 : vector<1x1x16xf32> to vector<16xf32>
            %swap3A_611 = vector.shape_cast %mul3A_604 : vector<16xf32> to vector<1x1x16xf32>
            tpu.vector_store %arg11[%swap3A_606, %swap3A_607, %swap3A_608], %swap3A_611 {strides = array<i32>} : memref<2x128x128xf32, #tpu.memory_space<vmem>>, vector<1x1x16xf32>,
            %get3A_612 = arith.constant 1 : i32
            %get3A_613 = arith.index_cast %get3A_612 : i32 to index
            %get3A_614 = arith.index_cast %add3A_524 : i32 to index
            %get3A_615 = arith.constant 96 : index
            %get3A_616 = tpu.vector_load %arg11[%get3A_613, %get3A_614, %get3A_615] {strides = array<i32>} : memref<2x128x128xf32, #tpu.memory_space<vmem>>, vector<1x1x16xf32>,
            %get3A_617 = vector.shape_cast %get3A_616 : vector<1x1x16xf32> to vector<16xf32>
            %mul3A_618 = arith.mulf %gather3A_527, %get3A_617 : vector<16xf32>
            %swap3A_619 = arith.constant 1 : i32
            %swap3A_620 = arith.index_cast %swap3A_619 : i32 to index
            %swap3A_621 = arith.index_cast %add3A_524 : i32 to index
            %swap3A_622 = arith.constant 96 : index
            %swap3A_623 = tpu.vector_load %arg11[%swap3A_620, %swap3A_621, %swap3A_622] {strides = array<i32>} : memref<2x128x128xf32, #tpu.memory_space<vmem>>, vector<1x1x16xf32>,
            %swap3A_624 = vector.shape_cast %swap3A_623 : vector<1x1x16xf32> to vector<16xf32>
            %swap3A_625 = vector.shape_cast %mul3A_618 : vector<16xf32> to vector<1x1x16xf32>
            tpu.vector_store %arg11[%swap3A_620, %swap3A_621, %swap3A_622], %swap3A_625 {strides = array<i32>} : memref<2x128x128xf32, #tpu.memory_space<vmem>>, vector<1x1x16xf32>,
            %get3A_626 = arith.constant 1 : i32
            %get3A_627 = arith.index_cast %get3A_626 : i32 to index
            %get3A_628 = arith.index_cast %add3A_524 : i32 to index
            %get3A_629 = arith.constant 112 : index
            %get3A_630 = tpu.vector_load %arg11[%get3A_627, %get3A_628, %get3A_629] {strides = array<i32>} : memref<2x128x128xf32, #tpu.memory_space<vmem>>, vector<1x1x16xf32>,
            %get3A_631 = vector.shape_cast %get3A_630 : vector<1x1x16xf32> to vector<16xf32>
            %mul3A_632 = arith.mulf %gather3A_527, %get3A_631 : vector<16xf32>
            %swap3A_633 = arith.constant 1 : i32
            %swap3A_634 = arith.index_cast %swap3A_633 : i32 to index
            %swap3A_635 = arith.index_cast %add3A_524 : i32 to index
            %swap3A_636 = arith.constant 112 : index
            %swap3A_637 = tpu.vector_load %arg11[%swap3A_634, %swap3A_635, %swap3A_636] {strides = array<i32>} : memref<2x128x128xf32, #tpu.memory_space<vmem>>, vector<1x1x16xf32>,
            %swap3A_638 = vector.shape_cast %swap3A_637 : vector<1x1x16xf32> to vector<16xf32>
            %swap3A_639 = vector.shape_cast %mul3A_632 : vector<16xf32> to vector<1x1x16xf32>
            tpu.vector_store %arg11[%swap3A_634, %swap3A_635, %swap3A_636], %swap3A_639 {strides = array<i32>} : memref<2x128x128xf32, #tpu.memory_space<vmem>>, vector<1x1x16xf32>,
            %scan3A_640 = arith.constant 2 : i32
            %scan3A_641 = arith.addi %scan3A_407, %scan3A_640 : i32
            %add3A_642 = arith.addi %mul3A_395, %scan3A_641 : i32
            %broadcast_in_dim3A_643 = vector.broadcast %scan3A_641 : i32 to vector<16x1xi32>
            %gather3A_644 = vector.shape_cast %broadcast_in_dim3A_643 : vector<16x1xi32> to vector<16xi32>
            %gather3A_645 = tpu.dynamic_gather %get3A_401[%gather3A_644] in [0] : vector<16xf32>, vector<16xi32> -> vector<16xf32>
            %get3A_646 = arith.constant 1 : i32
            %get3A_647 = arith.index_cast %get3A_646 : i32 to index
            %get3A_648 = arith.index_cast %add3A_642 : i32 to index
            %get3A_649 = arith.constant 0 : index
            %get3A_650 = tpu.vector_load %arg11[%get3A_647, %get3A_648, %get3A_649] {strides = array<i32>} : memref<2x128x128xf32, #tpu.memory_space<vmem>>, vector<1x1x16xf32>,
            %get3A_651 = vector.shape_cast %get3A_650 : vector<1x1x16xf32> to vector<16xf32>
            %mul3A_652 = arith.mulf %gather3A_645, %get3A_651 : vector<16xf32>
            %swap3A_653 = arith.constant 1 : i32
            %swap3A_654 = arith.index_cast %swap3A_653 : i32 to index
            %swap3A_655 = arith.index_cast %add3A_642 : i32 to index
            %swap3A_656 = arith.constant 0 : index
            %swap3A_657 = tpu.vector_load %arg11[%swap3A_654, %swap3A_655, %swap3A_656] {strides = array<i32>} : memref<2x128x128xf32, #tpu.memory_space<vmem>>, vector<1x1x16xf32>,
            %swap3A_658 = vector.shape_cast %swap3A_657 : vector<1x1x16xf32> to vector<16xf32>
            %swap3A_659 = vector.shape_cast %mul3A_652 : vector<16xf32> to vector<1x1x16xf32>
            tpu.vector_store %arg11[%swap3A_654, %swap3A_655, %swap3A_656], %swap3A_659 {strides = array<i32>} : memref<2x128x128xf32, #tpu.memory_space<vmem>>, vector<1x1x16xf32>,
            %get3A_660 = arith.constant 1 : i32
            %get3A_661 = arith.index_cast %get3A_660 : i32 to index
            %get3A_662 = arith.index_cast %add3A_642 : i32 to index
            %get3A_663 = arith.constant 16 : index
            %get3A_664 = tpu.vector_load %arg11[%get3A_661, %get3A_662, %get3A_663] {strides = array<i32>} : memref<2x128x128xf32, #tpu.memory_space<vmem>>, vector<1x1x16xf32>,
            %get3A_665 = vector.shape_cast %get3A_664 : vector<1x1x16xf32> to vector<16xf32>
            %mul3A_666 = arith.mulf %gather3A_645, %get3A_665 : vector<16xf32>
            %swap3A_667 = arith.constant 1 : i32
            %swap3A_668 = arith.index_cast %swap3A_667 : i32 to index
            %swap3A_669 = arith.index_cast %add3A_642 : i32 to index
            %swap3A_670 = arith.constant 16 : index
            %swap3A_671 = tpu.vector_load %arg11[%swap3A_668, %swap3A_669, %swap3A_670] {strides = array<i32>} : memref<2x128x128xf32, #tpu.memory_space<vmem>>, vector<1x1x16xf32>,
            %swap3A_672 = vector.shape_cast %swap3A_671 : vector<1x1x16xf32> to vector<16xf32>
            %swap3A_673 = vector.shape_cast %mul3A_666 : vector<16xf32> to vector<1x1x16xf32>
            tpu.vector_store %arg11[%swap3A_668, %swap3A_669, %swap3A_670], %swap3A_673 {strides = array<i32>} : memref<2x128x128xf32, #tpu.memory_space<vmem>>, vector<1x1x16xf32>,
            %get3A_674 = arith.constant 1 : i32
            %get3A_675 = arith.index_cast %get3A_674 : i32 to index
            %get3A_676 = arith.index_cast %add3A_642 : i32 to index
            %get3A_677 = arith.constant 32 : index
            %get3A_678 = tpu.vector_load %arg11[%get3A_675, %get3A_676, %get3A_677] {strides = array<i32>} : memref<2x128x128xf32, #tpu.memory_space<vmem>>, vector<1x1x16xf32>,
            %get3A_679 = vector.shape_cast %get3A_678 : vector<1x1x16xf32> to vector<16xf32>
            %mul3A_680 = arith.mulf %gather3A_645, %get3A_679 : vector<16xf32>
            %swap3A_681 = arith.constant 1 : i32
            %swap3A_682 = arith.index_cast %swap3A_681 : i32 to index
            %swap3A_683 = arith.index_cast %add3A_642 : i32 to index
            %swap3A_684 = arith.constant 32 : index
            %swap3A_685 = tpu.vector_load %arg11[%swap3A_682, %swap3A_683, %swap3A_684] {strides = array<i32>} : memref<2x128x128xf32, #tpu.memory_space<vmem>>, vector<1x1x16xf32>,
            %swap3A_686 = vector.shape_cast %swap3A_685 : vector<1x1x16xf32> to vector<16xf32>
            %swap3A_687 = vector.shape_cast %mul3A_680 : vector<16xf32> to vector<1x1x16xf32>
            tpu.vector_store %arg11[%swap3A_682, %swap3A_683, %swap3A_684], %swap3A_687 {strides = array<i32>} : memref<2x128x128xf32, #tpu.memory_space<vmem>>, vector<1x1x16xf32>,
            %get3A_688 = arith.constant 1 : i32
            %get3A_689 = arith.index_cast %get3A_688 : i32 to index
            %get3A_690 = arith.index_cast %add3A_642 : i32 to index
            %get3A_691 = arith.constant 48 : index
            %get3A_692 = tpu.vector_load %arg11[%get3A_689, %get3A_690, %get3A_691] {strides = array<i32>} : memref<2x128x128xf32, #tpu.memory_space<vmem>>, vector<1x1x16xf32>,
            %get3A_693 = vector.shape_cast %get3A_692 : vector<1x1x16xf32> to vector<16xf32>
            %mul3A_694 = arith.mulf %gather3A_645, %get3A_693 : vector<16xf32>
            %swap3A_695 = arith.constant 1 : i32
            %swap3A_696 = arith.index_cast %swap3A_695 : i32 to index
            %swap3A_697 = arith.index_cast %add3A_642 : i32 to index
            %swap3A_698 = arith.constant 48 : index
            %swap3A_699 = tpu.vector_load %arg11[%swap3A_696, %swap3A_697, %swap3A_698] {strides = array<i32>} : memref<2x128x128xf32, #tpu.memory_space<vmem>>, vector<1x1x16xf32>,
            %swap3A_700 = vector.shape_cast %swap3A_699 : vector<1x1x16xf32> to vector<16xf32>
            %swap3A_701 = vector.shape_cast %mul3A_694 : vector<16xf32> to vector<1x1x16xf32>
            tpu.vector_store %arg11[%swap3A_696, %swap3A_697, %swap3A_698], %swap3A_701 {strides = array<i32>} : memref<2x128x128xf32, #tpu.memory_space<vmem>>, vector<1x1x16xf32>,
            %get3A_702 = arith.constant 1 : i32
            %get3A_703 = arith.index_cast %get3A_702 : i32 to index
            %get3A_704 = arith.index_cast %add3A_642 : i32 to index
            %get3A_705 = arith.constant 64 : index
            %get3A_706 = tpu.vector_load %arg11[%get3A_703, %get3A_704, %get3A_705] {strides = array<i32>} : memref<2x128x128xf32, #tpu.memory_space<vmem>>, vector<1x1x16xf32>,
            %get3A_707 = vector.shape_cast %get3A_706 : vector<1x1x16xf32> to vector<16xf32>
            %mul3A_708 = arith.mulf %gather3A_645, %get3A_707 : vector<16xf32>
            %swap3A_709 = arith.constant 1 : i32
            %swap3A_710 = arith.index_cast %swap3A_709 : i32 to index
            %swap3A_711 = arith.index_cast %add3A_642 : i32 to index
            %swap3A_712 = arith.constant 64 : index
            %swap3A_713 = tpu.vector_load %arg11[%swap3A_710, %swap3A_711, %swap3A_712] {strides = array<i32>} : memref<2x128x128xf32, #tpu.memory_space<vmem>>, vector<1x1x16xf32>,
            %swap3A_714 = vector.shape_cast %swap3A_713 : vector<1x1x16xf32> to vector<16xf32>
            %swap3A_715 = vector.shape_cast %mul3A_708 : vector<16xf32> to vector<1x1x16xf32>
            tpu.vector_store %arg11[%swap3A_710, %swap3A_711, %swap3A_712], %swap3A_715 {strides = array<i32>} : memref<2x128x128xf32, #tpu.memory_space<vmem>>, vector<1x1x16xf32>,
            %get3A_716 = arith.constant 1 : i32
            %get3A_717 = arith.index_cast %get3A_716 : i32 to index
            %get3A_718 = arith.index_cast %add3A_642 : i32 to index
            %get3A_719 = arith.constant 80 : index
            %get3A_720 = tpu.vector_load %arg11[%get3A_717, %get3A_718, %get3A_719] {strides = array<i32>} : memref<2x128x128xf32, #tpu.memory_space<vmem>>, vector<1x1x16xf32>,
            %get3A_721 = vector.shape_cast %get3A_720 : vector<1x1x16xf32> to vector<16xf32>
            %mul3A_722 = arith.mulf %gather3A_645, %get3A_721 : vector<16xf32>
            %swap3A_723 = arith.constant 1 : i32
            %swap3A_724 = arith.index_cast %swap3A_723 : i32 to index
            %swap3A_725 = arith.index_cast %add3A_642 : i32 to index
            %swap3A_726 = arith.constant 80 : index
            %swap3A_727 = tpu.vector_load %arg11[%swap3A_724, %swap3A_725, %swap3A_726] {strides = array<i32>} : memref<2x128x128xf32, #tpu.memory_space<vmem>>, vector<1x1x16xf32>,
            %swap3A_728 = vector.shape_cast %swap3A_727 : vector<1x1x16xf32> to vector<16xf32>
            %swap3A_729 = vector.shape_cast %mul3A_722 : vector<16xf32> to vector<1x1x16xf32>
            tpu.vector_store %arg11[%swap3A_724, %swap3A_725, %swap3A_726], %swap3A_729 {strides = array<i32>} : memref<2x128x128xf32, #tpu.memory_space<vmem>>, vector<1x1x16xf32>,
            %get3A_730 = arith.constant 1 : i32
            %get3A_731 = arith.index_cast %get3A_730 : i32 to index
            %get3A_732 = arith.index_cast %add3A_642 : i32 to index
            %get3A_733 = arith.constant 96 : index
            %get3A_734 = tpu.vector_load %arg11[%get3A_731, %get3A_732, %get3A_733] {strides = array<i32>} : memref<2x128x128xf32, #tpu.memory_space<vmem>>, vector<1x1x16xf32>,
            %get3A_735 = vector.shape_cast %get3A_734 : vector<1x1x16xf32> to vector<16xf32>
            %mul3A_736 = arith.mulf %gather3A_645, %get3A_735 : vector<16xf32>
            %swap3A_737 = arith.constant 1 : i32
            %swap3A_738 = arith.index_cast %swap3A_737 : i32 to index
            %swap3A_739 = arith.index_cast %add3A_642 : i32 to index
            %swap3A_740 = arith.constant 96 : index
            %swap3A_741 = tpu.vector_load %arg11[%swap3A_738, %swap3A_739, %swap3A_740] {strides = array<i32>} : memref<2x128x128xf32, #tpu.memory_space<vmem>>, vector<1x1x16xf32>,
            %swap3A_742 = vector.shape_cast %swap3A_741 : vector<1x1x16xf32> to vector<16xf32>
            %swap3A_743 = vector.shape_cast %mul3A_736 : vector<16xf32> to vector<1x1x16xf32>
            tpu.vector_store %arg11[%swap3A_738, %swap3A_739, %swap3A_740], %swap3A_743 {strides = array<i32>} : memref<2x128x128xf32, #tpu.memory_space<vmem>>, vector<1x1x16xf32>,
            %get3A_744 = arith.constant 1 : i32
            %get3A_745 = arith.index_cast %get3A_744 : i32 to index
            %get3A_746 = arith.index_cast %add3A_642 : i32 to index
            %get3A_747 = arith.constant 112 : index
            %get3A_748 = tpu.vector_load %arg11[%get3A_745, %get3A_746, %get3A_747] {strides = array<i32>} : memref<2x128x128xf32, #tpu.memory_space<vmem>>, vector<1x1x16xf32>,
            %get3A_749 = vector.shape_cast %get3A_748 : vector<1x1x16xf32> to vector<16xf32>
            %mul3A_750 = arith.mulf %gather3A_645, %get3A_749 : vector<16xf32>
            %swap3A_751 = arith.constant 1 : i32
            %swap3A_752 = arith.index_cast %swap3A_751 : i32 to index
            %swap3A_753 = arith.index_cast %add3A_642 : i32 to index
            %swap3A_754 = arith.constant 112 : index
            %swap3A_755 = tpu.vector_load %arg11[%swap3A_752, %swap3A_753, %swap3A_754] {strides = array<i32>} : memref<2x128x128xf32, #tpu.memory_space<vmem>>, vector<1x1x16xf32>,
            %swap3A_756 = vector.shape_cast %swap3A_755 : vector<1x1x16xf32> to vector<16xf32>
            %swap3A_757 = vector.shape_cast %mul3A_750 : vector<16xf32> to vector<1x1x16xf32>
            tpu.vector_store %arg11[%swap3A_752, %swap3A_753, %swap3A_754], %swap3A_757 {strides = array<i32>} : memref<2x128x128xf32, #tpu.memory_space<vmem>>, vector<1x1x16xf32>,
            %scan3A_758 = arith.constant 3 : i32
            %scan3A_759 = arith.addi %scan3A_407, %scan3A_758 : i32
            %add3A_760 = arith.addi %mul3A_395, %scan3A_759 : i32
            %broadcast_in_dim3A_761 = vector.broadcast %scan3A_759 : i32 to vector<16x1xi32>
            %gather3A_762 = vector.shape_cast %broadcast_in_dim3A_761 : vector<16x1xi32> to vector<16xi32>
            %gather3A_763 = tpu.dynamic_gather %get3A_401[%gather3A_762] in [0] : vector<16xf32>, vector<16xi32> -> vector<16xf32>
            %get3A_764 = arith.constant 1 : i32
            %get3A_765 = arith.index_cast %get3A_764 : i32 to index
            %get3A_766 = arith.index_cast %add3A_760 : i32 to index
            %get3A_767 = arith.constant 0 : index
            %get3A_768 = tpu.vector_load %arg11[%get3A_765, %get3A_766, %get3A_767] {strides = array<i32>} : memref<2x128x128xf32, #tpu.memory_space<vmem>>, vector<1x1x16xf32>,
            %get3A_769 = vector.shape_cast %get3A_768 : vector<1x1x16xf32> to vector<16xf32>
            %mul3A_770 = arith.mulf %gather3A_763, %get3A_769 : vector<16xf32>
            %swap3A_771 = arith.constant 1 : i32
            %swap3A_772 = arith.index_cast %swap3A_771 : i32 to index
            %swap3A_773 = arith.index_cast %add3A_760 : i32 to index
            %swap3A_774 = arith.constant 0 : index
            %swap3A_775 = tpu.vector_load %arg11[%swap3A_772, %swap3A_773, %swap3A_774] {strides = array<i32>} : memref<2x128x128xf32, #tpu.memory_space<vmem>>, vector<1x1x16xf32>,
            %swap3A_776 = vector.shape_cast %swap3A_775 : vector<1x1x16xf32> to vector<16xf32>
            %swap3A_777 = vector.shape_cast %mul3A_770 : vector<16xf32> to vector<1x1x16xf32>
            tpu.vector_store %arg11[%swap3A_772, %swap3A_773, %swap3A_774], %swap3A_777 {strides = array<i32>} : memref<2x128x128xf32, #tpu.memory_space<vmem>>, vector<1x1x16xf32>,
            %get3A_778 = arith.constant 1 : i32
            %get3A_779 = arith.index_cast %get3A_778 : i32 to index
            %get3A_780 = arith.index_cast %add3A_760 : i32 to index
            %get3A_781 = arith.constant 16 : index
            %get3A_782 = tpu.vector_load %arg11[%get3A_779, %get3A_780, %get3A_781] {strides = array<i32>} : memref<2x128x128xf32, #tpu.memory_space<vmem>>, vector<1x1x16xf32>,
            %get3A_783 = vector.shape_cast %get3A_782 : vector<1x1x16xf32> to vector<16xf32>
            %mul3A_784 = arith.mulf %gather3A_763, %get3A_783 : vector<16xf32>
            %swap3A_785 = arith.constant 1 : i32
            %swap3A_786 = arith.index_cast %swap3A_785 : i32 to index
            %swap3A_787 = arith.index_cast %add3A_760 : i32 to index
            %swap3A_788 = arith.constant 16 : index
            %swap3A_789 = tpu.vector_load %arg11[%swap3A_786, %swap3A_787, %swap3A_788] {strides = array<i32>} : memref<2x128x128xf32, #tpu.memory_space<vmem>>, vector<1x1x16xf32>,
            %swap3A_790 = vector.shape_cast %swap3A_789 : vector<1x1x16xf32> to vector<16xf32>
            %swap3A_791 = vector.shape_cast %mul3A_784 : vector<16xf32> to vector<1x1x16xf32>
            tpu.vector_store %arg11[%swap3A_786, %swap3A_787, %swap3A_788], %swap3A_791 {strides = array<i32>} : memref<2x128x128xf32, #tpu.memory_space<vmem>>, vector<1x1x16xf32>,
            %get3A_792 = arith.constant 1 : i32
            %get3A_793 = arith.index_cast %get3A_792 : i32 to index
            %get3A_794 = arith.index_cast %add3A_760 : i32 to index
            %get3A_795 = arith.constant 32 : index
            %get3A_796 = tpu.vector_load %arg11[%get3A_793, %get3A_794, %get3A_795] {strides = array<i32>} : memref<2x128x128xf32, #tpu.memory_space<vmem>>, vector<1x1x16xf32>,
            %get3A_797 = vector.shape_cast %get3A_796 : vector<1x1x16xf32> to vector<16xf32>
            %mul3A_798 = arith.mulf %gather3A_763, %get3A_797 : vector<16xf32>
            %swap3A_799 = arith.constant 1 : i32
            %swap3A_800 = arith.index_cast %swap3A_799 : i32 to index
            %swap3A_801 = arith.index_cast %add3A_760 : i32 to index
            %swap3A_802 = arith.constant 32 : index
            %swap3A_803 = tpu.vector_load %arg11[%swap3A_800, %swap3A_801, %swap3A_802] {strides = array<i32>} : memref<2x128x128xf32, #tpu.memory_space<vmem>>, vector<1x1x16xf32>,
            %swap3A_804 = vector.shape_cast %swap3A_803 : vector<1x1x16xf32> to vector<16xf32>
            %swap3A_805 = vector.shape_cast %mul3A_798 : vector<16xf32> to vector<1x1x16xf32>
            tpu.vector_store %arg11[%swap3A_800, %swap3A_801, %swap3A_802], %swap3A_805 {strides = array<i32>} : memref<2x128x128xf32, #tpu.memory_space<vmem>>, vector<1x1x16xf32>,
            %get3A_806 = arith.constant 1 : i32
            %get3A_807 = arith.index_cast %get3A_806 : i32 to index
            %get3A_808 = arith.index_cast %add3A_760 : i32 to index
            %get3A_809 = arith.constant 48 : index
            %get3A_810 = tpu.vector_load %arg11[%get3A_807, %get3A_808, %get3A_809] {strides = array<i32>} : memref<2x128x128xf32, #tpu.memory_space<vmem>>, vector<1x1x16xf32>,
            %get3A_811 = vector.shape_cast %get3A_810 : vector<1x1x16xf32> to vector<16xf32>
            %mul3A_812 = arith.mulf %gather3A_763, %get3A_811 : vector<16xf32>
            %swap3A_813 = arith.constant 1 : i32
            %swap3A_814 = arith.index_cast %swap3A_813 : i32 to index
            %swap3A_815 = arith.index_cast %add3A_760 : i32 to index
            %swap3A_816 = arith.constant 48 : index
            %swap3A_817 = tpu.vector_load %arg11[%swap3A_814, %swap3A_815, %swap3A_816] {strides = array<i32>} : memref<2x128x128xf32, #tpu.memory_space<vmem>>, vector<1x1x16xf32>,
            %swap3A_818 = vector.shape_cast %swap3A_817 : vector<1x1x16xf32> to vector<16xf32>
            %swap3A_819 = vector.shape_cast %mul3A_812 : vector<16xf32> to vector<1x1x16xf32>
            tpu.vector_store %arg11[%swap3A_814, %swap3A_815, %swap3A_816], %swap3A_819 {strides = array<i32>} : memref<2x128x128xf32, #tpu.memory_space<vmem>>, vector<1x1x16xf32>,
            %get3A_820 = arith.constant 1 : i32
            %get3A_821 = arith.index_cast %get3A_820 : i32 to index
            %get3A_822 = arith.index_cast %add3A_760 : i32 to index
            %get3A_823 = arith.constant 64 : index
            %get3A_824 = tpu.vector_load %arg11[%get3A_821, %get3A_822, %get3A_823] {strides = array<i32>} : memref<2x128x128xf32, #tpu.memory_space<vmem>>, vector<1x1x16xf32>,
            %get3A_825 = vector.shape_cast %get3A_824 : vector<1x1x16xf32> to vector<16xf32>
            %mul3A_826 = arith.mulf %gather3A_763, %get3A_825 : vector<16xf32>
            %swap3A_827 = arith.constant 1 : i32
            %swap3A_828 = arith.index_cast %swap3A_827 : i32 to index
            %swap3A_829 = arith.index_cast %add3A_760 : i32 to index
            %swap3A_830 = arith.constant 64 : index
            %swap3A_831 = tpu.vector_load %arg11[%swap3A_828, %swap3A_829, %swap3A_830] {strides = array<i32>} : memref<2x128x128xf32, #tpu.memory_space<vmem>>, vector<1x1x16xf32>,
            %swap3A_832 = vector.shape_cast %swap3A_831 : vector<1x1x16xf32> to vector<16xf32>
            %swap3A_833 = vector.shape_cast %mul3A_826 : vector<16xf32> to vector<1x1x16xf32>
            tpu.vector_store %arg11[%swap3A_828, %swap3A_829, %swap3A_830], %swap3A_833 {strides = array<i32>} : memref<2x128x128xf32, #tpu.memory_space<vmem>>, vector<1x1x16xf32>,
            %get3A_834 = arith.constant 1 : i32
            %get3A_835 = arith.index_cast %get3A_834 : i32 to index
            %get3A_836 = arith.index_cast %add3A_760 : i32 to index
            %get3A_837 = arith.constant 80 : index
            %get3A_838 = tpu.vector_load %arg11[%get3A_835, %get3A_836, %get3A_837] {strides = array<i32>} : memref<2x128x128xf32, #tpu.memory_space<vmem>>, vector<1x1x16xf32>,
            %get3A_839 = vector.shape_cast %get3A_838 : vector<1x1x16xf32> to vector<16xf32>
            %mul3A_840 = arith.mulf %gather3A_763, %get3A_839 : vector<16xf32>
            %swap3A_841 = arith.constant 1 : i32
            %swap3A_842 = arith.index_cast %swap3A_841 : i32 to index
            %swap3A_843 = arith.index_cast %add3A_760 : i32 to index
            %swap3A_844 = arith.constant 80 : index
            %swap3A_845 = tpu.vector_load %arg11[%swap3A_842, %swap3A_843, %swap3A_844] {strides = array<i32>} : memref<2x128x128xf32, #tpu.memory_space<vmem>>, vector<1x1x16xf32>,
            %swap3A_846 = vector.shape_cast %swap3A_845 : vector<1x1x16xf32> to vector<16xf32>
            %swap3A_847 = vector.shape_cast %mul3A_840 : vector<16xf32> to vector<1x1x16xf32>
            tpu.vector_store %arg11[%swap3A_842, %swap3A_843, %swap3A_844], %swap3A_847 {strides = array<i32>} : memref<2x128x128xf32, #tpu.memory_space<vmem>>, vector<1x1x16xf32>,
            %get3A_848 = arith.constant 1 : i32
            %get3A_849 = arith.index_cast %get3A_848 : i32 to index
            %get3A_850 = arith.index_cast %add3A_760 : i32 to index
            %get3A_851 = arith.constant 96 : index
            %get3A_852 = tpu.vector_load %arg11[%get3A_849, %get3A_850, %get3A_851] {strides = array<i32>} : memref<2x128x128xf32, #tpu.memory_space<vmem>>, vector<1x1x16xf32>,
            %get3A_853 = vector.shape_cast %get3A_852 : vector<1x1x16xf32> to vector<16xf32>
            %mul3A_854 = arith.mulf %gather3A_763, %get3A_853 : vector<16xf32>
            %swap3A_855 = arith.constant 1 : i32
            %swap3A_856 = arith.index_cast %swap3A_855 : i32 to index
            %swap3A_857 = arith.index_cast %add3A_760 : i32 to index
            %swap3A_858 = arith.constant 96 : index
            %swap3A_859 = tpu.vector_load %arg11[%swap3A_856, %swap3A_857, %swap3A_858] {strides = array<i32>} : memref<2x128x128xf32, #tpu.memory_space<vmem>>, vector<1x1x16xf32>,
            %swap3A_860 = vector.shape_cast %swap3A_859 : vector<1x1x16xf32> to vector<16xf32>
            %swap3A_861 = vector.shape_cast %mul3A_854 : vector<16xf32> to vector<1x1x16xf32>
            tpu.vector_store %arg11[%swap3A_856, %swap3A_857, %swap3A_858], %swap3A_861 {strides = array<i32>} : memref<2x128x128xf32, #tpu.memory_space<vmem>>, vector<1x1x16xf32>,
            %get3A_862 = arith.constant 1 : i32
            %get3A_863 = arith.index_cast %get3A_862 : i32 to index
            %get3A_864 = arith.index_cast %add3A_760 : i32 to index
            %get3A_865 = arith.constant 112 : index
            %get3A_866 = tpu.vector_load %arg11[%get3A_863, %get3A_864, %get3A_865] {strides = array<i32>} : memref<2x128x128xf32, #tpu.memory_space<vmem>>, vector<1x1x16xf32>,
            %get3A_867 = vector.shape_cast %get3A_866 : vector<1x1x16xf32> to vector<16xf32>
            %mul3A_868 = arith.mulf %gather3A_763, %get3A_867 : vector<16xf32>
            %swap3A_869 = arith.constant 1 : i32
            %swap3A_870 = arith.index_cast %swap3A_869 : i32 to index
            %swap3A_871 = arith.index_cast %add3A_760 : i32 to index
            %swap3A_872 = arith.constant 112 : index
            %swap3A_873 = tpu.vector_load %arg11[%swap3A_870, %swap3A_871, %swap3A_872] {strides = array<i32>} : memref<2x128x128xf32, #tpu.memory_space<vmem>>, vector<1x1x16xf32>,
            %swap3A_874 = vector.shape_cast %swap3A_873 : vector<1x1x16xf32> to vector<16xf32>
            %swap3A_875 = vector.shape_cast %mul3A_868 : vector<16xf32> to vector<1x1x16xf32>
            tpu.vector_store %arg11[%swap3A_870, %swap3A_871, %swap3A_872], %swap3A_875 {strides = array<i32>} : memref<2x128x128xf32, #tpu.memory_space<vmem>>, vector<1x1x16xf32>,
          }
          %scan3A_406 = arith.constant 16 : i32
        }
        %scan3A_381 = arith.constant 8 : i32
        %dma_start3A_382 = arith.constant 1 : i32
        %dma_start3A_383 = arith.constant 0 : i32
        %dma_start3A_384 = arith.constant 0 : i32
        %dma_start3A_385 = tpu.memref_slice %arg11[%dma_start3A_382, %dma_start3A_383, %dma_start3A_384] : memref<2x128x128xf32, #tpu.memory_space<vmem>> -> memref<1x128x128xf32, #tpu.memory_space<vmem>>
        %dma_start3A_386 = tpu.memref_squeeze %dma_start3A_385 : memref<1x128x128xf32, #tpu.memory_space<vmem>> -> memref<128x128xf32, #tpu.memory_space<vmem>>
        %dma_start3A_387 = arith.constant 0 : i32
        %dma_start3A_388 = tpu.memref_slice %arg9[%add3A_172, %dma_start3A_387] : memref<40x128xi32, #tpu.memory_space<vmem>> -> memref<1x128xi32, #tpu.memory_space<vmem>>
        %dma_start3A_389 = tpu.memref_squeeze %dma_start3A_388 : memref<1x128xi32, #tpu.memory_space<vmem>> -> memref<128xi32, #tpu.memory_space<vmem>>
        %dma_start3A_390 = arith.constant 0 : i32
        %dma_start3A_391 = arith.constant 0 : i32
        %dma_start3A_392 = tpu.memref_slice %arg12[%dma_start3A_390, %dma_start3A_391] : memref<10240x128xf32, #tpu.memory_space<vmem_shared>> -> memref<10240x128xf32, #tpu.memory_space<vmem_shared>>
        tpu.enqueue_indirect_dma source(%dma_start3A_386 : memref<128x128xf32, #tpu.memory_space<vmem>>) target(%dma_start3A_392 : memref<10240x128xf32, #tpu.memory_space<vmem_shared>>) offsets(%dma_start3A_389 : memref<128xi32, #tpu.memory_space<vmem>>) semaphore(%arg16 : memref<!tpu.dma_semaphore, #tpu.memory_space<semaphore_mem>>) {add = true}
      }
      %scan3A_144 = arith.constant 20 : i32
      %dma_wait3A_145 = arith.constant 1 : i32
      %dma_wait3A_146 = arith.constant 0 : i32
      %dma_wait3A_147 = arith.constant 0 : i32
      %dma_wait3A_148 = tpu.memref_slice %arg11[%dma_wait3A_145, %dma_wait3A_146, %dma_wait3A_147] : memref<2x128x128xf32, #tpu.memory_space<vmem>> -> memref<1x128x128xf32, #tpu.memory_space<vmem>>
      %dma_wait3A_149 = tpu.memref_squeeze %dma_wait3A_148 : memref<1x128x128xf32, #tpu.memory_space<vmem>> -> memref<128x128xf32, #tpu.memory_space<vmem>>
      %dma_wait3A_150 = arith.constant 0 : i32
      %dma_wait3A_151 = arith.constant 0 : i32
      %dma_wait3A_152 = tpu.memref_slice %arg12[%dma_wait3A_150, %dma_wait3A_151] : memref<10240x128xf32, #tpu.memory_space<vmem_shared>> -> memref<128x128xf32, #tpu.memory_space<vmem_shared>>
      %dma_wait3A_153 = arith.constant 0 : i32
      %dma_wait3A_154 = arith.constant 0 : i32
      %dma_wait3A_155 = tpu.memref_slice %arg12[%dma_wait3A_153, %dma_wait3A_154] : memref<10240x128xf32, #tpu.memory_space<vmem_shared>> -> memref<128x128xf32, #tpu.memory_space<vmem_shared>>
      %dma_wait3A_156 = arith.constant 0 : i32
      %dma_wait3A_157 = arith.constant 0 : i32
      %dma_wait3A_158 = tpu.memref_slice %arg11[%dma_wait3A_145, %dma_wait3A_156, %dma_wait3A_157] : memref<2x128x128xf32, #tpu.memory_space<vmem>> -> memref<1x128x128xf32, #tpu.memory_space<vmem>>
      %dma_wait3A_159 = tpu.memref_squeeze %dma_wait3A_158 : memref<1x128x128xf32, #tpu.memory_space<vmem>> -> memref<128x128xf32, #tpu.memory_space<vmem>>
      tpu.wait_dma2 semaphore(%arg16 : memref<!tpu.dma_semaphore, #tpu.memory_space<semaphore_mem>>) src(%dma_wait3A_159 : memref<128x128xf32, #tpu.memory_space<vmem>>) dst(%dma_wait3A_155 : memref<128x128xf32, #tpu.memory_space<vmem_shared>>)
      %add3A_160 = arith.constant 1 : i32
      %add3A_161 = arith.addi %scan3A_137, %add3A_160 : i32
      %lt3A = arith.constant 6 : i32
      %lt3A_162 = arith.cmpi slt, %add3A_161, %lt3A : i32
      %convert_element_type3A = arith.extui %lt3A_162 : i1 to i32
      %cond3A = arith.constant 0 : i32
      %cond3A_163 = arith.cmpi ne, %convert_element_type3A, %cond3A : i32
      scf.if %cond3A_163 {
        %add3A_168 = arith.constant 1 : i32
        %add3A_169 = arith.addi %scan3A_137, %add3A_168 : i32
        %jit3A = arith.constant 3 : i32
        %div3A = arith.divsi %add3A_169, %jit3A : i32
        %sign3A = arith.constant 0 : i32
        %sign3A_170 = arith.cmpi sgt, %add3A_169, %sign3A : i32
        %sign3A_171 = arith.extui %sign3A_170 : i1 to i32
        %sign3A_172 = arith.constant 0 : i32
        %sign3A_173 = arith.cmpi slt, %add3A_169, %sign3A_172 : i32
        %sign3A_174 = arith.extui %sign3A_173 : i1 to i32
        %sign3A_175 = arith.subi %sign3A_171, %sign3A_174 : i32
        %sign3A_176 = arith.constant 0 : i32
        %sign3A_177 = arith.cmpi sgt, %jit3A, %sign3A_176 : i32
        %sign3A_178 = arith.extui %sign3A_177 : i1 to i32
        %sign3A_179 = arith.constant 0 : i32
        %sign3A_180 = arith.cmpi slt, %jit3A, %sign3A_179 : i32
        %sign3A_181 = arith.extui %sign3A_180 : i1 to i32
        %sign3A_182 = arith.subi %sign3A_178, %sign3A_181 : i32
        %ne3A = arith.cmpi ne, %sign3A_175, %sign3A_182 : i32
        %rem3A = arith.remsi %add3A_169, %jit3A : i32
        %ne3A_183 = arith.constant 0 : i32
        %ne3A_184 = arith.cmpi ne, %rem3A, %ne3A_183 : i32
        %and3A = arith.andi %ne3A, %ne3A_184 : i1
        %sub3A = arith.constant 1 : i32
        %sub3A_185 = arith.subi %div3A, %sub3A : i32
        %select_n3A = arith.select %and3A, %sub3A_185, %div3A : i32
        %mul3A_186 = arith.constant 3 : i32
        %mul3A_187 = arith.muli %mul3A_186, %select_n3A : i32
        %sub3A_188 = arith.subi %add3A_169, %mul3A_187 : i32
        %dma_start3A_189 = arith.constant 0 : i32
        %dma_start3A_190 = arith.constant 0 : i32
        %dma_start3A_191 = arith.constant 0 : i32
        %dma_start3A_192 = arith.constant 0 : i32
        %dma_start3A_193 = tpu.memref_slice %arg11[%dma_start3A_190, %dma_start3A_191, %dma_start3A_192] : memref<2x128x128xf32, #tpu.memory_space<vmem>> -> memref<1x64x128xf32, #tpu.memory_space<vmem>>
        %dma_start3A_194 = tpu.memref_squeeze %dma_start3A_193 : memref<1x64x128xf32, #tpu.memory_space<vmem>> -> memref<64x128xf32, #tpu.memory_space<vmem>>
        %dma_start3A_195 = arith.constant 0 : i32
        %dma_start3A_196 = tpu.memref_slice %arg8[%dma_start3A_189, %dma_start3A_195] : memref<40x128xi32, #tpu.memory_space<vmem>> -> memref<1x64xi32, #tpu.memory_space<vmem>>
        %dma_start3A_197 = tpu.memref_squeeze %dma_start3A_196 : memref<1x64xi32, #tpu.memory_space<vmem>> -> memref<64xi32, #tpu.memory_space<vmem>>
        %dma_start3A_198 = arith.constant 0 : i32
        %dma_start3A_199 = arith.constant 0 : i32
        %dma_start3A_200 = tpu.memref_slice %arg2[%select_n3A, %dma_start3A_198, %dma_start3A_199] : memref<2x10000x128xf32, #tpu.memory_space<hbm>> -> memref<1x10000x128xf32, #tpu.memory_space<hbm>>
        %dma_start3A_201 = tpu.memref_squeeze %dma_start3A_200 : memref<1x10000x128xf32, #tpu.memory_space<hbm>> -> memref<10000x128xf32, #tpu.memory_space<hbm>>
        %dma_start3A_202 = arith.constant 0 : i32
        %dma_start3A_203 = arith.constant 0 : i32
        %dma_start3A_204 = tpu.memref_slice %dma_start3A_201[%dma_start3A_202, %dma_start3A_203] : memref<10000x128xf32, #tpu.memory_space<hbm>> -> memref<10000x128xf32, #tpu.memory_space<hbm>>
        tpu.enqueue_indirect_dma source(%dma_start3A_204 : memref<10000x128xf32, #tpu.memory_space<hbm>>) target(%dma_start3A_194 : memref<64x128xf32, #tpu.memory_space<vmem>>) offsets(%dma_start3A_197 : memref<64xi32, #tpu.memory_space<vmem>>) semaphore(%arg13 : memref<!tpu.dma_semaphore, #tpu.memory_space<semaphore_mem>>)
        %dma_start3A_205 = arith.constant 0 : i32
        %dma_start3A_206 = arith.constant 0 : i32
        %dma_start3A_207 = arith.constant 64 : i32
        %dma_start3A_208 = arith.constant 0 : i32
        %dma_start3A_209 = tpu.memref_slice %arg11[%dma_start3A_206, %dma_start3A_207, %dma_start3A_208] : memref<2x128x128xf32, #tpu.memory_space<vmem>> -> memref<1x64x128xf32, #tpu.memory_space<vmem>>
        %dma_start3A_210 = tpu.memref_squeeze %dma_start3A_209 : memref<1x64x128xf32, #tpu.memory_space<vmem>> -> memref<64x128xf32, #tpu.memory_space<vmem>>
        %dma_start3A_211 = arith.constant 64 : i32
        %dma_start3A_212 = tpu.memref_slice %arg8[%dma_start3A_205, %dma_start3A_211] : memref<40x128xi32, #tpu.memory_space<vmem>> -> memref<1x64xi32, #tpu.memory_space<vmem>>
        %dma_start3A_213 = tpu.memref_squeeze %dma_start3A_212 : memref<1x64xi32, #tpu.memory_space<vmem>> -> memref<64xi32, #tpu.memory_space<vmem>>
        %dma_start3A_214 = arith.constant 0 : i32
        %dma_start3A_215 = arith.constant 0 : i32
        %dma_start3A_216 = tpu.memref_slice %arg2[%select_n3A, %dma_start3A_214, %dma_start3A_215] : memref<2x10000x128xf32, #tpu.memory_space<hbm>> -> memref<1x10000x128xf32, #tpu.memory_space<hbm>>
        %dma_start3A_217 = tpu.memref_squeeze %dma_start3A_216 : memref<1x10000x128xf32, #tpu.memory_space<hbm>> -> memref<10000x128xf32, #tpu.memory_space<hbm>>
        %dma_start3A_218 = arith.constant 0 : i32
        %dma_start3A_219 = arith.constant 0 : i32
        %dma_start3A_220 = tpu.memref_slice %dma_start3A_217[%dma_start3A_218, %dma_start3A_219] : memref<10000x128xf32, #tpu.memory_space<hbm>> -> memref<10000x128xf32, #tpu.memory_space<hbm>>
        tpu.enqueue_indirect_dma source(%dma_start3A_220 : memref<10000x128xf32, #tpu.memory_space<hbm>>) target(%dma_start3A_210 : memref<64x128xf32, #tpu.memory_space<vmem>>) offsets(%dma_start3A_213 : memref<64xi32, #tpu.memory_space<vmem>>) semaphore(%arg13 : memref<!tpu.dma_semaphore, #tpu.memory_space<semaphore_mem>>)
        %dma_start3A_221 = arith.constant 0 : i32
        %dma_start3A_222 = arith.constant 0 : i32
        %dma_start3A_223 = arith.constant 0 : i32
        %dma_start3A_224 = tpu.memref_slice %arg10[%dma_start3A_222, %dma_start3A_223] : memref<2x384xf32, #tpu.memory_space<vmem>> -> memref<1x128xf32, #tpu.memory_space<vmem>>
        %dma_start3A_225 = tpu.memref_squeeze %dma_start3A_224 : memref<1x128xf32, #tpu.memory_space<vmem>> -> memref<128xf32, #tpu.memory_space<vmem>>
        %dma_start3A_226 = arith.constant 0 : i32
        %dma_start3A_227 = tpu.memref_slice %arg5[%sub3A_188, %add3A, %dma_start3A_221, %dma_start3A_226] : memref<3x32x40x128xf32, #tpu.memory_space<hbm>> -> memref<1x1x1x128xf32, #tpu.memory_space<hbm>>
        %dma_start3A_228 = tpu.memref_squeeze %dma_start3A_227 : memref<1x1x1x128xf32, #tpu.memory_space<hbm>> -> memref<128xf32, #tpu.memory_space<hbm>>
        %dma_start3A_229 = arith.constant 0 : i32
        %dma_start3A_230 = tpu.memref_slice %arg10[%dma_start3A_222, %dma_start3A_229] : memref<2x384xf32, #tpu.memory_space<vmem>> -> memref<1x128xf32, #tpu.memory_space<vmem>>
        %dma_start3A_231 = tpu.memref_squeeze %dma_start3A_230 : memref<1x128xf32, #tpu.memory_space<vmem>> -> memref<128xf32, #tpu.memory_space<vmem>>
        %dma_start3A_232 = arith.constant 0 : i32
        %dma_start3A_233 = tpu.memref_slice %arg5[%sub3A_188, %add3A, %dma_start3A_221, %dma_start3A_232] : memref<3x32x40x128xf32, #tpu.memory_space<hbm>> -> memref<1x1x1x128xf32, #tpu.memory_space<hbm>>
        %dma_start3A_234 = tpu.memref_squeeze %dma_start3A_233 : memref<1x1x1x128xf32, #tpu.memory_space<hbm>> -> memref<128xf32, #tpu.memory_space<hbm>>
        tpu.enqueue_dma source(%dma_start3A_234 : memref<128xf32, #tpu.memory_space<hbm>>) target(%dma_start3A_231 : memref<128xf32, #tpu.memory_space<vmem>>) target_semaphore(%arg13 : memref<!tpu.dma_semaphore, #tpu.memory_space<semaphore_mem>>)
      } else {
      }
      %barrier3A_164 = arith.constant 0 : index
      tpu.barrier barrier_id(%barrier3A_164)
      %mul3A_165 = arith.constant 2 : i32
      %mul3A_166 = arith.muli %scan3A_137, %mul3A_165 : i32
      %add3A_167 = arith.addi %mul3A_166, %arg0 : i32
      "tpu.region"() ({
        %run_scoped3A = tpu.sem_alloc : memref<!tpu.dma_semaphore, #tpu.memory_space<semaphore_mem>>
        %dma_start3A_168 = arith.constant 0 : i32
        %dma_start3A_169 = tpu.memref_slice %arg7[%add3A_167, %mul3A_3, %dma_start3A_168] : memref<14x10240x128xf32, #tpu.memory_space<hbm>> -> memref<1x640x128xf32, #tpu.memory_space<hbm>>
        %dma_start3A_170 = tpu.memref_squeeze %dma_start3A_169 : memref<1x640x128xf32, #tpu.memory_space<hbm>> -> memref<640x128xf32, #tpu.memory_space<hbm>>
        %dma_start3A_171 = arith.constant 0 : i32
        %dma_start3A_172 = tpu.memref_slice %arg12[%mul3A_3, %dma_start3A_171] : memref<10240x128xf32, #tpu.memory_space<vmem_shared>> -> memref<640x128xf32, #tpu.memory_space<vmem_shared>>
        tpu.enqueue_dma source(%dma_start3A_172 : memref<640x128xf32, #tpu.memory_space<vmem_shared>>) target(%dma_start3A_170 : memref<640x128xf32, #tpu.memory_space<hbm>>) target_semaphore(%run_scoped3A : memref<!tpu.dma_semaphore, #tpu.memory_space<semaphore_mem>>)
        %dma_wait3A_173 = arith.constant 0 : i32
        %dma_wait3A_174 = tpu.memref_slice %arg7[%add3A_167, %mul3A_3, %dma_wait3A_173] : memref<14x10240x128xf32, #tpu.memory_space<hbm>> -> memref<1x640x128xf32, #tpu.memory_space<hbm>>
        %dma_wait3A_175 = tpu.memref_squeeze %dma_wait3A_174 : memref<1x640x128xf32, #tpu.memory_space<hbm>> -> memref<640x128xf32, #tpu.memory_space<hbm>>
        %dma_wait3A_176 = arith.constant 0 : i32
        %dma_wait3A_177 = tpu.memref_slice %arg12[%mul3A_3, %dma_wait3A_176] : memref<10240x128xf32, #tpu.memory_space<vmem_shared>> -> memref<640x128xf32, #tpu.memory_space<vmem_shared>>
        tpu.wait_dma2 semaphore(%run_scoped3A : memref<!tpu.dma_semaphore, #tpu.memory_space<semaphore_mem>>) src(%dma_wait3A_177 : memref<640x128xf32, #tpu.memory_space<vmem_shared>>) dst(%dma_wait3A_175 : memref<640x128xf32, #tpu.memory_space<hbm>>)
        tpu.yield
      }) : () -> ()
    }
    %scan3A_55 = arith.constant 6 : i32
    %barrier3A = arith.constant 0 : index
    tpu.barrier barrier_id(%barrier3A)
    "tpu.region"() ({
      %run_scoped3A = tpu.sem_alloc : memref<!tpu.dma_semaphore, #tpu.memory_space<semaphore_mem>>
      %dma_start3A_137 = arith.constant 0 : i32
      %dma_start3A_138 = tpu.memref_slice %arg12[%mul3A_3, %dma_start3A_137] : memref<10240x128xf32, #tpu.memory_space<vmem_shared>> -> memref<640x128xf32, #tpu.memory_space<vmem_shared>>
      tpu.enqueue_dma source(%arg6 : memref<640x128xf32, #tpu.memory_space<hbm>>) target(%dma_start3A_138 : memref<640x128xf32, #tpu.memory_space<vmem_shared>>) target_semaphore(%run_scoped3A : memref<!tpu.dma_semaphore, #tpu.memory_space<semaphore_mem>>)
      %dma_wait3A_139 = arith.constant 0 : i32
      %dma_wait3A_140 = tpu.memref_slice %arg12[%mul3A_3, %dma_wait3A_139] : memref<10240x128xf32, #tpu.memory_space<vmem_shared>> -> memref<640x128xf32, #tpu.memory_space<vmem_shared>>
      tpu.wait_dma2 semaphore(%run_scoped3A : memref<!tpu.dma_semaphore, #tpu.memory_space<semaphore_mem>>) src(%arg6 : memref<640x128xf32, #tpu.memory_space<hbm>>) dst(%dma_wait3A_140 : memref<640x128xf32, #tpu.memory_space<vmem_shared>>)
      tpu.yield
    }) : () -> ()
    %barrier3A_56 = arith.constant 0 : index
    tpu.barrier barrier_id(%barrier3A_56)
    %scan3A_57 = arith.constant 0 : i32
    %scan3A_58 = arith.constant 128 : i32
    %scan3A_59 = arith.addi %scan3A_57, %scan3A_58 : i32
    %scan3A_60 = arith.constant 1 : i32
    scf.for %scan3A_137 = %scan3A_57 to %scan3A_59 step %scan3A_60  : i32 {
      %swap3A = arith.constant 0 : i32
      %swap3A_138 = arith.index_cast %swap3A : i32 to index
      %swap3A_139 = arith.index_cast %scan3A_137 : i32 to index
      %swap3A_140 = arith.constant 0 : index
      %swap3A_141 = tpu.vector_load %arg11[%swap3A_138, %swap3A_139, %swap3A_140] {strides = array<i32>} : memref<2x128x128xf32, #tpu.memory_space<vmem>>, vector<1x1x16xf32>,
      %swap3A_142 = vector.shape_cast %swap3A_141 : vector<1x1x16xf32> to vector<16xf32>
      %swap3A_143 = vector.shape_cast %broadcast_in_dim3A_1 : vector<16xf32> to vector<1x1x16xf32>
      tpu.vector_store %arg11[%swap3A_138, %swap3A_139, %swap3A_140], %swap3A_143 {strides = array<i32>} : memref<2x128x128xf32, #tpu.memory_space<vmem>>, vector<1x1x16xf32>,
      %swap3A_144 = arith.constant 1 : i32
      %swap3A_145 = arith.index_cast %swap3A_144 : i32 to index
      %swap3A_146 = arith.index_cast %scan3A_137 : i32 to index
      %swap3A_147 = arith.constant 0 : index
      %swap3A_148 = tpu.vector_load %arg11[%swap3A_145, %swap3A_146, %swap3A_147] {strides = array<i32>} : memref<2x128x128xf32, #tpu.memory_space<vmem>>, vector<1x1x16xf32>,
      %swap3A_149 = vector.shape_cast %swap3A_148 : vector<1x1x16xf32> to vector<16xf32>
      %swap3A_150 = vector.shape_cast %broadcast_in_dim3A_1 : vector<16xf32> to vector<1x1x16xf32>
      tpu.vector_store %arg11[%swap3A_145, %swap3A_146, %swap3A_147], %swap3A_150 {strides = array<i32>} : memref<2x128x128xf32, #tpu.memory_space<vmem>>, vector<1x1x16xf32>,
      %swap3A_151 = arith.constant 0 : i32
      %swap3A_152 = arith.index_cast %swap3A_151 : i32 to index
      %swap3A_153 = arith.index_cast %scan3A_137 : i32 to index
      %swap3A_154 = arith.constant 16 : index
      %swap3A_155 = tpu.vector_load %arg11[%swap3A_152, %swap3A_153, %swap3A_154] {strides = array<i32>} : memref<2x128x128xf32, #tpu.memory_space<vmem>>, vector<1x1x16xf32>,
      %swap3A_156 = vector.shape_cast %swap3A_155 : vector<1x1x16xf32> to vector<16xf32>
      %swap3A_157 = vector.shape_cast %broadcast_in_dim3A_1 : vector<16xf32> to vector<1x1x16xf32>
      tpu.vector_store %arg11[%swap3A_152, %swap3A_153, %swap3A_154], %swap3A_157 {strides = array<i32>} : memref<2x128x128xf32, #tpu.memory_space<vmem>>, vector<1x1x16xf32>,
      %swap3A_158 = arith.constant 1 : i32
      %swap3A_159 = arith.index_cast %swap3A_158 : i32 to index
      %swap3A_160 = arith.index_cast %scan3A_137 : i32 to index
      %swap3A_161 = arith.constant 16 : index
      %swap3A_162 = tpu.vector_load %arg11[%swap3A_159, %swap3A_160, %swap3A_161] {strides = array<i32>} : memref<2x128x128xf32, #tpu.memory_space<vmem>>, vector<1x1x16xf32>,
      %swap3A_163 = vector.shape_cast %swap3A_162 : vector<1x1x16xf32> to vector<16xf32>
      %swap3A_164 = vector.shape_cast %broadcast_in_dim3A_1 : vector<16xf32> to vector<1x1x16xf32>
      tpu.vector_store %arg11[%swap3A_159, %swap3A_160, %swap3A_161], %swap3A_164 {strides = array<i32>} : memref<2x128x128xf32, #tpu.memory_space<vmem>>, vector<1x1x16xf32>,
      %swap3A_165 = arith.constant 0 : i32
      %swap3A_166 = arith.index_cast %swap3A_165 : i32 to index
      %swap3A_167 = arith.index_cast %scan3A_137 : i32 to index
      %swap3A_168 = arith.constant 32 : index
      %swap3A_169 = tpu.vector_load %arg11[%swap3A_166, %swap3A_167, %swap3A_168] {strides = array<i32>} : memref<2x128x128xf32, #tpu.memory_space<vmem>>, vector<1x1x16xf32>,
      %swap3A_170 = vector.shape_cast %swap3A_169 : vector<1x1x16xf32> to vector<16xf32>
      %swap3A_171 = vector.shape_cast %broadcast_in_dim3A_1 : vector<16xf32> to vector<1x1x16xf32>
      tpu.vector_store %arg11[%swap3A_166, %swap3A_167, %swap3A_168], %swap3A_171 {strides = array<i32>} : memref<2x128x128xf32, #tpu.memory_space<vmem>>, vector<1x1x16xf32>,
      %swap3A_172 = arith.constant 1 : i32
      %swap3A_173 = arith.index_cast %swap3A_172 : i32 to index
      %swap3A_174 = arith.index_cast %scan3A_137 : i32 to index
      %swap3A_175 = arith.constant 32 : index
      %swap3A_176 = tpu.vector_load %arg11[%swap3A_173, %swap3A_174, %swap3A_175] {strides = array<i32>} : memref<2x128x128xf32, #tpu.memory_space<vmem>>, vector<1x1x16xf32>,
      %swap3A_177 = vector.shape_cast %swap3A_176 : vector<1x1x16xf32> to vector<16xf32>
      %swap3A_178 = vector.shape_cast %broadcast_in_dim3A_1 : vector<16xf32> to vector<1x1x16xf32>
      tpu.vector_store %arg11[%swap3A_173, %swap3A_174, %swap3A_175], %swap3A_178 {strides = array<i32>} : memref<2x128x128xf32, #tpu.memory_space<vmem>>, vector<1x1x16xf32>,
      %swap3A_179 = arith.constant 0 : i32
      %swap3A_180 = arith.index_cast %swap3A_179 : i32 to index
      %swap3A_181 = arith.index_cast %scan3A_137 : i32 to index
      %swap3A_182 = arith.constant 48 : index
      %swap3A_183 = tpu.vector_load %arg11[%swap3A_180, %swap3A_181, %swap3A_182] {strides = array<i32>} : memref<2x128x128xf32, #tpu.memory_space<vmem>>, vector<1x1x16xf32>,
      %swap3A_184 = vector.shape_cast %swap3A_183 : vector<1x1x16xf32> to vector<16xf32>
      %swap3A_185 = vector.shape_cast %broadcast_in_dim3A_1 : vector<16xf32> to vector<1x1x16xf32>
      tpu.vector_store %arg11[%swap3A_180, %swap3A_181, %swap3A_182], %swap3A_185 {strides = array<i32>} : memref<2x128x128xf32, #tpu.memory_space<vmem>>, vector<1x1x16xf32>,
      %swap3A_186 = arith.constant 1 : i32
      %swap3A_187 = arith.index_cast %swap3A_186 : i32 to index
      %swap3A_188 = arith.index_cast %scan3A_137 : i32 to index
      %swap3A_189 = arith.constant 48 : index
      %swap3A_190 = tpu.vector_load %arg11[%swap3A_187, %swap3A_188, %swap3A_189] {strides = array<i32>} : memref<2x128x128xf32, #tpu.memory_space<vmem>>, vector<1x1x16xf32>,
      %swap3A_191 = vector.shape_cast %swap3A_190 : vector<1x1x16xf32> to vector<16xf32>
      %swap3A_192 = vector.shape_cast %broadcast_in_dim3A_1 : vector<16xf32> to vector<1x1x16xf32>
      tpu.vector_store %arg11[%swap3A_187, %swap3A_188, %swap3A_189], %swap3A_192 {strides = array<i32>} : memref<2x128x128xf32, #tpu.memory_space<vmem>>, vector<1x1x16xf32>,
      %swap3A_193 = arith.constant 0 : i32
      %swap3A_194 = arith.index_cast %swap3A_193 : i32 to index
      %swap3A_195 = arith.index_cast %scan3A_137 : i32 to index
      %swap3A_196 = arith.constant 64 : index
      %swap3A_197 = tpu.vector_load %arg11[%swap3A_194, %swap3A_195, %swap3A_196] {strides = array<i32>} : memref<2x128x128xf32, #tpu.memory_space<vmem>>, vector<1x1x16xf32>,
      %swap3A_198 = vector.shape_cast %swap3A_197 : vector<1x1x16xf32> to vector<16xf32>
      %swap3A_199 = vector.shape_cast %broadcast_in_dim3A_1 : vector<16xf32> to vector<1x1x16xf32>
      tpu.vector_store %arg11[%swap3A_194, %swap3A_195, %swap3A_196], %swap3A_199 {strides = array<i32>} : memref<2x128x128xf32, #tpu.memory_space<vmem>>, vector<1x1x16xf32>,
      %swap3A_200 = arith.constant 1 : i32
      %swap3A_201 = arith.index_cast %swap3A_200 : i32 to index
      %swap3A_202 = arith.index_cast %scan3A_137 : i32 to index
      %swap3A_203 = arith.constant 64 : index
      %swap3A_204 = tpu.vector_load %arg11[%swap3A_201, %swap3A_202, %swap3A_203] {strides = array<i32>} : memref<2x128x128xf32, #tpu.memory_space<vmem>>, vector<1x1x16xf32>,
      %swap3A_205 = vector.shape_cast %swap3A_204 : vector<1x1x16xf32> to vector<16xf32>
      %swap3A_206 = vector.shape_cast %broadcast_in_dim3A_1 : vector<16xf32> to vector<1x1x16xf32>
      tpu.vector_store %arg11[%swap3A_201, %swap3A_202, %swap3A_203], %swap3A_206 {strides = array<i32>} : memref<2x128x128xf32, #tpu.memory_space<vmem>>, vector<1x1x16xf32>,
      %swap3A_207 = arith.constant 0 : i32
      %swap3A_208 = arith.index_cast %swap3A_207 : i32 to index
      %swap3A_209 = arith.index_cast %scan3A_137 : i32 to index
      %swap3A_210 = arith.constant 80 : index
      %swap3A_211 = tpu.vector_load %arg11[%swap3A_208, %swap3A_209, %swap3A_210] {strides = array<i32>} : memref<2x128x128xf32, #tpu.memory_space<vmem>>, vector<1x1x16xf32>,
      %swap3A_212 = vector.shape_cast %swap3A_211 : vector<1x1x16xf32> to vector<16xf32>
      %swap3A_213 = vector.shape_cast %broadcast_in_dim3A_1 : vector<16xf32> to vector<1x1x16xf32>
      tpu.vector_store %arg11[%swap3A_208, %swap3A_209, %swap3A_210], %swap3A_213 {strides = array<i32>} : memref<2x128x128xf32, #tpu.memory_space<vmem>>, vector<1x1x16xf32>,
      %swap3A_214 = arith.constant 1 : i32
      %swap3A_215 = arith.index_cast %swap3A_214 : i32 to index
      %swap3A_216 = arith.index_cast %scan3A_137 : i32 to index
      %swap3A_217 = arith.constant 80 : index
      %swap3A_218 = tpu.vector_load %arg11[%swap3A_215, %swap3A_216, %swap3A_217] {strides = array<i32>} : memref<2x128x128xf32, #tpu.memory_space<vmem>>, vector<1x1x16xf32>,
      %swap3A_219 = vector.shape_cast %swap3A_218 : vector<1x1x16xf32> to vector<16xf32>
      %swap3A_220 = vector.shape_cast %broadcast_in_dim3A_1 : vector<16xf32> to vector<1x1x16xf32>
      tpu.vector_store %arg11[%swap3A_215, %swap3A_216, %swap3A_217], %swap3A_220 {strides = array<i32>} : memref<2x128x128xf32, #tpu.memory_space<vmem>>, vector<1x1x16xf32>,
      %swap3A_221 = arith.constant 0 : i32
      %swap3A_222 = arith.index_cast %swap3A_221 : i32 to index
      %swap3A_223 = arith.index_cast %scan3A_137 : i32 to index
      %swap3A_224 = arith.constant 96 : index
      %swap3A_225 = tpu.vector_load %arg11[%swap3A_222, %swap3A_223, %swap3A_224] {strides = array<i32>} : memref<2x128x128xf32, #tpu.memory_space<vmem>>, vector<1x1x16xf32>,
      %swap3A_226 = vector.shape_cast %swap3A_225 : vector<1x1x16xf32> to vector<16xf32>
      %swap3A_227 = vector.shape_cast %broadcast_in_dim3A_1 : vector<16xf32> to vector<1x1x16xf32>
      tpu.vector_store %arg11[%swap3A_222, %swap3A_223, %swap3A_224], %swap3A_227 {strides = array<i32>} : memref<2x128x128xf32, #tpu.memory_space<vmem>>, vector<1x1x16xf32>,
      %swap3A_228 = arith.constant 1 : i32
      %swap3A_229 = arith.index_cast %swap3A_228 : i32 to index
      %swap3A_230 = arith.index_cast %scan3A_137 : i32 to index
      %swap3A_231 = arith.constant 96 : index
      %swap3A_232 = tpu.vector_load %arg11[%swap3A_229, %swap3A_230, %swap3A_231] {strides = array<i32>} : memref<2x128x128xf32, #tpu.memory_space<vmem>>, vector<1x1x16xf32>,
      %swap3A_233 = vector.shape_cast %swap3A_232 : vector<1x1x16xf32> to vector<16xf32>
      %swap3A_234 = vector.shape_cast %broadcast_in_dim3A_1 : vector<16xf32> to vector<1x1x16xf32>
      tpu.vector_store %arg11[%swap3A_229, %swap3A_230, %swap3A_231], %swap3A_234 {strides = array<i32>} : memref<2x128x128xf32, #tpu.memory_space<vmem>>, vector<1x1x16xf32>,
      %swap3A_235 = arith.constant 0 : i32
      %swap3A_236 = arith.index_cast %swap3A_235 : i32 to index
      %swap3A_237 = arith.index_cast %scan3A_137 : i32 to index
      %swap3A_238 = arith.constant 112 : index
      %swap3A_239 = tpu.vector_load %arg11[%swap3A_236, %swap3A_237, %swap3A_238] {strides = array<i32>} : memref<2x128x128xf32, #tpu.memory_space<vmem>>, vector<1x1x16xf32>,
      %swap3A_240 = vector.shape_cast %swap3A_239 : vector<1x1x16xf32> to vector<16xf32>
      %swap3A_241 = vector.shape_cast %broadcast_in_dim3A_1 : vector<16xf32> to vector<1x1x16xf32>
      tpu.vector_store %arg11[%swap3A_236, %swap3A_237, %swap3A_238], %swap3A_241 {strides = array<i32>} : memref<2x128x128xf32, #tpu.memory_space<vmem>>, vector<1x1x16xf32>,
      %swap3A_242 = arith.constant 1 : i32
      %swap3A_243 = arith.index_cast %swap3A_242 : i32 to index
      %swap3A_244 = arith.index_cast %scan3A_137 : i32 to index
      %swap3A_245 = arith.constant 112 : index
      %swap3A_246 = tpu.vector_load %arg11[%swap3A_243, %swap3A_244, %swap3A_245] {strides = array<i32>} : memref<2x128x128xf32, #tpu.memory_space<vmem>>, vector<1x1x16xf32>,
      %swap3A_247 = vector.shape_cast %swap3A_246 : vector<1x1x16xf32> to vector<16xf32>
      %swap3A_248 = vector.shape_cast %broadcast_in_dim3A_1 : vector<16xf32> to vector<1x1x16xf32>
      tpu.vector_store %arg11[%swap3A_243, %swap3A_244, %swap3A_245], %swap3A_248 {strides = array<i32>} : memref<2x128x128xf32, #tpu.memory_space<vmem>>, vector<1x1x16xf32>,
    }
    %scan3A_61 = arith.constant 128 : i32
    %eq3A = arith.constant 0 : i32
    %eq3A_62 = vector.broadcast %eq3A : i32 to vector<16xi32>
    %eq3A_63 = arith.cmpi eq, %iota3A, %eq3A_62 : vector<16xi32>
    %eq3A_64 = arith.constant 1 : i32
    %eq3A_65 = vector.broadcast %eq3A_64 : i32 to vector<16xi32>
    %eq3A_66 = arith.cmpi eq, %iota3A, %eq3A_65 : vector<16xi32>
    %eq3A_67 = arith.constant 2 : i32
    %eq3A_68 = vector.broadcast %eq3A_67 : i32 to vector<16xi32>
    %eq3A_69 = arith.cmpi eq, %iota3A, %eq3A_68 : vector<16xi32>
    %dma_start3A_70 = arith.constant 0 : i32
    %dma_start3A_71 = arith.constant 0 : i32
    %dma_start3A_72 = arith.constant 0 : i32
    %dma_start3A_73 = arith.constant 0 : i32
    %dma_start3A_74 = tpu.memref_slice %arg10[%dma_start3A_72, %dma_start3A_73] : memref<2x384xf32, #tpu.memory_space<vmem>> -> memref<1x128xf32, #tpu.memory_space<vmem>>
    %dma_start3A_75 = tpu.memref_squeeze %dma_start3A_74 : memref<1x128xf32, #tpu.memory_space<vmem>> -> memref<128xf32, #tpu.memory_space<vmem>>
    %dma_start3A_76 = arith.constant 0 : i32
    %dma_start3A_77 = tpu.memref_slice %arg5[%dma_start3A_70, %add3A, %dma_start3A_71, %dma_start3A_76] : memref<3x32x40x128xf32, #tpu.memory_space<hbm>> -> memref<1x1x1x128xf32, #tpu.memory_space<hbm>>
    %dma_start3A_78 = tpu.memref_squeeze %dma_start3A_77 : memref<1x1x1x128xf32, #tpu.memory_space<hbm>> -> memref<128xf32, #tpu.memory_space<hbm>>
    %dma_start3A_79 = arith.constant 0 : i32
    %dma_start3A_80 = tpu.memref_slice %arg10[%dma_start3A_72, %dma_start3A_79] : memref<2x384xf32, #tpu.memory_space<vmem>> -> memref<1x128xf32, #tpu.memory_space<vmem>>
    %dma_start3A_81 = tpu.memref_squeeze %dma_start3A_80 : memref<1x128xf32, #tpu.memory_space<vmem>> -> memref<128xf32, #tpu.memory_space<vmem>>
    %dma_start3A_82 = arith.constant 0 : i32
    %dma_start3A_83 = tpu.memref_slice %arg5[%dma_start3A_70, %add3A, %dma_start3A_71, %dma_start3A_82] : memref<3x32x40x128xf32, #tpu.memory_space<hbm>> -> memref<1x1x1x128xf32, #tpu.memory_space<hbm>>
    %dma_start3A_84 = tpu.memref_squeeze %dma_start3A_83 : memref<1x1x1x128xf32, #tpu.memory_space<hbm>> -> memref<128xf32, #tpu.memory_space<hbm>>
    tpu.enqueue_dma source(%dma_start3A_84 : memref<128xf32, #tpu.memory_space<hbm>>) target(%dma_start3A_81 : memref<128xf32, #tpu.memory_space<vmem>>) target_semaphore(%arg13 : memref<!tpu.dma_semaphore, #tpu.memory_space<semaphore_mem>>)
    %dma_start3A_85 = arith.constant 1 : i32
    %dma_start3A_86 = arith.constant 0 : i32
    %dma_start3A_87 = arith.constant 0 : i32
    %dma_start3A_88 = arith.constant 128 : i32
    %dma_start3A_89 = tpu.memref_slice %arg10[%dma_start3A_87, %dma_start3A_88] : memref<2x384xf32, #tpu.memory_space<vmem>> -> memref<1x128xf32, #tpu.memory_space<vmem>>
    %dma_start3A_90 = tpu.memref_squeeze %dma_start3A_89 : memref<1x128xf32, #tpu.memory_space<vmem>> -> memref<128xf32, #tpu.memory_space<vmem>>
    %dma_start3A_91 = arith.constant 0 : i32
    %dma_start3A_92 = tpu.memref_slice %arg5[%dma_start3A_85, %add3A, %dma_start3A_86, %dma_start3A_91] : memref<3x32x40x128xf32, #tpu.memory_space<hbm>> -> memref<1x1x1x128xf32, #tpu.memory_space<hbm>>
    %dma_start3A_93 = tpu.memref_squeeze %dma_start3A_92 : memref<1x1x1x128xf32, #tpu.memory_space<hbm>> -> memref<128xf32, #tpu.memory_space<hbm>>
    %dma_start3A_94 = arith.constant 128 : i32
    %dma_start3A_95 = tpu.memref_slice %arg10[%dma_start3A_87, %dma_start3A_94] : memref<2x384xf32, #tpu.memory_space<vmem>> -> memref<1x128xf32, #tpu.memory_space<vmem>>
    %dma_start3A_96 = tpu.memref_squeeze %dma_start3A_95 : memref<1x128xf32, #tpu.memory_space<vmem>> -> memref<128xf32, #tpu.memory_space<vmem>>
    %dma_start3A_97 = arith.constant 0 : i32
    %dma_start3A_98 = tpu.memref_slice %arg5[%dma_start3A_85, %add3A, %dma_start3A_86, %dma_start3A_97] : memref<3x32x40x128xf32, #tpu.memory_space<hbm>> -> memref<1x1x1x128xf32, #tpu.memory_space<hbm>>
    %dma_start3A_99 = tpu.memref_squeeze %dma_start3A_98 : memref<1x1x1x128xf32, #tpu.memory_space<hbm>> -> memref<128xf32, #tpu.memory_space<hbm>>
    tpu.enqueue_dma source(%dma_start3A_99 : memref<128xf32, #tpu.memory_space<hbm>>) target(%dma_start3A_96 : memref<128xf32, #tpu.memory_space<vmem>>) target_semaphore(%arg13 : memref<!tpu.dma_semaphore, #tpu.memory_space<semaphore_mem>>)
    %dma_start3A_100 = arith.constant 2 : i32
    %dma_start3A_101 = arith.constant 0 : i32
    %dma_start3A_102 = arith.constant 0 : i32
    %dma_start3A_103 = arith.constant 256 : i32
    %dma_start3A_104 = tpu.memref_slice %arg10[%dma_start3A_102, %dma_start3A_103] : memref<2x384xf32, #tpu.memory_space<vmem>> -> memref<1x128xf32, #tpu.memory_space<vmem>>
    %dma_start3A_105 = tpu.memref_squeeze %dma_start3A_104 : memref<1x128xf32, #tpu.memory_space<vmem>> -> memref<128xf32, #tpu.memory_space<vmem>>
    %dma_start3A_106 = arith.constant 0 : i32
    %dma_start3A_107 = tpu.memref_slice %arg5[%dma_start3A_100, %add3A, %dma_start3A_101, %dma_start3A_106] : memref<3x32x40x128xf32, #tpu.memory_space<hbm>> -> memref<1x1x1x128xf32, #tpu.memory_space<hbm>>
    %dma_start3A_108 = tpu.memref_squeeze %dma_start3A_107 : memref<1x1x1x128xf32, #tpu.memory_space<hbm>> -> memref<128xf32, #tpu.memory_space<hbm>>
    %dma_start3A_109 = arith.constant 256 : i32
    %dma_start3A_110 = tpu.memref_slice %arg10[%dma_start3A_102, %dma_start3A_109] : memref<2x384xf32, #tpu.memory_space<vmem>> -> memref<1x128xf32, #tpu.memory_space<vmem>>
    %dma_start3A_111 = tpu.memref_squeeze %dma_start3A_110 : memref<1x128xf32, #tpu.memory_space<vmem>> -> memref<128xf32, #tpu.memory_space<vmem>>
    %dma_start3A_112 = arith.constant 0 : i32
    %dma_start3A_113 = tpu.memref_slice %arg5[%dma_start3A_100, %add3A, %dma_start3A_101, %dma_start3A_112] : memref<3x32x40x128xf32, #tpu.memory_space<hbm>> -> memref<1x1x1x128xf32, #tpu.memory_space<hbm>>
    %dma_start3A_114 = tpu.memref_squeeze %dma_start3A_113 : memref<1x1x1x128xf32, #tpu.memory_space<hbm>> -> memref<128xf32, #tpu.memory_space<hbm>>
    tpu.enqueue_dma source(%dma_start3A_114 : memref<128xf32, #tpu.memory_space<hbm>>) target(%dma_start3A_111 : memref<128xf32, #tpu.memory_space<vmem>>) target_semaphore(%arg13 : memref<!tpu.dma_semaphore, #tpu.memory_space<semaphore_mem>>)
    %scan3A_115 = arith.constant 0 : i32
    %scan3A_116 = arith.constant 20 : i32
    %scan3A_117 = arith.addi %scan3A_115, %scan3A_116 : i32
    %scan3A_118 = arith.constant 1 : i32
    scf.for %scan3A_137 = %scan3A_115 to %scan3A_117 step %scan3A_118  : i32 {
      %mul3A_138 = arith.constant 2 : i32
      %mul3A_139 = arith.muli %scan3A_137, %mul3A_138 : i32
      %add3A_140 = arith.constant 1 : i32
      %add3A_141 = arith.addi %mul3A_139, %add3A_140 : i32
      %dma_wait3A_142 = arith.constant 0 : i32
      %dma_wait3A_143 = arith.constant 0 : i32
      %dma_wait3A_144 = arith.constant 0 : i32
      %dma_wait3A_145 = arith.constant 0 : i32
      %dma_wait3A_146 = arith.constant 0 : i32
      %dma_wait3A_147 = tpu.memref_slice %arg10[%dma_wait3A_145, %dma_wait3A_146] : memref<2x384xf32, #tpu.memory_space<vmem>> -> memref<1x128xf32, #tpu.memory_space<vmem>>
      %dma_wait3A_148 = tpu.memref_squeeze %dma_wait3A_147 : memref<1x128xf32, #tpu.memory_space<vmem>> -> memref<128xf32, #tpu.memory_space<vmem>>
      %dma_wait3A_149 = arith.constant 0 : i32
      %dma_wait3A_150 = tpu.memref_slice %arg5[%dma_wait3A_142, %dma_wait3A_143, %dma_wait3A_144, %dma_wait3A_149] : memref<3x32x40x128xf32, #tpu.memory_space<hbm>> -> memref<1x1x1x128xf32, #tpu.memory_space<hbm>>
      %dma_wait3A_151 = tpu.memref_squeeze %dma_wait3A_150 : memref<1x1x1x128xf32, #tpu.memory_space<hbm>> -> memref<128xf32, #tpu.memory_space<hbm>>
      %dma_wait3A_152 = arith.constant 0 : i32
      %dma_wait3A_153 = tpu.memref_slice %arg10[%dma_wait3A_145, %dma_wait3A_152] : memref<2x384xf32, #tpu.memory_space<vmem>> -> memref<1x128xf32, #tpu.memory_space<vmem>>
      %dma_wait3A_154 = tpu.memref_squeeze %dma_wait3A_153 : memref<1x128xf32, #tpu.memory_space<vmem>> -> memref<128xf32, #tpu.memory_space<vmem>>
      %dma_wait3A_155 = arith.constant 0 : i32
      %dma_wait3A_156 = tpu.memref_slice %arg5[%dma_wait3A_142, %dma_wait3A_143, %dma_wait3A_144, %dma_wait3A_155] : memref<3x32x40x128xf32, #tpu.memory_space<hbm>> -> memref<1x1x1x128xf32, #tpu.memory_space<hbm>>
      %dma_wait3A_157 = tpu.memref_squeeze %dma_wait3A_156 : memref<1x1x1x128xf32, #tpu.memory_space<hbm>> -> memref<128xf32, #tpu.memory_space<hbm>>
      tpu.wait_dma2 semaphore(%arg13 : memref<!tpu.dma_semaphore, #tpu.memory_space<semaphore_mem>>) src(%dma_wait3A_157 : memref<128xf32, #tpu.memory_space<hbm>>) dst(%dma_wait3A_154 : memref<128xf32, #tpu.memory_space<vmem>>)
      %dma_wait3A_158 = arith.constant 0 : i32
      %dma_wait3A_159 = arith.constant 0 : i32
      %dma_wait3A_160 = arith.constant 0 : i32
      %dma_wait3A_161 = arith.constant 0 : i32
      %dma_wait3A_162 = arith.constant 128 : i32
      %dma_wait3A_163 = tpu.memref_slice %arg10[%dma_wait3A_161, %dma_wait3A_162] : memref<2x384xf32, #tpu.memory_space<vmem>> -> memref<1x128xf32, #tpu.memory_space<vmem>>
      %dma_wait3A_164 = tpu.memref_squeeze %dma_wait3A_163 : memref<1x128xf32, #tpu.memory_space<vmem>> -> memref<128xf32, #tpu.memory_space<vmem>>
      %dma_wait3A_165 = arith.constant 0 : i32
      %dma_wait3A_166 = tpu.memref_slice %arg5[%dma_wait3A_158, %dma_wait3A_159, %dma_wait3A_160, %dma_wait3A_165] : memref<3x32x40x128xf32, #tpu.memory_space<hbm>> -> memref<1x1x1x128xf32, #tpu.memory_space<hbm>>
      %dma_wait3A_167 = tpu.memref_squeeze %dma_wait3A_166 : memref<1x1x1x128xf32, #tpu.memory_space<hbm>> -> memref<128xf32, #tpu.memory_space<hbm>>
      %dma_wait3A_168 = arith.constant 128 : i32
      %dma_wait3A_169 = tpu.memref_slice %arg10[%dma_wait3A_161, %dma_wait3A_168] : memref<2x384xf32, #tpu.memory_space<vmem>> -> memref<1x128xf32, #tpu.memory_space<vmem>>
      %dma_wait3A_170 = tpu.memref_squeeze %dma_wait3A_169 : memref<1x128xf32, #tpu.memory_space<vmem>> -> memref<128xf32, #tpu.memory_space<vmem>>
      %dma_wait3A_171 = arith.constant 0 : i32
      %dma_wait3A_172 = tpu.memref_slice %arg5[%dma_wait3A_158, %dma_wait3A_159, %dma_wait3A_160, %dma_wait3A_171] : memref<3x32x40x128xf32, #tpu.memory_space<hbm>> -> memref<1x1x1x128xf32, #tpu.memory_space<hbm>>
      %dma_wait3A_173 = tpu.memref_squeeze %dma_wait3A_172 : memref<1x1x1x128xf32, #tpu.memory_space<hbm>> -> memref<128xf32, #tpu.memory_space<hbm>>
      tpu.wait_dma2 semaphore(%arg13 : memref<!tpu.dma_semaphore, #tpu.memory_space<semaphore_mem>>) src(%dma_wait3A_173 : memref<128xf32, #tpu.memory_space<hbm>>) dst(%dma_wait3A_170 : memref<128xf32, #tpu.memory_space<vmem>>)
      %dma_wait3A_174 = arith.constant 0 : i32
      %dma_wait3A_175 = arith.constant 0 : i32
      %dma_wait3A_176 = arith.constant 0 : i32
      %dma_wait3A_177 = arith.constant 0 : i32
      %dma_wait3A_178 = arith.constant 256 : i32
      %dma_wait3A_179 = tpu.memref_slice %arg10[%dma_wait3A_177, %dma_wait3A_178] : memref<2x384xf32, #tpu.memory_space<vmem>> -> memref<1x128xf32, #tpu.memory_space<vmem>>
      %dma_wait3A_180 = tpu.memref_squeeze %dma_wait3A_179 : memref<1x128xf32, #tpu.memory_space<vmem>> -> memref<128xf32, #tpu.memory_space<vmem>>
      %dma_wait3A_181 = arith.constant 0 : i32
      %dma_wait3A_182 = tpu.memref_slice %arg5[%dma_wait3A_174, %dma_wait3A_175, %dma_wait3A_176, %dma_wait3A_181] : memref<3x32x40x128xf32, #tpu.memory_space<hbm>> -> memref<1x1x1x128xf32, #tpu.memory_space<hbm>>
      %dma_wait3A_183 = tpu.memref_squeeze %dma_wait3A_182 : memref<1x1x1x128xf32, #tpu.memory_space<hbm>> -> memref<128xf32, #tpu.memory_space<hbm>>
      %dma_wait3A_184 = arith.constant 256 : i32
      %dma_wait3A_185 = tpu.memref_slice %arg10[%dma_wait3A_177, %dma_wait3A_184] : memref<2x384xf32, #tpu.memory_space<vmem>> -> memref<1x128xf32, #tpu.memory_space<vmem>>
      %dma_wait3A_186 = tpu.memref_squeeze %dma_wait3A_185 : memref<1x128xf32, #tpu.memory_space<vmem>> -> memref<128xf32, #tpu.memory_space<vmem>>
      %dma_wait3A_187 = arith.constant 0 : i32
      %dma_wait3A_188 = tpu.memref_slice %arg5[%dma_wait3A_174, %dma_wait3A_175, %dma_wait3A_176, %dma_wait3A_187] : memref<3x32x40x128xf32, #tpu.memory_space<hbm>> -> memref<1x1x1x128xf32, #tpu.memory_space<hbm>>
      %dma_wait3A_189 = tpu.memref_squeeze %dma_wait3A_188 : memref<1x1x1x128xf32, #tpu.memory_space<hbm>> -> memref<128xf32, #tpu.memory_space<hbm>>
      tpu.wait_dma2 semaphore(%arg13 : memref<!tpu.dma_semaphore, #tpu.memory_space<semaphore_mem>>) src(%dma_wait3A_189 : memref<128xf32, #tpu.memory_space<hbm>>) dst(%dma_wait3A_186 : memref<128xf32, #tpu.memory_space<vmem>>)
      %ge3A = arith.constant 1 : i32
      %ge3A_190 = arith.cmpi sge, %mul3A_139, %ge3A : i32
      %convert_element_type3A = arith.extui %ge3A_190 : i1 to i32
      %cond3A = arith.constant 0 : i32
      %cond3A_191 = arith.cmpi ne, %convert_element_type3A, %cond3A : i32
      scf.if %cond3A_191 {
        %dma_wait3A_335 = arith.constant 1 : i32
        %dma_wait3A_336 = arith.constant 0 : i32
        %dma_wait3A_337 = arith.constant 0 : i32
        %dma_wait3A_338 = tpu.memref_slice %arg11[%dma_wait3A_335, %dma_wait3A_336, %dma_wait3A_337] : memref<2x128x128xf32, #tpu.memory_space<vmem>> -> memref<1x128x128xf32, #tpu.memory_space<vmem>>
        %dma_wait3A_339 = tpu.memref_squeeze %dma_wait3A_338 : memref<1x128x128xf32, #tpu.memory_space<vmem>> -> memref<128x128xf32, #tpu.memory_space<vmem>>
        %dma_wait3A_340 = arith.constant 0 : i32
        %dma_wait3A_341 = arith.constant 0 : i32
        %dma_wait3A_342 = tpu.memref_slice %arg12[%dma_wait3A_340, %dma_wait3A_341] : memref<10240x128xf32, #tpu.memory_space<vmem_shared>> -> memref<128x128xf32, #tpu.memory_space<vmem_shared>>
        %dma_wait3A_343 = arith.constant 0 : i32
        %dma_wait3A_344 = arith.constant 0 : i32
        %dma_wait3A_345 = tpu.memref_slice %arg12[%dma_wait3A_343, %dma_wait3A_344] : memref<10240x128xf32, #tpu.memory_space<vmem_shared>> -> memref<128x128xf32, #tpu.memory_space<vmem_shared>>
        %dma_wait3A_346 = arith.constant 0 : i32
        %dma_wait3A_347 = arith.constant 0 : i32
        %dma_wait3A_348 = tpu.memref_slice %arg11[%dma_wait3A_335, %dma_wait3A_346, %dma_wait3A_347] : memref<2x128x128xf32, #tpu.memory_space<vmem>> -> memref<1x128x128xf32, #tpu.memory_space<vmem>>
        %dma_wait3A_349 = tpu.memref_squeeze %dma_wait3A_348 : memref<1x128x128xf32, #tpu.memory_space<vmem>> -> memref<128x128xf32, #tpu.memory_space<vmem>>
        tpu.wait_dma2 semaphore(%arg16 : memref<!tpu.dma_semaphore, #tpu.memory_space<semaphore_mem>>) src(%dma_wait3A_349 : memref<128x128xf32, #tpu.memory_space<vmem>>) dst(%dma_wait3A_345 : memref<128x128xf32, #tpu.memory_space<vmem_shared>>)
      } else {
      }
      %dma_start3A_192 = arith.constant 0 : i32
      %dma_start3A_193 = arith.constant 1 : i32
      %dma_start3A_194 = arith.constant 0 : i32
      %dma_start3A_195 = tpu.memref_slice %arg10[%dma_start3A_193, %dma_start3A_194] : memref<2x384xf32, #tpu.memory_space<vmem>> -> memref<1x128xf32, #tpu.memory_space<vmem>>
      %dma_start3A_196 = tpu.memref_squeeze %dma_start3A_195 : memref<1x128xf32, #tpu.memory_space<vmem>> -> memref<128xf32, #tpu.memory_space<vmem>>
      %dma_start3A_197 = arith.constant 0 : i32
      %dma_start3A_198 = tpu.memref_slice %arg5[%dma_start3A_192, %add3A, %add3A_141, %dma_start3A_197] : memref<3x32x40x128xf32, #tpu.memory_space<hbm>> -> memref<1x1x1x128xf32, #tpu.memory_space<hbm>>
      %dma_start3A_199 = tpu.memref_squeeze %dma_start3A_198 : memref<1x1x1x128xf32, #tpu.memory_space<hbm>> -> memref<128xf32, #tpu.memory_space<hbm>>
      %dma_start3A_200 = arith.constant 0 : i32
      %dma_start3A_201 = tpu.memref_slice %arg10[%dma_start3A_193, %dma_start3A_200] : memref<2x384xf32, #tpu.memory_space<vmem>> -> memref<1x128xf32, #tpu.memory_space<vmem>>
      %dma_start3A_202 = tpu.memref_squeeze %dma_start3A_201 : memref<1x128xf32, #tpu.memory_space<vmem>> -> memref<128xf32, #tpu.memory_space<vmem>>
      %dma_start3A_203 = arith.constant 0 : i32
      %dma_start3A_204 = tpu.memref_slice %arg5[%dma_start3A_192, %add3A, %add3A_141, %dma_start3A_203] : memref<3x32x40x128xf32, #tpu.memory_space<hbm>> -> memref<1x1x1x128xf32, #tpu.memory_space<hbm>>
      %dma_start3A_205 = tpu.memref_squeeze %dma_start3A_204 : memref<1x1x1x128xf32, #tpu.memory_space<hbm>> -> memref<128xf32, #tpu.memory_space<hbm>>
      tpu.enqueue_dma source(%dma_start3A_205 : memref<128xf32, #tpu.memory_space<hbm>>) target(%dma_start3A_202 : memref<128xf32, #tpu.memory_space<vmem>>) target_semaphore(%arg14 : memref<!tpu.dma_semaphore, #tpu.memory_space<semaphore_mem>>)
      %dma_start3A_206 = arith.constant 1 : i32
      %dma_start3A_207 = arith.constant 1 : i32
      %dma_start3A_208 = arith.constant 128 : i32
      %dma_start3A_209 = tpu.memref_slice %arg10[%dma_start3A_207, %dma_start3A_208] : memref<2x384xf32, #tpu.memory_space<vmem>> -> memref<1x128xf32, #tpu.memory_space<vmem>>
      %dma_start3A_210 = tpu.memref_squeeze %dma_start3A_209 : memref<1x128xf32, #tpu.memory_space<vmem>> -> memref<128xf32, #tpu.memory_space<vmem>>
      %dma_start3A_211 = arith.constant 0 : i32
      %dma_start3A_212 = tpu.memref_slice %arg5[%dma_start3A_206, %add3A, %add3A_141, %dma_start3A_211] : memref<3x32x40x128xf32, #tpu.memory_space<hbm>> -> memref<1x1x1x128xf32, #tpu.memory_space<hbm>>
      %dma_start3A_213 = tpu.memref_squeeze %dma_start3A_212 : memref<1x1x1x128xf32, #tpu.memory_space<hbm>> -> memref<128xf32, #tpu.memory_space<hbm>>
      %dma_start3A_214 = arith.constant 128 : i32
      %dma_start3A_215 = tpu.memref_slice %arg10[%dma_start3A_207, %dma_start3A_214] : memref<2x384xf32, #tpu.memory_space<vmem>> -> memref<1x128xf32, #tpu.memory_space<vmem>>
      %dma_start3A_216 = tpu.memref_squeeze %dma_start3A_215 : memref<1x128xf32, #tpu.memory_space<vmem>> -> memref<128xf32, #tpu.memory_space<vmem>>
      %dma_start3A_217 = arith.constant 0 : i32
      %dma_start3A_218 = tpu.memref_slice %arg5[%dma_start3A_206, %add3A, %add3A_141, %dma_start3A_217] : memref<3x32x40x128xf32, #tpu.memory_space<hbm>> -> memref<1x1x1x128xf32, #tpu.memory_space<hbm>>
      %dma_start3A_219 = tpu.memref_squeeze %dma_start3A_218 : memref<1x1x1x128xf32, #tpu.memory_space<hbm>> -> memref<128xf32, #tpu.memory_space<hbm>>
      tpu.enqueue_dma source(%dma_start3A_219 : memref<128xf32, #tpu.memory_space<hbm>>) target(%dma_start3A_216 : memref<128xf32, #tpu.memory_space<vmem>>) target_semaphore(%arg14 : memref<!tpu.dma_semaphore, #tpu.memory_space<semaphore_mem>>)
      %dma_start3A_220 = arith.constant 2 : i32
      %dma_start3A_221 = arith.constant 1 : i32
      %dma_start3A_222 = arith.constant 256 : i32
      %dma_start3A_223 = tpu.memref_slice %arg10[%dma_start3A_221, %dma_start3A_222] : memref<2x384xf32, #tpu.memory_space<vmem>> -> memref<1x128xf32, #tpu.memory_space<vmem>>
      %dma_start3A_224 = tpu.memref_squeeze %dma_start3A_223 : memref<1x128xf32, #tpu.memory_space<vmem>> -> memref<128xf32, #tpu.memory_space<vmem>>
      %dma_start3A_225 = arith.constant 0 : i32
      %dma_start3A_226 = tpu.memref_slice %arg5[%dma_start3A_220, %add3A, %add3A_141, %dma_start3A_225] : memref<3x32x40x128xf32, #tpu.memory_space<hbm>> -> memref<1x1x1x128xf32, #tpu.memory_space<hbm>>
      %dma_start3A_227 = tpu.memref_squeeze %dma_start3A_226 : memref<1x1x1x128xf32, #tpu.memory_space<hbm>> -> memref<128xf32, #tpu.memory_space<hbm>>
      %dma_start3A_228 = arith.constant 256 : i32
      %dma_start3A_229 = tpu.memref_slice %arg10[%dma_start3A_221, %dma_start3A_228] : memref<2x384xf32, #tpu.memory_space<vmem>> -> memref<1x128xf32, #tpu.memory_space<vmem>>
      %dma_start3A_230 = tpu.memref_squeeze %dma_start3A_229 : memref<1x128xf32, #tpu.memory_space<vmem>> -> memref<128xf32, #tpu.memory_space<vmem>>
      %dma_start3A_231 = arith.constant 0 : i32
      %dma_start3A_232 = tpu.memref_slice %arg5[%dma_start3A_220, %add3A, %add3A_141, %dma_start3A_231] : memref<3x32x40x128xf32, #tpu.memory_space<hbm>> -> memref<1x1x1x128xf32, #tpu.memory_space<hbm>>
      %dma_start3A_233 = tpu.memref_squeeze %dma_start3A_232 : memref<1x1x1x128xf32, #tpu.memory_space<hbm>> -> memref<128xf32, #tpu.memory_space<hbm>>
      tpu.enqueue_dma source(%dma_start3A_233 : memref<128xf32, #tpu.memory_space<hbm>>) target(%dma_start3A_230 : memref<128xf32, #tpu.memory_space<vmem>>) target_semaphore(%arg14 : memref<!tpu.dma_semaphore, #tpu.memory_space<semaphore_mem>>)
      %scan3A_234 = arith.constant 0 : i32
      %scan3A_235 = arith.constant 8 : i32
      %scan3A_236 = arith.addi %scan3A_234, %scan3A_235 : i32
      %scan3A_237 = arith.constant 1 : i32
      scf.for %scan3A_335 = %scan3A_234 to %scan3A_236 step %scan3A_237  : i32 {
        %mul3A_336 = arith.constant 16 : i32
        %mul3A_337 = arith.muli %scan3A_335, %mul3A_336 : i32
        %mul3A_338 = arith.constant 16 : i32
        %mul3A_339 = arith.muli %scan3A_335, %mul3A_338 : i32
        %get3A = arith.constant 0 : i32
        %get3A_340 = arith.index_cast %get3A : i32 to index
        %get3A_341 = arith.index_cast %mul3A_339 : i32 to index
        %get3A_342 = tpu.vector_load %arg10[%get3A_340, %get3A_341] {strides = array<i32>} : memref<2x384xf32, #tpu.memory_space<vmem>>, vector<1x16xf32>,
        %get3A_343 = vector.shape_cast %get3A_342 : vector<1x16xf32> to vector<16xf32>
        %mul3A_344 = arith.constant 16 : i32
        %mul3A_345 = arith.muli %scan3A_335, %mul3A_344 : i32
        %add3A_346 = arith.constant 128 : i32
        %add3A_347 = arith.addi %add3A_346, %mul3A_345 : i32
        %get3A_348 = arith.constant 0 : i32
        %get3A_349 = arith.index_cast %get3A_348 : i32 to index
        %get3A_350 = arith.index_cast %add3A_347 : i32 to index
        %get3A_351 = tpu.vector_load %arg10[%get3A_349, %get3A_350] {strides = array<i32>} : memref<2x384xf32, #tpu.memory_space<vmem>>, vector<1x16xf32>,
        %get3A_352 = vector.shape_cast %get3A_351 : vector<1x16xf32> to vector<16xf32>
        %mul3A_353 = arith.constant 16 : i32
        %mul3A_354 = arith.muli %scan3A_335, %mul3A_353 : i32
        %add3A_355 = arith.constant 256 : i32
        %add3A_356 = arith.addi %add3A_355, %mul3A_354 : i32
        %get3A_357 = arith.constant 0 : i32
        %get3A_358 = arith.index_cast %get3A_357 : i32 to index
        %get3A_359 = arith.index_cast %add3A_356 : i32 to index
        %get3A_360 = tpu.vector_load %arg10[%get3A_358, %get3A_359] {strides = array<i32>} : memref<2x384xf32, #tpu.memory_space<vmem>>, vector<1x16xf32>,
        %get3A_361 = vector.shape_cast %get3A_360 : vector<1x16xf32> to vector<16xf32>
        %scan3A_362 = arith.constant 0 : i32
        %scan3A_363 = arith.constant 16 : i32
        %scan3A_364 = arith.addi %scan3A_362, %scan3A_363 : i32
        %scan3A_365 = arith.constant 4 : i32
        scf.for %scan3A_367 = %scan3A_362 to %scan3A_364 step %scan3A_365  : i32 {
          %add3A_368 = arith.addi %mul3A_337, %scan3A_367 : i32
          %broadcast_in_dim3A_369 = vector.broadcast %scan3A_367 : i32 to vector<16x1xi32>
          %gather3A = vector.shape_cast %broadcast_in_dim3A_369 : vector<16x1xi32> to vector<16xi32>
          %gather3A_370 = tpu.dynamic_gather %get3A_343[%gather3A] in [0] : vector<16xf32>, vector<16xi32> -> vector<16xf32>
          %select_n3A = arith.select %eq3A_63, %gather3A_370, %broadcast_in_dim3A_1 : vector<16xi1>, vector<16xf32>
          %broadcast_in_dim3A_371 = vector.broadcast %scan3A_367 : i32 to vector<16x1xi32>
          %gather3A_372 = vector.shape_cast %broadcast_in_dim3A_371 : vector<16x1xi32> to vector<16xi32>
          %gather3A_373 = tpu.dynamic_gather %get3A_352[%gather3A_372] in [0] : vector<16xf32>, vector<16xi32> -> vector<16xf32>
          %select_n3A_374 = arith.select %eq3A_66, %gather3A_373, %select_n3A : vector<16xi1>, vector<16xf32>
          %broadcast_in_dim3A_375 = vector.broadcast %scan3A_367 : i32 to vector<16x1xi32>
          %gather3A_376 = vector.shape_cast %broadcast_in_dim3A_375 : vector<16x1xi32> to vector<16xi32>
          %gather3A_377 = tpu.dynamic_gather %get3A_361[%gather3A_376] in [0] : vector<16xf32>, vector<16xi32> -> vector<16xf32>
          %select_n3A_378 = arith.select %eq3A_69, %gather3A_377, %select_n3A_374 : vector<16xi1>, vector<16xf32>
          %swap3A = arith.constant 0 : i32
          %swap3A_379 = arith.index_cast %swap3A : i32 to index
          %swap3A_380 = arith.index_cast %add3A_368 : i32 to index
          %swap3A_381 = arith.constant 0 : index
          %swap3A_382 = tpu.vector_load %arg11[%swap3A_379, %swap3A_380, %swap3A_381] {strides = array<i32>} : memref<2x128x128xf32, #tpu.memory_space<vmem>>, vector<1x1x16xf32>,
          %swap3A_383 = vector.shape_cast %swap3A_382 : vector<1x1x16xf32> to vector<16xf32>
          %swap3A_384 = vector.shape_cast %select_n3A_378 : vector<16xf32> to vector<1x1x16xf32>
          tpu.vector_store %arg11[%swap3A_379, %swap3A_380, %swap3A_381], %swap3A_384 {strides = array<i32>} : memref<2x128x128xf32, #tpu.memory_space<vmem>>, vector<1x1x16xf32>,
          %scan3A_385 = arith.constant 1 : i32
          %scan3A_386 = arith.addi %scan3A_367, %scan3A_385 : i32
          %add3A_387 = arith.addi %mul3A_337, %scan3A_386 : i32
          %broadcast_in_dim3A_388 = vector.broadcast %scan3A_386 : i32 to vector<16x1xi32>
          %gather3A_389 = vector.shape_cast %broadcast_in_dim3A_388 : vector<16x1xi32> to vector<16xi32>
          %gather3A_390 = tpu.dynamic_gather %get3A_343[%gather3A_389] in [0] : vector<16xf32>, vector<16xi32> -> vector<16xf32>
          %select_n3A_391 = arith.select %eq3A_63, %gather3A_390, %broadcast_in_dim3A_1 : vector<16xi1>, vector<16xf32>
          %broadcast_in_dim3A_392 = vector.broadcast %scan3A_386 : i32 to vector<16x1xi32>
          %gather3A_393 = vector.shape_cast %broadcast_in_dim3A_392 : vector<16x1xi32> to vector<16xi32>
          %gather3A_394 = tpu.dynamic_gather %get3A_352[%gather3A_393] in [0] : vector<16xf32>, vector<16xi32> -> vector<16xf32>
          %select_n3A_395 = arith.select %eq3A_66, %gather3A_394, %select_n3A_391 : vector<16xi1>, vector<16xf32>
          %broadcast_in_dim3A_396 = vector.broadcast %scan3A_386 : i32 to vector<16x1xi32>
          %gather3A_397 = vector.shape_cast %broadcast_in_dim3A_396 : vector<16x1xi32> to vector<16xi32>
          %gather3A_398 = tpu.dynamic_gather %get3A_361[%gather3A_397] in [0] : vector<16xf32>, vector<16xi32> -> vector<16xf32>
          %select_n3A_399 = arith.select %eq3A_69, %gather3A_398, %select_n3A_395 : vector<16xi1>, vector<16xf32>
          %swap3A_400 = arith.constant 0 : i32
          %swap3A_401 = arith.index_cast %swap3A_400 : i32 to index
          %swap3A_402 = arith.index_cast %add3A_387 : i32 to index
          %swap3A_403 = arith.constant 0 : index
          %swap3A_404 = tpu.vector_load %arg11[%swap3A_401, %swap3A_402, %swap3A_403] {strides = array<i32>} : memref<2x128x128xf32, #tpu.memory_space<vmem>>, vector<1x1x16xf32>,
          %swap3A_405 = vector.shape_cast %swap3A_404 : vector<1x1x16xf32> to vector<16xf32>
          %swap3A_406 = vector.shape_cast %select_n3A_399 : vector<16xf32> to vector<1x1x16xf32>
          tpu.vector_store %arg11[%swap3A_401, %swap3A_402, %swap3A_403], %swap3A_406 {strides = array<i32>} : memref<2x128x128xf32, #tpu.memory_space<vmem>>, vector<1x1x16xf32>,
          %scan3A_407 = arith.constant 2 : i32
          %scan3A_408 = arith.addi %scan3A_367, %scan3A_407 : i32
          %add3A_409 = arith.addi %mul3A_337, %scan3A_408 : i32
          %broadcast_in_dim3A_410 = vector.broadcast %scan3A_408 : i32 to vector<16x1xi32>
          %gather3A_411 = vector.shape_cast %broadcast_in_dim3A_410 : vector<16x1xi32> to vector<16xi32>
          %gather3A_412 = tpu.dynamic_gather %get3A_343[%gather3A_411] in [0] : vector<16xf32>, vector<16xi32> -> vector<16xf32>
          %select_n3A_413 = arith.select %eq3A_63, %gather3A_412, %broadcast_in_dim3A_1 : vector<16xi1>, vector<16xf32>
          %broadcast_in_dim3A_414 = vector.broadcast %scan3A_408 : i32 to vector<16x1xi32>
          %gather3A_415 = vector.shape_cast %broadcast_in_dim3A_414 : vector<16x1xi32> to vector<16xi32>
          %gather3A_416 = tpu.dynamic_gather %get3A_352[%gather3A_415] in [0] : vector<16xf32>, vector<16xi32> -> vector<16xf32>
          %select_n3A_417 = arith.select %eq3A_66, %gather3A_416, %select_n3A_413 : vector<16xi1>, vector<16xf32>
          %broadcast_in_dim3A_418 = vector.broadcast %scan3A_408 : i32 to vector<16x1xi32>
          %gather3A_419 = vector.shape_cast %broadcast_in_dim3A_418 : vector<16x1xi32> to vector<16xi32>
          %gather3A_420 = tpu.dynamic_gather %get3A_361[%gather3A_419] in [0] : vector<16xf32>, vector<16xi32> -> vector<16xf32>
          %select_n3A_421 = arith.select %eq3A_69, %gather3A_420, %select_n3A_417 : vector<16xi1>, vector<16xf32>
          %swap3A_422 = arith.constant 0 : i32
          %swap3A_423 = arith.index_cast %swap3A_422 : i32 to index
          %swap3A_424 = arith.index_cast %add3A_409 : i32 to index
          %swap3A_425 = arith.constant 0 : index
          %swap3A_426 = tpu.vector_load %arg11[%swap3A_423, %swap3A_424, %swap3A_425] {strides = array<i32>} : memref<2x128x128xf32, #tpu.memory_space<vmem>>, vector<1x1x16xf32>,
          %swap3A_427 = vector.shape_cast %swap3A_426 : vector<1x1x16xf32> to vector<16xf32>
          %swap3A_428 = vector.shape_cast %select_n3A_421 : vector<16xf32> to vector<1x1x16xf32>
          tpu.vector_store %arg11[%swap3A_423, %swap3A_424, %swap3A_425], %swap3A_428 {strides = array<i32>} : memref<2x128x128xf32, #tpu.memory_space<vmem>>, vector<1x1x16xf32>,
          %scan3A_429 = arith.constant 3 : i32
          %scan3A_430 = arith.addi %scan3A_367, %scan3A_429 : i32
          %add3A_431 = arith.addi %mul3A_337, %scan3A_430 : i32
          %broadcast_in_dim3A_432 = vector.broadcast %scan3A_430 : i32 to vector<16x1xi32>
          %gather3A_433 = vector.shape_cast %broadcast_in_dim3A_432 : vector<16x1xi32> to vector<16xi32>
          %gather3A_434 = tpu.dynamic_gather %get3A_343[%gather3A_433] in [0] : vector<16xf32>, vector<16xi32> -> vector<16xf32>
          %select_n3A_435 = arith.select %eq3A_63, %gather3A_434, %broadcast_in_dim3A_1 : vector<16xi1>, vector<16xf32>
          %broadcast_in_dim3A_436 = vector.broadcast %scan3A_430 : i32 to vector<16x1xi32>
          %gather3A_437 = vector.shape_cast %broadcast_in_dim3A_436 : vector<16x1xi32> to vector<16xi32>
          %gather3A_438 = tpu.dynamic_gather %get3A_352[%gather3A_437] in [0] : vector<16xf32>, vector<16xi32> -> vector<16xf32>
          %select_n3A_439 = arith.select %eq3A_66, %gather3A_438, %select_n3A_435 : vector<16xi1>, vector<16xf32>
          %broadcast_in_dim3A_440 = vector.broadcast %scan3A_430 : i32 to vector<16x1xi32>
          %gather3A_441 = vector.shape_cast %broadcast_in_dim3A_440 : vector<16x1xi32> to vector<16xi32>
          %gather3A_442 = tpu.dynamic_gather %get3A_361[%gather3A_441] in [0] : vector<16xf32>, vector<16xi32> -> vector<16xf32>
          %select_n3A_443 = arith.select %eq3A_69, %gather3A_442, %select_n3A_439 : vector<16xi1>, vector<16xf32>
          %swap3A_444 = arith.constant 0 : i32
          %swap3A_445 = arith.index_cast %swap3A_444 : i32 to index
          %swap3A_446 = arith.index_cast %add3A_431 : i32 to index
          %swap3A_447 = arith.constant 0 : index
          %swap3A_448 = tpu.vector_load %arg11[%swap3A_445, %swap3A_446, %swap3A_447] {strides = array<i32>} : memref<2x128x128xf32, #tpu.memory_space<vmem>>, vector<1x1x16xf32>,
          %swap3A_449 = vector.shape_cast %swap3A_448 : vector<1x1x16xf32> to vector<16xf32>
          %swap3A_450 = vector.shape_cast %select_n3A_443 : vector<16xf32> to vector<1x1x16xf32>
          tpu.vector_store %arg11[%swap3A_445, %swap3A_446, %swap3A_447], %swap3A_450 {strides = array<i32>} : memref<2x128x128xf32, #tpu.memory_space<vmem>>, vector<1x1x16xf32>,
        }
        %scan3A_366 = arith.constant 16 : i32
      }
      %scan3A_238 = arith.constant 8 : i32
      %dma_start3A_239 = arith.constant 0 : i32
      %dma_start3A_240 = arith.constant 0 : i32
      %dma_start3A_241 = arith.constant 0 : i32
      %dma_start3A_242 = tpu.memref_slice %arg11[%dma_start3A_239, %dma_start3A_240, %dma_start3A_241] : memref<2x128x128xf32, #tpu.memory_space<vmem>> -> memref<1x128x128xf32, #tpu.memory_space<vmem>>
      %dma_start3A_243 = tpu.memref_squeeze %dma_start3A_242 : memref<1x128x128xf32, #tpu.memory_space<vmem>> -> memref<128x128xf32, #tpu.memory_space<vmem>>
      %dma_start3A_244 = arith.constant 0 : i32
      %dma_start3A_245 = tpu.memref_slice %arg9[%mul3A_139, %dma_start3A_244] : memref<40x128xi32, #tpu.memory_space<vmem>> -> memref<1x128xi32, #tpu.memory_space<vmem>>
      %dma_start3A_246 = tpu.memref_squeeze %dma_start3A_245 : memref<1x128xi32, #tpu.memory_space<vmem>> -> memref<128xi32, #tpu.memory_space<vmem>>
      %dma_start3A_247 = arith.constant 0 : i32
      %dma_start3A_248 = arith.constant 0 : i32
      %dma_start3A_249 = tpu.memref_slice %arg12[%dma_start3A_247, %dma_start3A_248] : memref<10240x128xf32, #tpu.memory_space<vmem_shared>> -> memref<10240x128xf32, #tpu.memory_space<vmem_shared>>
      tpu.enqueue_indirect_dma source(%dma_start3A_243 : memref<128x128xf32, #tpu.memory_space<vmem>>) target(%dma_start3A_249 : memref<10240x128xf32, #tpu.memory_space<vmem_shared>>) offsets(%dma_start3A_246 : memref<128xi32, #tpu.memory_space<vmem>>) semaphore(%arg15 : memref<!tpu.dma_semaphore, #tpu.memory_space<semaphore_mem>>) {add = true}
      %dma_wait3A_250 = arith.constant 0 : i32
      %dma_wait3A_251 = arith.constant 0 : i32
      %dma_wait3A_252 = arith.constant 0 : i32
      %dma_wait3A_253 = arith.constant 1 : i32
      %dma_wait3A_254 = arith.constant 0 : i32
      %dma_wait3A_255 = tpu.memref_slice %arg10[%dma_wait3A_253, %dma_wait3A_254] : memref<2x384xf32, #tpu.memory_space<vmem>> -> memref<1x128xf32, #tpu.memory_space<vmem>>
      %dma_wait3A_256 = tpu.memref_squeeze %dma_wait3A_255 : memref<1x128xf32, #tpu.memory_space<vmem>> -> memref<128xf32, #tpu.memory_space<vmem>>
      %dma_wait3A_257 = arith.constant 0 : i32
      %dma_wait3A_258 = tpu.memref_slice %arg5[%dma_wait3A_250, %dma_wait3A_251, %dma_wait3A_252, %dma_wait3A_257] : memref<3x32x40x128xf32, #tpu.memory_space<hbm>> -> memref<1x1x1x128xf32, #tpu.memory_space<hbm>>
      %dma_wait3A_259 = tpu.memref_squeeze %dma_wait3A_258 : memref<1x1x1x128xf32, #tpu.memory_space<hbm>> -> memref<128xf32, #tpu.memory_space<hbm>>
      %dma_wait3A_260 = arith.constant 0 : i32
      %dma_wait3A_261 = tpu.memref_slice %arg10[%dma_wait3A_253, %dma_wait3A_260] : memref<2x384xf32, #tpu.memory_space<vmem>> -> memref<1x128xf32, #tpu.memory_space<vmem>>
      %dma_wait3A_262 = tpu.memref_squeeze %dma_wait3A_261 : memref<1x128xf32, #tpu.memory_space<vmem>> -> memref<128xf32, #tpu.memory_space<vmem>>
      %dma_wait3A_263 = arith.constant 0 : i32
      %dma_wait3A_264 = tpu.memref_slice %arg5[%dma_wait3A_250, %dma_wait3A_251, %dma_wait3A_252, %dma_wait3A_263] : memref<3x32x40x128xf32, #tpu.memory_space<hbm>> -> memref<1x1x1x128xf32, #tpu.memory_space<hbm>>
      %dma_wait3A_265 = tpu.memref_squeeze %dma_wait3A_264 : memref<1x1x1x128xf32, #tpu.memory_space<hbm>> -> memref<128xf32, #tpu.memory_space<hbm>>
      tpu.wait_dma2 semaphore(%arg14 : memref<!tpu.dma_semaphore, #tpu.memory_space<semaphore_mem>>) src(%dma_wait3A_265 : memref<128xf32, #tpu.memory_space<hbm>>) dst(%dma_wait3A_262 : memref<128xf32, #tpu.memory_space<vmem>>)
      %dma_wait3A_266 = arith.constant 0 : i32
      %dma_wait3A_267 = arith.constant 0 : i32
      %dma_wait3A_268 = arith.constant 0 : i32
      %dma_wait3A_269 = arith.constant 1 : i32
      %dma_wait3A_270 = arith.constant 128 : i32
      %dma_wait3A_271 = tpu.memref_slice %arg10[%dma_wait3A_269, %dma_wait3A_270] : memref<2x384xf32, #tpu.memory_space<vmem>> -> memref<1x128xf32, #tpu.memory_space<vmem>>
      %dma_wait3A_272 = tpu.memref_squeeze %dma_wait3A_271 : memref<1x128xf32, #tpu.memory_space<vmem>> -> memref<128xf32, #tpu.memory_space<vmem>>
      %dma_wait3A_273 = arith.constant 0 : i32
      %dma_wait3A_274 = tpu.memref_slice %arg5[%dma_wait3A_266, %dma_wait3A_267, %dma_wait3A_268, %dma_wait3A_273] : memref<3x32x40x128xf32, #tpu.memory_space<hbm>> -> memref<1x1x1x128xf32, #tpu.memory_space<hbm>>
      %dma_wait3A_275 = tpu.memref_squeeze %dma_wait3A_274 : memref<1x1x1x128xf32, #tpu.memory_space<hbm>> -> memref<128xf32, #tpu.memory_space<hbm>>
      %dma_wait3A_276 = arith.constant 128 : i32
      %dma_wait3A_277 = tpu.memref_slice %arg10[%dma_wait3A_269, %dma_wait3A_276] : memref<2x384xf32, #tpu.memory_space<vmem>> -> memref<1x128xf32, #tpu.memory_space<vmem>>
      %dma_wait3A_278 = tpu.memref_squeeze %dma_wait3A_277 : memref<1x128xf32, #tpu.memory_space<vmem>> -> memref<128xf32, #tpu.memory_space<vmem>>
      %dma_wait3A_279 = arith.constant 0 : i32
      %dma_wait3A_280 = tpu.memref_slice %arg5[%dma_wait3A_266, %dma_wait3A_267, %dma_wait3A_268, %dma_wait3A_279] : memref<3x32x40x128xf32, #tpu.memory_space<hbm>> -> memref<1x1x1x128xf32, #tpu.memory_space<hbm>>
      %dma_wait3A_281 = tpu.memref_squeeze %dma_wait3A_280 : memref<1x1x1x128xf32, #tpu.memory_space<hbm>> -> memref<128xf32, #tpu.memory_space<hbm>>
      tpu.wait_dma2 semaphore(%arg14 : memref<!tpu.dma_semaphore, #tpu.memory_space<semaphore_mem>>) src(%dma_wait3A_281 : memref<128xf32, #tpu.memory_space<hbm>>) dst(%dma_wait3A_278 : memref<128xf32, #tpu.memory_space<vmem>>)
      %dma_wait3A_282 = arith.constant 0 : i32
      %dma_wait3A_283 = arith.constant 0 : i32
      %dma_wait3A_284 = arith.constant 0 : i32
      %dma_wait3A_285 = arith.constant 1 : i32
      %dma_wait3A_286 = arith.constant 256 : i32
      %dma_wait3A_287 = tpu.memref_slice %arg10[%dma_wait3A_285, %dma_wait3A_286] : memref<2x384xf32, #tpu.memory_space<vmem>> -> memref<1x128xf32, #tpu.memory_space<vmem>>
      %dma_wait3A_288 = tpu.memref_squeeze %dma_wait3A_287 : memref<1x128xf32, #tpu.memory_space<vmem>> -> memref<128xf32, #tpu.memory_space<vmem>>
      %dma_wait3A_289 = arith.constant 0 : i32
      %dma_wait3A_290 = tpu.memref_slice %arg5[%dma_wait3A_282, %dma_wait3A_283, %dma_wait3A_284, %dma_wait3A_289] : memref<3x32x40x128xf32, #tpu.memory_space<hbm>> -> memref<1x1x1x128xf32, #tpu.memory_space<hbm>>
      %dma_wait3A_291 = tpu.memref_squeeze %dma_wait3A_290 : memref<1x1x1x128xf32, #tpu.memory_space<hbm>> -> memref<128xf32, #tpu.memory_space<hbm>>
      %dma_wait3A_292 = arith.constant 256 : i32
      %dma_wait3A_293 = tpu.memref_slice %arg10[%dma_wait3A_285, %dma_wait3A_292] : memref<2x384xf32, #tpu.memory_space<vmem>> -> memref<1x128xf32, #tpu.memory_space<vmem>>
      %dma_wait3A_294 = tpu.memref_squeeze %dma_wait3A_293 : memref<1x128xf32, #tpu.memory_space<vmem>> -> memref<128xf32, #tpu.memory_space<vmem>>
      %dma_wait3A_295 = arith.constant 0 : i32
      %dma_wait3A_296 = tpu.memref_slice %arg5[%dma_wait3A_282, %dma_wait3A_283, %dma_wait3A_284, %dma_wait3A_295] : memref<3x32x40x128xf32, #tpu.memory_space<hbm>> -> memref<1x1x1x128xf32, #tpu.memory_space<hbm>>
      %dma_wait3A_297 = tpu.memref_squeeze %dma_wait3A_296 : memref<1x1x1x128xf32, #tpu.memory_space<hbm>> -> memref<128xf32, #tpu.memory_space<hbm>>
      tpu.wait_dma2 semaphore(%arg14 : memref<!tpu.dma_semaphore, #tpu.memory_space<semaphore_mem>>) src(%dma_wait3A_297 : memref<128xf32, #tpu.memory_space<hbm>>) dst(%dma_wait3A_294 : memref<128xf32, #tpu.memory_space<vmem>>)
      %dma_wait3A_298 = arith.constant 0 : i32
      %dma_wait3A_299 = arith.constant 0 : i32
      %dma_wait3A_300 = arith.constant 0 : i32
      %dma_wait3A_301 = tpu.memref_slice %arg11[%dma_wait3A_298, %dma_wait3A_299, %dma_wait3A_300] : memref<2x128x128xf32, #tpu.memory_space<vmem>> -> memref<1x128x128xf32, #tpu.memory_space<vmem>>
      %dma_wait3A_302 = tpu.memref_squeeze %dma_wait3A_301 : memref<1x128x128xf32, #tpu.memory_space<vmem>> -> memref<128x128xf32, #tpu.memory_space<vmem>>
      %dma_wait3A_303 = arith.constant 0 : i32
      %dma_wait3A_304 = arith.constant 0 : i32
      %dma_wait3A_305 = tpu.memref_slice %arg12[%dma_wait3A_303, %dma_wait3A_304] : memref<10240x128xf32, #tpu.memory_space<vmem_shared>> -> memref<128x128xf32, #tpu.memory_space<vmem_shared>>
      %dma_wait3A_306 = arith.constant 0 : i32
      %dma_wait3A_307 = arith.constant 0 : i32
      %dma_wait3A_308 = tpu.memref_slice %arg12[%dma_wait3A_306, %dma_wait3A_307] : memref<10240x128xf32, #tpu.memory_space<vmem_shared>> -> memref<128x128xf32, #tpu.memory_space<vmem_shared>>
      %dma_wait3A_309 = arith.constant 0 : i32
      %dma_wait3A_310 = arith.constant 0 : i32
      %dma_wait3A_311 = tpu.memref_slice %arg11[%dma_wait3A_298, %dma_wait3A_309, %dma_wait3A_310] : memref<2x128x128xf32, #tpu.memory_space<vmem>> -> memref<1x128x128xf32, #tpu.memory_space<vmem>>
      %dma_wait3A_312 = tpu.memref_squeeze %dma_wait3A_311 : memref<1x128x128xf32, #tpu.memory_space<vmem>> -> memref<128x128xf32, #tpu.memory_space<vmem>>
      tpu.wait_dma2 semaphore(%arg15 : memref<!tpu.dma_semaphore, #tpu.memory_space<semaphore_mem>>) src(%dma_wait3A_312 : memref<128x128xf32, #tpu.memory_space<vmem>>) dst(%dma_wait3A_308 : memref<128x128xf32, #tpu.memory_space<vmem_shared>>)
      %add3A_313 = arith.constant 1 : i32
      %add3A_314 = arith.addi %add3A_141, %add3A_313 : i32
      %lt3A = arith.constant 40 : i32
      %lt3A_315 = arith.cmpi slt, %add3A_314, %lt3A : i32
      %convert_element_type3A_316 = arith.extui %lt3A_315 : i1 to i32
      %cond3A_317 = arith.constant 0 : i32
      %cond3A_318 = arith.cmpi ne, %convert_element_type3A_316, %cond3A_317 : i32
      scf.if %cond3A_318 {
        %add3A_335 = arith.constant 1 : i32
        %add3A_336 = arith.addi %add3A_141, %add3A_335 : i32
        %dma_start3A_337 = arith.constant 0 : i32
        %dma_start3A_338 = arith.constant 0 : i32
        %dma_start3A_339 = arith.constant 0 : i32
        %dma_start3A_340 = tpu.memref_slice %arg10[%dma_start3A_338, %dma_start3A_339] : memref<2x384xf32, #tpu.memory_space<vmem>> -> memref<1x128xf32, #tpu.memory_space<vmem>>
        %dma_start3A_341 = tpu.memref_squeeze %dma_start3A_340 : memref<1x128xf32, #tpu.memory_space<vmem>> -> memref<128xf32, #tpu.memory_space<vmem>>
        %dma_start3A_342 = arith.constant 0 : i32
        %dma_start3A_343 = tpu.memref_slice %arg5[%dma_start3A_337, %add3A, %add3A_336, %dma_start3A_342] : memref<3x32x40x128xf32, #tpu.memory_space<hbm>> -> memref<1x1x1x128xf32, #tpu.memory_space<hbm>>
        %dma_start3A_344 = tpu.memref_squeeze %dma_start3A_343 : memref<1x1x1x128xf32, #tpu.memory_space<hbm>> -> memref<128xf32, #tpu.memory_space<hbm>>
        %dma_start3A_345 = arith.constant 0 : i32
        %dma_start3A_346 = tpu.memref_slice %arg10[%dma_start3A_338, %dma_start3A_345] : memref<2x384xf32, #tpu.memory_space<vmem>> -> memref<1x128xf32, #tpu.memory_space<vmem>>
        %dma_start3A_347 = tpu.memref_squeeze %dma_start3A_346 : memref<1x128xf32, #tpu.memory_space<vmem>> -> memref<128xf32, #tpu.memory_space<vmem>>
        %dma_start3A_348 = arith.constant 0 : i32
        %dma_start3A_349 = tpu.memref_slice %arg5[%dma_start3A_337, %add3A, %add3A_336, %dma_start3A_348] : memref<3x32x40x128xf32, #tpu.memory_space<hbm>> -> memref<1x1x1x128xf32, #tpu.memory_space<hbm>>
        %dma_start3A_350 = tpu.memref_squeeze %dma_start3A_349 : memref<1x1x1x128xf32, #tpu.memory_space<hbm>> -> memref<128xf32, #tpu.memory_space<hbm>>
        tpu.enqueue_dma source(%dma_start3A_350 : memref<128xf32, #tpu.memory_space<hbm>>) target(%dma_start3A_347 : memref<128xf32, #tpu.memory_space<vmem>>) target_semaphore(%arg13 : memref<!tpu.dma_semaphore, #tpu.memory_space<semaphore_mem>>)
        %dma_start3A_351 = arith.constant 1 : i32
        %dma_start3A_352 = arith.constant 0 : i32
        %dma_start3A_353 = arith.constant 128 : i32
        %dma_start3A_354 = tpu.memref_slice %arg10[%dma_start3A_352, %dma_start3A_353] : memref<2x384xf32, #tpu.memory_space<vmem>> -> memref<1x128xf32, #tpu.memory_space<vmem>>
        %dma_start3A_355 = tpu.memref_squeeze %dma_start3A_354 : memref<1x128xf32, #tpu.memory_space<vmem>> -> memref<128xf32, #tpu.memory_space<vmem>>
        %dma_start3A_356 = arith.constant 0 : i32
        %dma_start3A_357 = tpu.memref_slice %arg5[%dma_start3A_351, %add3A, %add3A_336, %dma_start3A_356] : memref<3x32x40x128xf32, #tpu.memory_space<hbm>> -> memref<1x1x1x128xf32, #tpu.memory_space<hbm>>
        %dma_start3A_358 = tpu.memref_squeeze %dma_start3A_357 : memref<1x1x1x128xf32, #tpu.memory_space<hbm>> -> memref<128xf32, #tpu.memory_space<hbm>>
        %dma_start3A_359 = arith.constant 128 : i32
        %dma_start3A_360 = tpu.memref_slice %arg10[%dma_start3A_352, %dma_start3A_359] : memref<2x384xf32, #tpu.memory_space<vmem>> -> memref<1x128xf32, #tpu.memory_space<vmem>>
        %dma_start3A_361 = tpu.memref_squeeze %dma_start3A_360 : memref<1x128xf32, #tpu.memory_space<vmem>> -> memref<128xf32, #tpu.memory_space<vmem>>
        %dma_start3A_362 = arith.constant 0 : i32
        %dma_start3A_363 = tpu.memref_slice %arg5[%dma_start3A_351, %add3A, %add3A_336, %dma_start3A_362] : memref<3x32x40x128xf32, #tpu.memory_space<hbm>> -> memref<1x1x1x128xf32, #tpu.memory_space<hbm>>
        %dma_start3A_364 = tpu.memref_squeeze %dma_start3A_363 : memref<1x1x1x128xf32, #tpu.memory_space<hbm>> -> memref<128xf32, #tpu.memory_space<hbm>>
        tpu.enqueue_dma source(%dma_start3A_364 : memref<128xf32, #tpu.memory_space<hbm>>) target(%dma_start3A_361 : memref<128xf32, #tpu.memory_space<vmem>>) target_semaphore(%arg13 : memref<!tpu.dma_semaphore, #tpu.memory_space<semaphore_mem>>)
        %dma_start3A_365 = arith.constant 2 : i32
        %dma_start3A_366 = arith.constant 0 : i32
        %dma_start3A_367 = arith.constant 256 : i32
        %dma_start3A_368 = tpu.memref_slice %arg10[%dma_start3A_366, %dma_start3A_367] : memref<2x384xf32, #tpu.memory_space<vmem>> -> memref<1x128xf32, #tpu.memory_space<vmem>>
        %dma_start3A_369 = tpu.memref_squeeze %dma_start3A_368 : memref<1x128xf32, #tpu.memory_space<vmem>> -> memref<128xf32, #tpu.memory_space<vmem>>
        %dma_start3A_370 = arith.constant 0 : i32
        %dma_start3A_371 = tpu.memref_slice %arg5[%dma_start3A_365, %add3A, %add3A_336, %dma_start3A_370] : memref<3x32x40x128xf32, #tpu.memory_space<hbm>> -> memref<1x1x1x128xf32, #tpu.memory_space<hbm>>
        %dma_start3A_372 = tpu.memref_squeeze %dma_start3A_371 : memref<1x1x1x128xf32, #tpu.memory_space<hbm>> -> memref<128xf32, #tpu.memory_space<hbm>>
        %dma_start3A_373 = arith.constant 256 : i32
        %dma_start3A_374 = tpu.memref_slice %arg10[%dma_start3A_366, %dma_start3A_373] : memref<2x384xf32, #tpu.memory_space<vmem>> -> memref<1x128xf32, #tpu.memory_space<vmem>>
        %dma_start3A_375 = tpu.memref_squeeze %dma_start3A_374 : memref<1x128xf32, #tpu.memory_space<vmem>> -> memref<128xf32, #tpu.memory_space<vmem>>
        %dma_start3A_376 = arith.constant 0 : i32
        %dma_start3A_377 = tpu.memref_slice %arg5[%dma_start3A_365, %add3A, %add3A_336, %dma_start3A_376] : memref<3x32x40x128xf32, #tpu.memory_space<hbm>> -> memref<1x1x1x128xf32, #tpu.memory_space<hbm>>
        %dma_start3A_378 = tpu.memref_squeeze %dma_start3A_377 : memref<1x1x1x128xf32, #tpu.memory_space<hbm>> -> memref<128xf32, #tpu.memory_space<hbm>>
        tpu.enqueue_dma source(%dma_start3A_378 : memref<128xf32, #tpu.memory_space<hbm>>) target(%dma_start3A_375 : memref<128xf32, #tpu.memory_space<vmem>>) target_semaphore(%arg13 : memref<!tpu.dma_semaphore, #tpu.memory_space<semaphore_mem>>)
      } else {
      }
      %scan3A_319 = arith.constant 0 : i32
      %scan3A_320 = arith.constant 8 : i32
      %scan3A_321 = arith.addi %scan3A_319, %scan3A_320 : i32
      %scan3A_322 = arith.constant 1 : i32
      scf.for %scan3A_335 = %scan3A_319 to %scan3A_321 step %scan3A_322  : i32 {
        %mul3A_336 = arith.constant 16 : i32
        %mul3A_337 = arith.muli %scan3A_335, %mul3A_336 : i32
        %mul3A_338 = arith.constant 16 : i32
        %mul3A_339 = arith.muli %scan3A_335, %mul3A_338 : i32
        %get3A = arith.constant 1 : i32
        %get3A_340 = arith.index_cast %get3A : i32 to index
        %get3A_341 = arith.index_cast %mul3A_339 : i32 to index
        %get3A_342 = tpu.vector_load %arg10[%get3A_340, %get3A_341] {strides = array<i32>} : memref<2x384xf32, #tpu.memory_space<vmem>>, vector<1x16xf32>,
        %get3A_343 = vector.shape_cast %get3A_342 : vector<1x16xf32> to vector<16xf32>
        %mul3A_344 = arith.constant 16 : i32
        %mul3A_345 = arith.muli %scan3A_335, %mul3A_344 : i32
        %add3A_346 = arith.constant 128 : i32
        %add3A_347 = arith.addi %add3A_346, %mul3A_345 : i32
        %get3A_348 = arith.constant 1 : i32
        %get3A_349 = arith.index_cast %get3A_348 : i32 to index
        %get3A_350 = arith.index_cast %add3A_347 : i32 to index
        %get3A_351 = tpu.vector_load %arg10[%get3A_349, %get3A_350] {strides = array<i32>} : memref<2x384xf32, #tpu.memory_space<vmem>>, vector<1x16xf32>,
        %get3A_352 = vector.shape_cast %get3A_351 : vector<1x16xf32> to vector<16xf32>
        %mul3A_353 = arith.constant 16 : i32
        %mul3A_354 = arith.muli %scan3A_335, %mul3A_353 : i32
        %add3A_355 = arith.constant 256 : i32
        %add3A_356 = arith.addi %add3A_355, %mul3A_354 : i32
        %get3A_357 = arith.constant 1 : i32
        %get3A_358 = arith.index_cast %get3A_357 : i32 to index
        %get3A_359 = arith.index_cast %add3A_356 : i32 to index
        %get3A_360 = tpu.vector_load %arg10[%get3A_358, %get3A_359] {strides = array<i32>} : memref<2x384xf32, #tpu.memory_space<vmem>>, vector<1x16xf32>,
        %get3A_361 = vector.shape_cast %get3A_360 : vector<1x16xf32> to vector<16xf32>
        %scan3A_362 = arith.constant 0 : i32
        %scan3A_363 = arith.constant 16 : i32
        %scan3A_364 = arith.addi %scan3A_362, %scan3A_363 : i32
        %scan3A_365 = arith.constant 4 : i32
        scf.for %scan3A_367 = %scan3A_362 to %scan3A_364 step %scan3A_365  : i32 {
          %add3A_368 = arith.addi %mul3A_337, %scan3A_367 : i32
          %broadcast_in_dim3A_369 = vector.broadcast %scan3A_367 : i32 to vector<16x1xi32>
          %gather3A = vector.shape_cast %broadcast_in_dim3A_369 : vector<16x1xi32> to vector<16xi32>
          %gather3A_370 = tpu.dynamic_gather %get3A_343[%gather3A] in [0] : vector<16xf32>, vector<16xi32> -> vector<16xf32>
          %select_n3A = arith.select %eq3A_63, %gather3A_370, %broadcast_in_dim3A_1 : vector<16xi1>, vector<16xf32>
          %broadcast_in_dim3A_371 = vector.broadcast %scan3A_367 : i32 to vector<16x1xi32>
          %gather3A_372 = vector.shape_cast %broadcast_in_dim3A_371 : vector<16x1xi32> to vector<16xi32>
          %gather3A_373 = tpu.dynamic_gather %get3A_352[%gather3A_372] in [0] : vector<16xf32>, vector<16xi32> -> vector<16xf32>
          %select_n3A_374 = arith.select %eq3A_66, %gather3A_373, %select_n3A : vector<16xi1>, vector<16xf32>
          %broadcast_in_dim3A_375 = vector.broadcast %scan3A_367 : i32 to vector<16x1xi32>
          %gather3A_376 = vector.shape_cast %broadcast_in_dim3A_375 : vector<16x1xi32> to vector<16xi32>
          %gather3A_377 = tpu.dynamic_gather %get3A_361[%gather3A_376] in [0] : vector<16xf32>, vector<16xi32> -> vector<16xf32>
          %select_n3A_378 = arith.select %eq3A_69, %gather3A_377, %select_n3A_374 : vector<16xi1>, vector<16xf32>
          %swap3A = arith.constant 1 : i32
          %swap3A_379 = arith.index_cast %swap3A : i32 to index
          %swap3A_380 = arith.index_cast %add3A_368 : i32 to index
          %swap3A_381 = arith.constant 0 : index
          %swap3A_382 = tpu.vector_load %arg11[%swap3A_379, %swap3A_380, %swap3A_381] {strides = array<i32>} : memref<2x128x128xf32, #tpu.memory_space<vmem>>, vector<1x1x16xf32>,
          %swap3A_383 = vector.shape_cast %swap3A_382 : vector<1x1x16xf32> to vector<16xf32>
          %swap3A_384 = vector.shape_cast %select_n3A_378 : vector<16xf32> to vector<1x1x16xf32>
          tpu.vector_store %arg11[%swap3A_379, %swap3A_380, %swap3A_381], %swap3A_384 {strides = array<i32>} : memref<2x128x128xf32, #tpu.memory_space<vmem>>, vector<1x1x16xf32>,
          %scan3A_385 = arith.constant 1 : i32
          %scan3A_386 = arith.addi %scan3A_367, %scan3A_385 : i32
          %add3A_387 = arith.addi %mul3A_337, %scan3A_386 : i32
          %broadcast_in_dim3A_388 = vector.broadcast %scan3A_386 : i32 to vector<16x1xi32>
          %gather3A_389 = vector.shape_cast %broadcast_in_dim3A_388 : vector<16x1xi32> to vector<16xi32>
          %gather3A_390 = tpu.dynamic_gather %get3A_343[%gather3A_389] in [0] : vector<16xf32>, vector<16xi32> -> vector<16xf32>
          %select_n3A_391 = arith.select %eq3A_63, %gather3A_390, %broadcast_in_dim3A_1 : vector<16xi1>, vector<16xf32>
          %broadcast_in_dim3A_392 = vector.broadcast %scan3A_386 : i32 to vector<16x1xi32>
          %gather3A_393 = vector.shape_cast %broadcast_in_dim3A_392 : vector<16x1xi32> to vector<16xi32>
          %gather3A_394 = tpu.dynamic_gather %get3A_352[%gather3A_393] in [0] : vector<16xf32>, vector<16xi32> -> vector<16xf32>
          %select_n3A_395 = arith.select %eq3A_66, %gather3A_394, %select_n3A_391 : vector<16xi1>, vector<16xf32>
          %broadcast_in_dim3A_396 = vector.broadcast %scan3A_386 : i32 to vector<16x1xi32>
          %gather3A_397 = vector.shape_cast %broadcast_in_dim3A_396 : vector<16x1xi32> to vector<16xi32>
          %gather3A_398 = tpu.dynamic_gather %get3A_361[%gather3A_397] in [0] : vector<16xf32>, vector<16xi32> -> vector<16xf32>
          %select_n3A_399 = arith.select %eq3A_69, %gather3A_398, %select_n3A_395 : vector<16xi1>, vector<16xf32>
          %swap3A_400 = arith.constant 1 : i32
          %swap3A_401 = arith.index_cast %swap3A_400 : i32 to index
          %swap3A_402 = arith.index_cast %add3A_387 : i32 to index
          %swap3A_403 = arith.constant 0 : index
          %swap3A_404 = tpu.vector_load %arg11[%swap3A_401, %swap3A_402, %swap3A_403] {strides = array<i32>} : memref<2x128x128xf32, #tpu.memory_space<vmem>>, vector<1x1x16xf32>,
          %swap3A_405 = vector.shape_cast %swap3A_404 : vector<1x1x16xf32> to vector<16xf32>
          %swap3A_406 = vector.shape_cast %select_n3A_399 : vector<16xf32> to vector<1x1x16xf32>
          tpu.vector_store %arg11[%swap3A_401, %swap3A_402, %swap3A_403], %swap3A_406 {strides = array<i32>} : memref<2x128x128xf32, #tpu.memory_space<vmem>>, vector<1x1x16xf32>,
          %scan3A_407 = arith.constant 2 : i32
          %scan3A_408 = arith.addi %scan3A_367, %scan3A_407 : i32
          %add3A_409 = arith.addi %mul3A_337, %scan3A_408 : i32
          %broadcast_in_dim3A_410 = vector.broadcast %scan3A_408 : i32 to vector<16x1xi32>
          %gather3A_411 = vector.shape_cast %broadcast_in_dim3A_410 : vector<16x1xi32> to vector<16xi32>
          %gather3A_412 = tpu.dynamic_gather %get3A_343[%gather3A_411] in [0] : vector<16xf32>, vector<16xi32> -> vector<16xf32>
          %select_n3A_413 = arith.select %eq3A_63, %gather3A_412, %broadcast_in_dim3A_1 : vector<16xi1>, vector<16xf32>
          %broadcast_in_dim3A_414 = vector.broadcast %scan3A_408 : i32 to vector<16x1xi32>
          %gather3A_415 = vector.shape_cast %broadcast_in_dim3A_414 : vector<16x1xi32> to vector<16xi32>
          %gather3A_416 = tpu.dynamic_gather %get3A_352[%gather3A_415] in [0] : vector<16xf32>, vector<16xi32> -> vector<16xf32>
          %select_n3A_417 = arith.select %eq3A_66, %gather3A_416, %select_n3A_413 : vector<16xi1>, vector<16xf32>
          %broadcast_in_dim3A_418 = vector.broadcast %scan3A_408 : i32 to vector<16x1xi32>
          %gather3A_419 = vector.shape_cast %broadcast_in_dim3A_418 : vector<16x1xi32> to vector<16xi32>
          %gather3A_420 = tpu.dynamic_gather %get3A_361[%gather3A_419] in [0] : vector<16xf32>, vector<16xi32> -> vector<16xf32>
          %select_n3A_421 = arith.select %eq3A_69, %gather3A_420, %select_n3A_417 : vector<16xi1>, vector<16xf32>
          %swap3A_422 = arith.constant 1 : i32
          %swap3A_423 = arith.index_cast %swap3A_422 : i32 to index
          %swap3A_424 = arith.index_cast %add3A_409 : i32 to index
          %swap3A_425 = arith.constant 0 : index
          %swap3A_426 = tpu.vector_load %arg11[%swap3A_423, %swap3A_424, %swap3A_425] {strides = array<i32>} : memref<2x128x128xf32, #tpu.memory_space<vmem>>, vector<1x1x16xf32>,
          %swap3A_427 = vector.shape_cast %swap3A_426 : vector<1x1x16xf32> to vector<16xf32>
          %swap3A_428 = vector.shape_cast %select_n3A_421 : vector<16xf32> to vector<1x1x16xf32>
          tpu.vector_store %arg11[%swap3A_423, %swap3A_424, %swap3A_425], %swap3A_428 {strides = array<i32>} : memref<2x128x128xf32, #tpu.memory_space<vmem>>, vector<1x1x16xf32>,
          %scan3A_429 = arith.constant 3 : i32
          %scan3A_430 = arith.addi %scan3A_367, %scan3A_429 : i32
          %add3A_431 = arith.addi %mul3A_337, %scan3A_430 : i32
          %broadcast_in_dim3A_432 = vector.broadcast %scan3A_430 : i32 to vector<16x1xi32>
          %gather3A_433 = vector.shape_cast %broadcast_in_dim3A_432 : vector<16x1xi32> to vector<16xi32>
          %gather3A_434 = tpu.dynamic_gather %get3A_343[%gather3A_433] in [0] : vector<16xf32>, vector<16xi32> -> vector<16xf32>
          %select_n3A_435 = arith.select %eq3A_63, %gather3A_434, %broadcast_in_dim3A_1 : vector<16xi1>, vector<16xf32>
          %broadcast_in_dim3A_436 = vector.broadcast %scan3A_430 : i32 to vector<16x1xi32>
          %gather3A_437 = vector.shape_cast %broadcast_in_dim3A_436 : vector<16x1xi32> to vector<16xi32>
          %gather3A_438 = tpu.dynamic_gather %get3A_352[%gather3A_437] in [0] : vector<16xf32>, vector<16xi32> -> vector<16xf32>
          %select_n3A_439 = arith.select %eq3A_66, %gather3A_438, %select_n3A_435 : vector<16xi1>, vector<16xf32>
          %broadcast_in_dim3A_440 = vector.broadcast %scan3A_430 : i32 to vector<16x1xi32>
          %gather3A_441 = vector.shape_cast %broadcast_in_dim3A_440 : vector<16x1xi32> to vector<16xi32>
          %gather3A_442 = tpu.dynamic_gather %get3A_361[%gather3A_441] in [0] : vector<16xf32>, vector<16xi32> -> vector<16xf32>
          %select_n3A_443 = arith.select %eq3A_69, %gather3A_442, %select_n3A_439 : vector<16xi1>, vector<16xf32>
          %swap3A_444 = arith.constant 1 : i32
          %swap3A_445 = arith.index_cast %swap3A_444 : i32 to index
          %swap3A_446 = arith.index_cast %add3A_431 : i32 to index
          %swap3A_447 = arith.constant 0 : index
          %swap3A_448 = tpu.vector_load %arg11[%swap3A_445, %swap3A_446, %swap3A_447] {strides = array<i32>} : memref<2x128x128xf32, #tpu.memory_space<vmem>>, vector<1x1x16xf32>,
          %swap3A_449 = vector.shape_cast %swap3A_448 : vector<1x1x16xf32> to vector<16xf32>
          %swap3A_450 = vector.shape_cast %select_n3A_443 : vector<16xf32> to vector<1x1x16xf32>
          tpu.vector_store %arg11[%swap3A_445, %swap3A_446, %swap3A_447], %swap3A_450 {strides = array<i32>} : memref<2x128x128xf32, #tpu.memory_space<vmem>>, vector<1x1x16xf32>,
        }
        %scan3A_366 = arith.constant 16 : i32
      }
      %scan3A_323 = arith.constant 8 : i32
      %dma_start3A_324 = arith.constant 1 : i32
      %dma_start3A_325 = arith.constant 0 : i32
      %dma_start3A_326 = arith.constant 0 : i32
      %dma_start3A_327 = tpu.memref_slice %arg11[%dma_start3A_324, %dma_start3A_325, %dma_start3A_326] : memref<2x128x128xf32, #tpu.memory_space<vmem>> -> memref<1x128x128xf32, #tpu.memory_space<vmem>>
      %dma_start3A_328 = tpu.memref_squeeze %dma_start3A_327 : memref<1x128x128xf32, #tpu.memory_space<vmem>> -> memref<128x128xf32, #tpu.memory_space<vmem>>
      %dma_start3A_329 = arith.constant 0 : i32
      %dma_start3A_330 = tpu.memref_slice %arg9[%add3A_141, %dma_start3A_329] : memref<40x128xi32, #tpu.memory_space<vmem>> -> memref<1x128xi32, #tpu.memory_space<vmem>>
      %dma_start3A_331 = tpu.memref_squeeze %dma_start3A_330 : memref<1x128xi32, #tpu.memory_space<vmem>> -> memref<128xi32, #tpu.memory_space<vmem>>
      %dma_start3A_332 = arith.constant 0 : i32
      %dma_start3A_333 = arith.constant 0 : i32
      %dma_start3A_334 = tpu.memref_slice %arg12[%dma_start3A_332, %dma_start3A_333] : memref<10240x128xf32, #tpu.memory_space<vmem_shared>> -> memref<10240x128xf32, #tpu.memory_space<vmem_shared>>
      tpu.enqueue_indirect_dma source(%dma_start3A_328 : memref<128x128xf32, #tpu.memory_space<vmem>>) target(%dma_start3A_334 : memref<10240x128xf32, #tpu.memory_space<vmem_shared>>) offsets(%dma_start3A_331 : memref<128xi32, #tpu.memory_space<vmem>>) semaphore(%arg16 : memref<!tpu.dma_semaphore, #tpu.memory_space<semaphore_mem>>) {add = true}
    }
    %scan3A_119 = arith.constant 20 : i32
    %dma_wait3A = arith.constant 1 : i32
    %dma_wait3A_120 = arith.constant 0 : i32
    %dma_wait3A_121 = arith.constant 0 : i32
    %dma_wait3A_122 = tpu.memref_slice %arg11[%dma_wait3A, %dma_wait3A_120, %dma_wait3A_121] : memref<2x128x128xf32, #tpu.memory_space<vmem>> -> memref<1x128x128xf32, #tpu.memory_space<vmem>>
    %dma_wait3A_123 = tpu.memref_squeeze %dma_wait3A_122 : memref<1x128x128xf32, #tpu.memory_space<vmem>> -> memref<128x128xf32, #tpu.memory_space<vmem>>
    %dma_wait3A_124 = arith.constant 0 : i32
    %dma_wait3A_125 = arith.constant 0 : i32
    %dma_wait3A_126 = tpu.memref_slice %arg12[%dma_wait3A_124, %dma_wait3A_125] : memref<10240x128xf32, #tpu.memory_space<vmem_shared>> -> memref<128x128xf32, #tpu.memory_space<vmem_shared>>
    %dma_wait3A_127 = arith.constant 0 : i32
    %dma_wait3A_128 = arith.constant 0 : i32
    %dma_wait3A_129 = tpu.memref_slice %arg12[%dma_wait3A_127, %dma_wait3A_128] : memref<10240x128xf32, #tpu.memory_space<vmem_shared>> -> memref<128x128xf32, #tpu.memory_space<vmem_shared>>
    %dma_wait3A_130 = arith.constant 0 : i32
    %dma_wait3A_131 = arith.constant 0 : i32
    %dma_wait3A_132 = tpu.memref_slice %arg11[%dma_wait3A, %dma_wait3A_130, %dma_wait3A_131] : memref<2x128x128xf32, #tpu.memory_space<vmem>> -> memref<1x128x128xf32, #tpu.memory_space<vmem>>
    %dma_wait3A_133 = tpu.memref_squeeze %dma_wait3A_132 : memref<1x128x128xf32, #tpu.memory_space<vmem>> -> memref<128x128xf32, #tpu.memory_space<vmem>>
    tpu.wait_dma2 semaphore(%arg16 : memref<!tpu.dma_semaphore, #tpu.memory_space<semaphore_mem>>) src(%dma_wait3A_133 : memref<128x128xf32, #tpu.memory_space<vmem>>) dst(%dma_wait3A_129 : memref<128x128xf32, #tpu.memory_space<vmem_shared>>)
    %barrier3A_134 = arith.constant 0 : index
    tpu.barrier barrier_id(%barrier3A_134)
    %add3A_135 = arith.constant 12 : i32
    %add3A_136 = arith.addi %add3A_135, %arg0 : i32
    "tpu.region"() ({
      %run_scoped3A = tpu.sem_alloc : memref<!tpu.dma_semaphore, #tpu.memory_space<semaphore_mem>>
      %dma_start3A_137 = arith.constant 0 : i32
      %dma_start3A_138 = tpu.memref_slice %arg7[%add3A_136, %mul3A_3, %dma_start3A_137] : memref<14x10240x128xf32, #tpu.memory_space<hbm>> -> memref<1x640x128xf32, #tpu.memory_space<hbm>>
      %dma_start3A_139 = tpu.memref_squeeze %dma_start3A_138 : memref<1x640x128xf32, #tpu.memory_space<hbm>> -> memref<640x128xf32, #tpu.memory_space<hbm>>
      %dma_start3A_140 = arith.constant 0 : i32
      %dma_start3A_141 = tpu.memref_slice %arg12[%mul3A_3, %dma_start3A_140] : memref<10240x128xf32, #tpu.memory_space<vmem_shared>> -> memref<640x128xf32, #tpu.memory_space<vmem_shared>>
      tpu.enqueue_dma source(%dma_start3A_141 : memref<640x128xf32, #tpu.memory_space<vmem_shared>>) target(%dma_start3A_139 : memref<640x128xf32, #tpu.memory_space<hbm>>) target_semaphore(%run_scoped3A : memref<!tpu.dma_semaphore, #tpu.memory_space<semaphore_mem>>)
      %dma_wait3A_142 = arith.constant 0 : i32
      %dma_wait3A_143 = tpu.memref_slice %arg7[%add3A_136, %mul3A_3, %dma_wait3A_142] : memref<14x10240x128xf32, #tpu.memory_space<hbm>> -> memref<1x640x128xf32, #tpu.memory_space<hbm>>
      %dma_wait3A_144 = tpu.memref_squeeze %dma_wait3A_143 : memref<1x640x128xf32, #tpu.memory_space<hbm>> -> memref<640x128xf32, #tpu.memory_space<hbm>>
      %dma_wait3A_145 = arith.constant 0 : i32
      %dma_wait3A_146 = tpu.memref_slice %arg12[%mul3A_3, %dma_wait3A_145] : memref<10240x128xf32, #tpu.memory_space<vmem_shared>> -> memref<640x128xf32, #tpu.memory_space<vmem_shared>>
      tpu.wait_dma2 semaphore(%run_scoped3A : memref<!tpu.dma_semaphore, #tpu.memory_space<semaphore_mem>>) src(%dma_wait3A_146 : memref<640x128xf32, #tpu.memory_space<vmem_shared>>) dst(%dma_wait3A_144 : memref<640x128xf32, #tpu.memory_space<hbm>>)
      tpu.yield
    }) : () -> ()
    return
  }
}

module attributes {stable_mosaic.version = 14 : i64} {
  func.func @_mlp_body(%arg0: i32, %arg1: memref<1x1xf32, #tpu.memory_space<smem>>, %arg2: memref<128x256xf32, #tpu.memory_space<vmem>>, %arg3: memref<14x128x128xf32, #tpu.memory_space<vmem>>, %arg4: memref<1024x512xf32, #tpu.memory_space<vmem>>, %arg5: memref<1x512xf32, #tpu.memory_space<vmem>>, %arg6: memref<1x512xf32, #tpu.memory_space<vmem>>, %arg7: memref<1x512xf32, #tpu.memory_space<vmem>>, %arg8: memref<512x256xf32, #tpu.memory_space<vmem>>, %arg9: memref<1x256xf32, #tpu.memory_space<vmem>>, %arg10: memref<1x256xf32, #tpu.memory_space<vmem>>, %arg11: memref<1x256xf32, #tpu.memory_space<vmem>>, %arg12: memref<256x256xf32, #tpu.memory_space<vmem>>, %arg13: memref<1x256xf32, #tpu.memory_space<vmem>>, %arg14: memref<128x256xf32, #tpu.memory_space<vmem>>) attributes {dimension_semantics = [#tpu.dimension_semantics<arbitrary>], iteration_bounds = array<i64: 80>, scalar_prefetch = 0 : i64, scratch_operands = 0 : i64, tpu.core_type = #tpu.core_type<tc>, window_params = [{transform_indices = @transform_0, window_bounds = array<i64: 1, 1>}, {transform_indices = @transform_1, window_bounds = array<i64: 128, 256>}, {transform_indices = @transform_2, window_bounds = array<i64: 14, 128, 128>}, {pipeline_mode = #tpu.pipeline_mode<synchronous>, transform_indices = @transform_3, window_bounds = array<i64: 1024, 512>}, {pipeline_mode = #tpu.pipeline_mode<synchronous>, transform_indices = @transform_4, window_bounds = array<i64: 1, 512>}, {pipeline_mode = #tpu.pipeline_mode<synchronous>, transform_indices = @transform_5, window_bounds = array<i64: 1, 512>}, {pipeline_mode = #tpu.pipeline_mode<synchronous>, transform_indices = @transform_6, window_bounds = array<i64: 1, 512>}, {pipeline_mode = #tpu.pipeline_mode<synchronous>, transform_indices = @transform_7, window_bounds = array<i64: 512, 256>}, {pipeline_mode = #tpu.pipeline_mode<synchronous>, transform_indices = @transform_8, window_bounds = array<i64: 1, 256>}, {pipeline_mode = #tpu.pipeline_mode<synchronous>, transform_indices = @transform_9, window_bounds = array<i64: 1, 256>}, {pipeline_mode = #tpu.pipeline_mode<synchronous>, transform_indices = @transform_10, window_bounds = array<i64: 1, 256>}, {pipeline_mode = #tpu.pipeline_mode<synchronous>, transform_indices = @transform_11, window_bounds = array<i64: 256, 256>}, {pipeline_mode = #tpu.pipeline_mode<synchronous>, transform_indices = @transform_12, window_bounds = array<i64: 1, 256>}, {transform_indices = @transform_13, window_bounds = array<i64: 128, 256>}]} {
    %get3A = arith.constant 0 : index
    %get3A_0 = arith.constant 0 : index
    %get3A_1 = memref.load %arg1[%get3A, %get3A_0] : memref<1x1xf32, #tpu.memory_space<smem>>
    %get3A_2 = arith.constant 0 : index
    %get3A_3 = arith.constant 0 : index
    %get3A_4 = vector.load %arg2[%get3A_2, %get3A_3] : memref<128x256xf32, #tpu.memory_space<vmem>>, vector<128x256xf32>
    %get3A_5 = arith.constant 0 : index
    %get3A_6 = arith.constant 0 : index
    %get3A_7 = arith.constant 0 : index
    %get3A_8 = vector.load %arg3[%get3A_5, %get3A_6, %get3A_7] : memref<14x128x128xf32, #tpu.memory_space<vmem>>, vector<14x128x128xf32>
    %slice3A = vector.extract_strided_slice %get3A_8 {offsets = [12, 0, 0], sizes = [1, 128, 128], strides = [1, 1, 1]} : vector<14x128x128xf32> to vector<1x128x128xf32>
    %squeeze3A = vector.shape_cast %slice3A : vector<1x128x128xf32> to vector<128x128xf32>
    %slice3A_9 = vector.extract_strided_slice %get3A_8 {offsets = [13, 0, 0], sizes = [1, 128, 128], strides = [1, 1, 1]} : vector<14x128x128xf32> to vector<1x128x128xf32>
    %squeeze3A_10 = vector.shape_cast %slice3A_9 : vector<1x128x128xf32> to vector<128x128xf32>
    %add3A = arith.addf %squeeze3A, %squeeze3A_10 : vector<128x128xf32>
    %mul3A = arith.mulf %get3A_1, %get3A_1 : f32
    %get3A_11 = arith.constant 0 : index
    %get3A_12 = arith.constant 0 : index
    %get3A_13 = vector.load %arg4[%get3A_11, %get3A_12] : memref<1024x512xf32, #tpu.memory_space<vmem>>, vector<256x512xf32>
    %dot_general3A = arith.constant dense<0.000000e+00> : vector<128x512xf32>
    %dot_general3A_14 = tpu.matmul %get3A_4, %get3A_13, %dot_general3A {dimension_numbers = #tpu.dot_dimension_numbers<[1], [0], [0], [1], [0, 0, 1, 1], [], []>, transpose_lhs_hint = false} : vector<128x256xf32>, vector<256x512xf32>, vector<128x512xf32> -> vector<128x512xf32>
    %slice3A_15 = vector.extract_strided_slice %get3A_8 {offsets = [0, 0, 0], sizes = [1, 128, 128], strides = [1, 1, 1]} : vector<14x128x128xf32> to vector<1x128x128xf32>
    %squeeze3A_16 = vector.shape_cast %slice3A_15 : vector<1x128x128xf32> to vector<128x128xf32>
    %slice3A_17 = vector.extract_strided_slice %get3A_8 {offsets = [1, 0, 0], sizes = [1, 128, 128], strides = [1, 1, 1]} : vector<14x128x128xf32> to vector<1x128x128xf32>
    %squeeze3A_18 = vector.shape_cast %slice3A_17 : vector<1x128x128xf32> to vector<128x128xf32>
    %add3A_19 = arith.addf %squeeze3A_16, %squeeze3A_18 : vector<128x128xf32>
    %slice3A_20 = vector.extract_strided_slice %get3A_8 {offsets = [6, 0, 0], sizes = [1, 128, 128], strides = [1, 1, 1]} : vector<14x128x128xf32> to vector<1x128x128xf32>
    %squeeze3A_21 = vector.shape_cast %slice3A_20 : vector<1x128x128xf32> to vector<128x128xf32>
    %slice3A_22 = vector.extract_strided_slice %get3A_8 {offsets = [7, 0, 0], sizes = [1, 128, 128], strides = [1, 1, 1]} : vector<14x128x128xf32> to vector<1x128x128xf32>
    %squeeze3A_23 = vector.shape_cast %slice3A_22 : vector<1x128x128xf32> to vector<128x128xf32>
    %add3A_24 = arith.addf %squeeze3A_21, %squeeze3A_23 : vector<128x128xf32>
    %concatenate3A = tpu.concatenate %add3A_19, %add3A_24 in 1 : vector<128x128xf32>, vector<128x128xf32> -> vector<128x256xf32>
    %slice3A_25 = vector.extract_strided_slice %add3A {offsets = [0, 0], sizes = [128, 1], strides = [1, 1]} : vector<128x128xf32> to vector<128x1xf32>
    %mul3A_26 = vector.broadcast %slice3A_25 : vector<128x1xf32> to vector<128x256xf32>
    %mul3A_27 = arith.mulf %mul3A_26, %get3A_4 : vector<128x256xf32>
    %sub3A = arith.subf %concatenate3A, %mul3A_27 : vector<128x256xf32>
    %mul3A_28 = vector.broadcast %get3A_1 : f32 to vector<128x256xf32>
    %mul3A_29 = arith.mulf %sub3A, %mul3A_28 : vector<128x256xf32>
    %get3A_30 = arith.constant 256 : index
    %get3A_31 = arith.constant 0 : index
    %get3A_32 = vector.load %arg4[%get3A_30, %get3A_31] : memref<1024x512xf32, #tpu.memory_space<vmem>>, vector<256x512xf32>
    %dot_general3A_33 = arith.constant dense<0.000000e+00> : vector<128x512xf32>
    %dot_general3A_34 = tpu.matmul %mul3A_29, %get3A_32, %dot_general3A_33 {dimension_numbers = #tpu.dot_dimension_numbers<[1], [0], [0], [1], [0, 0, 1, 1], [], []>, transpose_lhs_hint = false} : vector<128x256xf32>, vector<256x512xf32>, vector<128x512xf32> -> vector<128x512xf32>
    %add3A_35 = arith.addf %dot_general3A_14, %dot_general3A_34 : vector<128x512xf32>
    %slice3A_36 = vector.extract_strided_slice %get3A_8 {offsets = [2, 0, 0], sizes = [1, 128, 128], strides = [1, 1, 1]} : vector<14x128x128xf32> to vector<1x128x128xf32>
    %squeeze3A_37 = vector.shape_cast %slice3A_36 : vector<1x128x128xf32> to vector<128x128xf32>
    %slice3A_38 = vector.extract_strided_slice %get3A_8 {offsets = [3, 0, 0], sizes = [1, 128, 128], strides = [1, 1, 1]} : vector<14x128x128xf32> to vector<1x128x128xf32>
    %squeeze3A_39 = vector.shape_cast %slice3A_38 : vector<1x128x128xf32> to vector<128x128xf32>
    %add3A_40 = arith.addf %squeeze3A_37, %squeeze3A_39 : vector<128x128xf32>
    %slice3A_41 = vector.extract_strided_slice %get3A_8 {offsets = [8, 0, 0], sizes = [1, 128, 128], strides = [1, 1, 1]} : vector<14x128x128xf32> to vector<1x128x128xf32>
    %squeeze3A_42 = vector.shape_cast %slice3A_41 : vector<1x128x128xf32> to vector<128x128xf32>
    %slice3A_43 = vector.extract_strided_slice %get3A_8 {offsets = [9, 0, 0], sizes = [1, 128, 128], strides = [1, 1, 1]} : vector<14x128x128xf32> to vector<1x128x128xf32>
    %squeeze3A_44 = vector.shape_cast %slice3A_43 : vector<1x128x128xf32> to vector<128x128xf32>
    %add3A_45 = arith.addf %squeeze3A_42, %squeeze3A_44 : vector<128x128xf32>
    %concatenate3A_46 = tpu.concatenate %add3A_40, %add3A_45 in 1 : vector<128x128xf32>, vector<128x128xf32> -> vector<128x256xf32>
    %slice3A_47 = vector.extract_strided_slice %add3A {offsets = [0, 1], sizes = [128, 1], strides = [1, 1]} : vector<128x128xf32> to vector<128x1xf32>
    %mul3A_48 = vector.broadcast %slice3A_47 : vector<128x1xf32> to vector<128x256xf32>
    %mul3A_49 = arith.mulf %mul3A_48, %get3A_4 : vector<128x256xf32>
    %sub3A_50 = arith.subf %concatenate3A_46, %mul3A_49 : vector<128x256xf32>
    %mul3A_51 = vector.broadcast %get3A_1 : f32 to vector<128x256xf32>
    %mul3A_52 = arith.mulf %sub3A_50, %mul3A_51 : vector<128x256xf32>
    %get3A_53 = arith.constant 512 : index
    %get3A_54 = arith.constant 0 : index
    %get3A_55 = vector.load %arg4[%get3A_53, %get3A_54] : memref<1024x512xf32, #tpu.memory_space<vmem>>, vector<256x512xf32>
    %dot_general3A_56 = arith.constant dense<0.000000e+00> : vector<128x512xf32>
    %dot_general3A_57 = tpu.matmul %mul3A_52, %get3A_55, %dot_general3A_56 {dimension_numbers = #tpu.dot_dimension_numbers<[1], [0], [0], [1], [0, 0, 1, 1], [], []>, transpose_lhs_hint = false} : vector<128x256xf32>, vector<256x512xf32>, vector<128x512xf32> -> vector<128x512xf32>
    %add3A_58 = arith.addf %add3A_35, %dot_general3A_57 : vector<128x512xf32>
    %slice3A_59 = vector.extract_strided_slice %get3A_8 {offsets = [4, 0, 0], sizes = [1, 128, 128], strides = [1, 1, 1]} : vector<14x128x128xf32> to vector<1x128x128xf32>
    %squeeze3A_60 = vector.shape_cast %slice3A_59 : vector<1x128x128xf32> to vector<128x128xf32>
    %slice3A_61 = vector.extract_strided_slice %get3A_8 {offsets = [5, 0, 0], sizes = [1, 128, 128], strides = [1, 1, 1]} : vector<14x128x128xf32> to vector<1x128x128xf32>
    %squeeze3A_62 = vector.shape_cast %slice3A_61 : vector<1x128x128xf32> to vector<128x128xf32>
    %add3A_63 = arith.addf %squeeze3A_60, %squeeze3A_62 : vector<128x128xf32>
    %slice3A_64 = vector.extract_strided_slice %get3A_8 {offsets = [10, 0, 0], sizes = [1, 128, 128], strides = [1, 1, 1]} : vector<14x128x128xf32> to vector<1x128x128xf32>
    %squeeze3A_65 = vector.shape_cast %slice3A_64 : vector<1x128x128xf32> to vector<128x128xf32>
    %slice3A_66 = vector.extract_strided_slice %get3A_8 {offsets = [11, 0, 0], sizes = [1, 128, 128], strides = [1, 1, 1]} : vector<14x128x128xf32> to vector<1x128x128xf32>
    %squeeze3A_67 = vector.shape_cast %slice3A_66 : vector<1x128x128xf32> to vector<128x128xf32>
    %add3A_68 = arith.addf %squeeze3A_65, %squeeze3A_67 : vector<128x128xf32>
    %concatenate3A_69 = tpu.concatenate %add3A_63, %add3A_68 in 1 : vector<128x128xf32>, vector<128x128xf32> -> vector<128x256xf32>
    %slice3A_70 = vector.extract_strided_slice %add3A {offsets = [0, 2], sizes = [128, 1], strides = [1, 1]} : vector<128x128xf32> to vector<128x1xf32>
    %mul3A_71 = vector.broadcast %slice3A_70 : vector<128x1xf32> to vector<128x256xf32>
    %mul3A_72 = arith.mulf %mul3A_71, %get3A_4 : vector<128x256xf32>
    %sub3A_73 = arith.subf %concatenate3A_69, %mul3A_72 : vector<128x256xf32>
    %mul3A_74 = vector.broadcast %mul3A : f32 to vector<128x256xf32>
    %mul3A_75 = arith.mulf %sub3A_73, %mul3A_74 : vector<128x256xf32>
    %get3A_76 = arith.constant 768 : index
    %get3A_77 = arith.constant 0 : index
    %get3A_78 = vector.load %arg4[%get3A_76, %get3A_77] : memref<1024x512xf32, #tpu.memory_space<vmem>>, vector<256x512xf32>
    %dot_general3A_79 = arith.constant dense<0.000000e+00> : vector<128x512xf32>
    %dot_general3A_80 = tpu.matmul %mul3A_75, %get3A_78, %dot_general3A_79 {dimension_numbers = #tpu.dot_dimension_numbers<[1], [0], [0], [1], [0, 0, 1, 1], [], []>, transpose_lhs_hint = false} : vector<128x256xf32>, vector<256x512xf32>, vector<128x512xf32> -> vector<128x512xf32>
    %add3A_81 = arith.addf %add3A_58, %dot_general3A_80 : vector<128x512xf32>
    %get3A_82 = arith.constant 0 : index
    %get3A_83 = arith.constant 0 : index
    %get3A_84 = vector.load %arg5[%get3A_82, %get3A_83] : memref<1x512xf32, #tpu.memory_space<vmem>>, vector<1x512xf32>
    %add3A_85 = vector.broadcast %get3A_84 : vector<1x512xf32> to vector<128x512xf32>
    %add3A_86 = arith.addf %add3A_81, %add3A_85 : vector<128x512xf32>
    %get3A_87 = arith.constant 0 : index
    %get3A_88 = arith.constant 0 : index
    %get3A_89 = vector.load %arg6[%get3A_87, %get3A_88] : memref<1x512xf32, #tpu.memory_space<vmem>>, vector<1x512xf32>
    %get3A_90 = arith.constant 0 : index
    %get3A_91 = arith.constant 0 : index
    %get3A_92 = vector.load %arg7[%get3A_90, %get3A_91] : memref<1x512xf32, #tpu.memory_space<vmem>>, vector<1x512xf32>
    %reduce_sum3A = arith.constant dense<0.000000e+00> : vector<128xf32>
    %reduce_sum3A_93 = vector.multi_reduction <add>, %add3A_86, %reduce_sum3A [1] : vector<128x512xf32> to vector<128xf32>
    %broadcast_in_dim3A = vector.shape_cast %reduce_sum3A_93 : vector<128xf32> to vector<128x1xf32>
    %div3A = arith.constant 5.120000e+02 : f32
    %div3A_94 = vector.broadcast %div3A : f32 to vector<128x1xf32>
    %div3A_95 = arith.divf %broadcast_in_dim3A, %div3A_94 : vector<128x1xf32>
    %sub3A_96 = vector.broadcast %div3A_95 : vector<128x1xf32> to vector<128x512xf32>
    %sub3A_97 = arith.subf %add3A_86, %sub3A_96 : vector<128x512xf32>
    %integer_pow3A = arith.mulf %sub3A_97, %sub3A_97 : vector<128x512xf32>
    %reduce_sum3A_98 = arith.constant dense<0.000000e+00> : vector<128xf32>
    %reduce_sum3A_99 = vector.multi_reduction <add>, %integer_pow3A, %reduce_sum3A_98 [1] : vector<128x512xf32> to vector<128xf32>
    %broadcast_in_dim3A_100 = vector.shape_cast %reduce_sum3A_99 : vector<128xf32> to vector<128x1xf32>
    %div3A_101 = arith.constant 5.120000e+02 : f32
    %div3A_102 = vector.broadcast %div3A_101 : f32 to vector<128x1xf32>
    %div3A_103 = arith.divf %broadcast_in_dim3A_100, %div3A_102 : vector<128x1xf32>
    %sub3A_104 = vector.broadcast %div3A_95 : vector<128x1xf32> to vector<128x512xf32>
    %sub3A_105 = arith.subf %add3A_86, %sub3A_104 : vector<128x512xf32>
    %add3A_106 = arith.constant 9.99999974E-6 : f32
    %add3A_107 = vector.broadcast %add3A_106 : f32 to vector<128x1xf32>
    %add3A_108 = arith.addf %div3A_103, %add3A_107 : vector<128x1xf32>
    %rsqrt3A = math.rsqrt %add3A_108 : vector<128x1xf32>
    %mul3A_109 = vector.broadcast %rsqrt3A : vector<128x1xf32> to vector<128x512xf32>
    %mul3A_110 = arith.mulf %sub3A_105, %mul3A_109 : vector<128x512xf32>
    %mul3A_111 = vector.broadcast %get3A_89 : vector<1x512xf32> to vector<128x512xf32>
    %mul3A_112 = arith.mulf %mul3A_110, %mul3A_111 : vector<128x512xf32>
    %add3A_113 = vector.broadcast %get3A_92 : vector<1x512xf32> to vector<128x512xf32>
    %add3A_114 = arith.addf %mul3A_112, %add3A_113 : vector<128x512xf32>
    %mul3A_115 = arith.constant 5.000000e-01 : f32
    %mul3A_116 = vector.broadcast %mul3A_115 : f32 to vector<128x512xf32>
    %mul3A_117 = arith.mulf %mul3A_116, %add3A_114 : vector<128x512xf32>
    %mul3A_118 = arith.constant 0.707106769 : f32
    %mul3A_119 = vector.broadcast %mul3A_118 : f32 to vector<128x512xf32>
    %mul3A_120 = arith.mulf %add3A_114, %mul3A_119 : vector<128x512xf32>
    %erf3A = math.erf %mul3A_120 : vector<128x512xf32>
    %add3A_121 = arith.constant 1.000000e+00 : f32
    %add3A_122 = vector.broadcast %add3A_121 : f32 to vector<128x512xf32>
    %add3A_123 = arith.addf %add3A_122, %erf3A : vector<128x512xf32>
    %mul3A_124 = arith.mulf %mul3A_117, %add3A_123 : vector<128x512xf32>
    %get3A_125 = arith.constant 0 : index
    %get3A_126 = arith.constant 0 : index
    %get3A_127 = vector.load %arg8[%get3A_125, %get3A_126] : memref<512x256xf32, #tpu.memory_space<vmem>>, vector<512x256xf32>
    %dot_general3A_128 = arith.constant dense<0.000000e+00> : vector<128x256xf32>
    %dot_general3A_129 = tpu.matmul %mul3A_124, %get3A_127, %dot_general3A_128 {dimension_numbers = #tpu.dot_dimension_numbers<[1], [0], [0], [1], [0, 0, 1, 1], [], []>, transpose_lhs_hint = false} : vector<128x512xf32>, vector<512x256xf32>, vector<128x256xf32> -> vector<128x256xf32>
    %get3A_130 = arith.constant 0 : index
    %get3A_131 = arith.constant 0 : index
    %get3A_132 = vector.load %arg9[%get3A_130, %get3A_131] : memref<1x256xf32, #tpu.memory_space<vmem>>, vector<1x256xf32>
    %add3A_133 = vector.broadcast %get3A_132 : vector<1x256xf32> to vector<128x256xf32>
    %add3A_134 = arith.addf %dot_general3A_129, %add3A_133 : vector<128x256xf32>
    %get3A_135 = arith.constant 0 : index
    %get3A_136 = arith.constant 0 : index
    %get3A_137 = vector.load %arg10[%get3A_135, %get3A_136] : memref<1x256xf32, #tpu.memory_space<vmem>>, vector<1x256xf32>
    %get3A_138 = arith.constant 0 : index
    %get3A_139 = arith.constant 0 : index
    %get3A_140 = vector.load %arg11[%get3A_138, %get3A_139] : memref<1x256xf32, #tpu.memory_space<vmem>>, vector<1x256xf32>
    %reduce_sum3A_141 = arith.constant dense<0.000000e+00> : vector<128xf32>
    %reduce_sum3A_142 = vector.multi_reduction <add>, %add3A_134, %reduce_sum3A_141 [1] : vector<128x256xf32> to vector<128xf32>
    %broadcast_in_dim3A_143 = vector.shape_cast %reduce_sum3A_142 : vector<128xf32> to vector<128x1xf32>
    %div3A_144 = arith.constant 2.560000e+02 : f32
    %div3A_145 = vector.broadcast %div3A_144 : f32 to vector<128x1xf32>
    %div3A_146 = arith.divf %broadcast_in_dim3A_143, %div3A_145 : vector<128x1xf32>
    %sub3A_147 = vector.broadcast %div3A_146 : vector<128x1xf32> to vector<128x256xf32>
    %sub3A_148 = arith.subf %add3A_134, %sub3A_147 : vector<128x256xf32>
    %integer_pow3A_149 = arith.mulf %sub3A_148, %sub3A_148 : vector<128x256xf32>
    %reduce_sum3A_150 = arith.constant dense<0.000000e+00> : vector<128xf32>
    %reduce_sum3A_151 = vector.multi_reduction <add>, %integer_pow3A_149, %reduce_sum3A_150 [1] : vector<128x256xf32> to vector<128xf32>
    %broadcast_in_dim3A_152 = vector.shape_cast %reduce_sum3A_151 : vector<128xf32> to vector<128x1xf32>
    %div3A_153 = arith.constant 2.560000e+02 : f32
    %div3A_154 = vector.broadcast %div3A_153 : f32 to vector<128x1xf32>
    %div3A_155 = arith.divf %broadcast_in_dim3A_152, %div3A_154 : vector<128x1xf32>
    %sub3A_156 = vector.broadcast %div3A_146 : vector<128x1xf32> to vector<128x256xf32>
    %sub3A_157 = arith.subf %add3A_134, %sub3A_156 : vector<128x256xf32>
    %add3A_158 = arith.constant 9.99999974E-6 : f32
    %add3A_159 = vector.broadcast %add3A_158 : f32 to vector<128x1xf32>
    %add3A_160 = arith.addf %div3A_155, %add3A_159 : vector<128x1xf32>
    %rsqrt3A_161 = math.rsqrt %add3A_160 : vector<128x1xf32>
    %mul3A_162 = vector.broadcast %rsqrt3A_161 : vector<128x1xf32> to vector<128x256xf32>
    %mul3A_163 = arith.mulf %sub3A_157, %mul3A_162 : vector<128x256xf32>
    %mul3A_164 = vector.broadcast %get3A_137 : vector<1x256xf32> to vector<128x256xf32>
    %mul3A_165 = arith.mulf %mul3A_163, %mul3A_164 : vector<128x256xf32>
    %add3A_166 = vector.broadcast %get3A_140 : vector<1x256xf32> to vector<128x256xf32>
    %add3A_167 = arith.addf %mul3A_165, %add3A_166 : vector<128x256xf32>
    %mul3A_168 = arith.constant 5.000000e-01 : f32
    %mul3A_169 = vector.broadcast %mul3A_168 : f32 to vector<128x256xf32>
    %mul3A_170 = arith.mulf %mul3A_169, %add3A_167 : vector<128x256xf32>
    %mul3A_171 = arith.constant 0.707106769 : f32
    %mul3A_172 = vector.broadcast %mul3A_171 : f32 to vector<128x256xf32>
    %mul3A_173 = arith.mulf %add3A_167, %mul3A_172 : vector<128x256xf32>
    %erf3A_174 = math.erf %mul3A_173 : vector<128x256xf32>
    %add3A_175 = arith.constant 1.000000e+00 : f32
    %add3A_176 = vector.broadcast %add3A_175 : f32 to vector<128x256xf32>
    %add3A_177 = arith.addf %add3A_176, %erf3A_174 : vector<128x256xf32>
    %mul3A_178 = arith.mulf %mul3A_170, %add3A_177 : vector<128x256xf32>
    %get3A_179 = arith.constant 0 : index
    %get3A_180 = arith.constant 0 : index
    %get3A_181 = vector.load %arg12[%get3A_179, %get3A_180] : memref<256x256xf32, #tpu.memory_space<vmem>>, vector<256x256xf32>
    %dot_general3A_182 = arith.constant dense<0.000000e+00> : vector<128x256xf32>
    %dot_general3A_183 = tpu.matmul %mul3A_178, %get3A_181, %dot_general3A_182 {dimension_numbers = #tpu.dot_dimension_numbers<[1], [0], [0], [1], [0, 0, 1, 1], [], []>, transpose_lhs_hint = false} : vector<128x256xf32>, vector<256x256xf32>, vector<128x256xf32> -> vector<128x256xf32>
    %get3A_184 = arith.constant 0 : index
    %get3A_185 = arith.constant 0 : index
    %get3A_186 = vector.load %arg13[%get3A_184, %get3A_185] : memref<1x256xf32, #tpu.memory_space<vmem>>, vector<1x256xf32>
    %add3A_187 = vector.broadcast %get3A_186 : vector<1x256xf32> to vector<128x256xf32>
    %add3A_188 = arith.addf %dot_general3A_183, %add3A_187 : vector<128x256xf32>
    %add3A_189 = arith.addf %add3A_188, %get3A_4 : vector<128x256xf32>
    %swap3A = arith.constant 0 : index
    %swap3A_190 = arith.constant 0 : index
    %swap3A_191 = vector.load %arg14[%swap3A, %swap3A_190] : memref<128x256xf32, #tpu.memory_space<vmem>>, vector<128x256xf32>
    tpu.vector_store %arg14[%swap3A, %swap3A_190], %add3A_189 {strides = array<i32>} : memref<128x256xf32, #tpu.memory_space<vmem>>, vector<128x256xf32>,
    return
  }
  func.func @transform_0(%arg0: i32) -> (i32, i32) {
    %c0_i32 = arith.constant 0 : i32
    %c0_i32_0 = arith.constant 0 : i32
    %c0_i32_1 = arith.constant 0 : i32
    return %c0_i32, %c0_i32_0 : i32, i32
  }
  func.func @transform_1(%arg0: i32) -> (i32, i32) {
    %c0_i32 = arith.constant 0 : i32
    %c0_i32_0 = arith.constant 0 : i32
    return %arg0, %c0_i32 : i32, i32
  }
  func.func @transform_2(%arg0: i32) -> (i32, i32, i32) {
    %c0_i32 = arith.constant 0 : i32
    %c0_i32_0 = arith.constant 0 : i32
    %c0_i32_1 = arith.constant 0 : i32
    return %c0_i32, %arg0, %c0_i32_0 : i32, i32, i32
  }
  func.func @transform_3(%arg0: i32) -> (i32, i32) {
    %c0_i32 = arith.constant 0 : i32
    %c0_i32_0 = arith.constant 0 : i32
    %c0_i32_1 = arith.constant 0 : i32
    return %c0_i32, %c0_i32_0 : i32, i32
  }
  func.func @transform_4(%arg0: i32) -> (i32, i32) {
    %c0_i32 = arith.constant 0 : i32
    %c0_i32_0 = arith.constant 0 : i32
    %c0_i32_1 = arith.constant 0 : i32
    return %c0_i32, %c0_i32_0 : i32, i32
  }
  func.func @transform_5(%arg0: i32) -> (i32, i32) {
    %c0_i32 = arith.constant 0 : i32
    %c0_i32_0 = arith.constant 0 : i32
    %c0_i32_1 = arith.constant 0 : i32
    return %c0_i32, %c0_i32_0 : i32, i32
  }
  func.func @transform_6(%arg0: i32) -> (i32, i32) {
    %c0_i32 = arith.constant 0 : i32
    %c0_i32_0 = arith.constant 0 : i32
    %c0_i32_1 = arith.constant 0 : i32
    return %c0_i32, %c0_i32_0 : i32, i32
  }
  func.func @transform_7(%arg0: i32) -> (i32, i32) {
    %c0_i32 = arith.constant 0 : i32
    %c0_i32_0 = arith.constant 0 : i32
    %c0_i32_1 = arith.constant 0 : i32
    return %c0_i32, %c0_i32_0 : i32, i32
  }
  func.func @transform_8(%arg0: i32) -> (i32, i32) {
    %c0_i32 = arith.constant 0 : i32
    %c0_i32_0 = arith.constant 0 : i32
    %c0_i32_1 = arith.constant 0 : i32
    return %c0_i32, %c0_i32_0 : i32, i32
  }
  func.func @transform_9(%arg0: i32) -> (i32, i32) {
    %c0_i32 = arith.constant 0 : i32
    %c0_i32_0 = arith.constant 0 : i32
    %c0_i32_1 = arith.constant 0 : i32
    return %c0_i32, %c0_i32_0 : i32, i32
  }
  func.func @transform_10(%arg0: i32) -> (i32, i32) {
    %c0_i32 = arith.constant 0 : i32
    %c0_i32_0 = arith.constant 0 : i32
    %c0_i32_1 = arith.constant 0 : i32
    return %c0_i32, %c0_i32_0 : i32, i32
  }
  func.func @transform_11(%arg0: i32) -> (i32, i32) {
    %c0_i32 = arith.constant 0 : i32
    %c0_i32_0 = arith.constant 0 : i32
    %c0_i32_1 = arith.constant 0 : i32
    return %c0_i32, %c0_i32_0 : i32, i32
  }
  func.func @transform_12(%arg0: i32) -> (i32, i32) {
    %c0_i32 = arith.constant 0 : i32
    %c0_i32_0 = arith.constant 0 : i32
    %c0_i32_1 = arith.constant 0 : i32
    return %c0_i32, %c0_i32_0 : i32, i32
  }
  func.func @transform_13(%arg0: i32) -> (i32, i32) {
    %c0_i32 = arith.constant 0 : i32
    %c0_i32_0 = arith.constant 0 : i32
    return %arg0, %c0_i32 : i32, i32
  }
}

</mosaic_0001>

<sc_bundles>
// kernel: kernel.4.cloned.1.call-start
scs
__scs_entry_jumppad:
0x0: {  	(pc) =	sbr.rel $0x88, $3  }
0x1: {  	(tag) =	ssettag $0x0;
	lr =	simm.s32 $0x1  }
0x2: {  	[smem:$0x3F91] =	sst lr;
	_ =	strace $0xD0000000  }
0x3: {  	_ = 	snop  }
0x4: {  	_ = 	snop  }
0x5: {  	_ = 	snop  }
0x6: {  	_ = 	snop  }
0x7: {  	_ = 	snop  }
__scs_overlays_trampoline_lowered:
0x8: {  	[smem:$0x3FA0] =	sst s0  }
0x9: {  	[smem:$0x3FA1] =	sst s1  }
0xa: {  	[smem:$0x3FA2] =	sst s2  }
0xb: {  	[smem:$0x3FA3] =	sst s3  }
0xc: {  	[smem:$0x3FA4] =	sst s4  }
0xd: {  	[smem:$0x3FA5] =	sst s5  }
0xe: {  	[smem:$0x3FA6] =	sst s6  }
0xf: {  	[smem:$0x3FA7] =	sst s7  }
0x10: {  	[smem:$0x3FA8] =	sst s8  }
0x11: {  	[smem:$0x3FA9] =	sst s9;
	s0 =	simm.s32 @!p0 $0x0  }
0x12: {  	s1 =	sld [smem:$0x3F8F];
	s0 =	simm.s32 @p0 $0x1  }
0x13: {  	[smem:$0x3FAA] =	sst s0;
	s0 =	simm.s32 @!p1 $0x0  }
0x14: {  	s2 =	sld [smem:$0x3F8E];
	s0 =	simm.s32 @p1 $0x1  }
0x15: {  	[smem:$0x3FAB] =	sst s0;
	s0 =	simm.s32 @!p2 $0x0  }
0x16: {  	s3 =	sld [smem:$0x3FDB];
	s0 =	simm.s32 @p2 $0x1  }
0x17: {  	s4 =	simm.s32 $0x1BF5;
	[smem:$0x3FAD] =	sst s0  }
0x18: {  	s0 =	sld [smem:$0x3F90];
	_ =	swait.ge [sflag:s4], $0x0  }
0x19: {  	s7 =	sld [smem:$0x3F91]  }
0x1a: {  	s8 =	sadd.s32 $0xFFFFE003, lr  }
0x1b: {  	s9 =	sadd.s32 $0xFFFFFEF7, lr;
	s5 =	simm.s32 $0xFFFFFFFF;
	p2 =	slt.u32 s8, $0xFFFFF086  }
0x1c: {  	p1 =	slt.u32 s9, $0xF7A;
	s5 =	simm.s32 @!p2 $0x0  }
0x1d: {  	s5 =	simm.s32 @p1 $0x1;
	p0 =	seq.s32 s7, s2  }
0x1e: {  	s7 =	smul.u32 @!p0 $0xF7A, s2;
	p2 =	seq.s32 @!p0 s5, $0x0  }
0x1f: {  	s9 =	smul.u32 $0xF7A, s1;
	s8 =	simm.s32 @!p0 $0x1BF5;
	p2 =	por !p2, p0  }
0x20: {  	[sflag:s8] =	ssyncset.s32 @!p0 $0xFFFFF086;
	s6 =	sadd.s32 @!p0 s3, s7;
	s7 =	simm.s32 @!p0 $0x108  }
0x21: {  	s3 =	sadd.s32 s3, s9;
	s6 =	sadd.s32 @!p0 $0x88, s6;
	s7 =	simm.s32 @p2 $0x1082  }
0x22: {  	[simem:s7], [sflag:s8] =	dma.local @!p0 [hbm:s6], $0xF7A  }
0x23: {  	s9 =	sor.u32 $0xD0000000, s2;
	s6 =	simm.s32 $0x108;
	_ =	swait.ge @!p0 [sflag:s8], $0x0  }
0x24: {  	s3 =	sadd.s32 $0x88, s3;
	s6 =	simm.s32 @!p1 $0x1082;
	[sflag:s4] =	ssyncset.s32 $0xFFFFF086  }
0x25: {  	[simem:s6], [sflag:s4] =	dma.local [hbm:s3], $0xF7A  }
0x26: {  	[smem:$0x3F91] =	sst s1;
	(tag) =	ssettag s2;
	_ =	strace s9  }
0x27: {  	s1 =	sld [smem:$0x3FA1]  }
0x28: {  	s2 =	sld [smem:$0x3FA2]  }
0x29: {  	s4 =	sld [smem:$0x3FA4]  }
0x2a: {  	p0 =	seq.s32 s5, $0x0;
	s5 =	sld [smem:$0x3FA5]  }
0x2b: {  	s6 =	sld [smem:$0x3FA6]  }
0x2c: {  	s7 =	sld [smem:$0x3FA7]  }
0x2d: {  	s3 =	simm.s32 $0x108;
	s8 =	sld [smem:$0x3FA8]  }
0x2e: {  	s3 =	simm.s32 @!p0 $0x1082;
	s9 =	sld [smem:$0x3FA9]  }
0x2f: {  	lr =	sadd.s32 s0, s3;
	s0 =	sld [smem:$0x3FA0]  }
0x30: {  	s3 =	sld [smem:$0x3FA3]  }
0x31: {  	[smem:$0x3FAC] =	sst s10  }
0x32: {  	s10 =	sld [smem:$0x3FAA];
	_ =	sdelay $0x3  }
0x33: {  	p0 =	seq.s32 s10, $0x1;
	s10 =	sld [smem:$0x3FAC];
	_ =	sdelay $0x3  }
0x34: {  	[smem:$0x3FAC] =	sst s10  }
0x35: {  	s10 =	sld [smem:$0x3FAB];
	_ =	sdelay $0x3  }
0x36: {  	p1 =	seq.s32 s10, $0x1;
	s10 =	sld [smem:$0x3FAC];
	_ =	sdelay $0x3  }
0x37: {  	[smem:$0x3FAC] =	sst s10  }
0x38: {  	s10 =	sld [smem:$0x3FAD]  }
0x39: {  	_ = 	snop;
	(pc) =	sbr.ind lr, $3  }
0x3a: {  	_ = 	snop  }
0x3b: {  	_ = 	snop  }
0x3c: {  	p2 =	seq.s32 s10, $0x1;
	s10 =	sld [smem:$0x3FAC]  }
0x3d: {  	_ =	shalt  }
0x3e: {  	_ =	shalt  }
0x3f: {  	_ =	shalt  }
0x40: {  	_ =	shalt  }
0x41: {  	_ =	shalt  }
0x42: {  	_ =	shalt  }
0x43: {  	_ =	shalt  }
0x44: {  	_ =	shalt  }
0x45: {  	_ =	shalt  }
0x46: {  	_ =	shalt  }
0x47: {  	_ =	shalt  }
0x48: {  	_ =	shalt  }
0x49: {  	_ =	shalt  }
0x4a: {  	_ =	shalt  }
0x4b: {  	_ =	shalt  }
0x4c: {  	_ =	shalt  }
0x4d: {  	_ =	shalt  }
0x4e: {  	_ =	shalt  }
0x4f: {  	_ =	shalt  }
0x50: {  	_ =	shalt  }
0x51: {  	_ =	shalt  }
0x52: {  	_ =	shalt  }
0x53: {  	_ =	shalt  }
0x54: {  	_ =	shalt  }
0x55: {  	_ =	shalt  }
0x56: {  	_ =	shalt  }
0x57: {  	_ =	shalt  }
0x58: {  	_ =	shalt  }
0x59: {  	_ =	shalt  }
0x5a: {  	_ =	shalt  }
0x5b: {  	_ =	shalt  }
0x5c: {  	_ =	shalt  }
0x5d: {  	_ =	shalt  }
0x5e: {  	_ =	shalt  }
0x5f: {  	_ =	shalt  }
0x60: {  	_ =	shalt  }
0x61: {  	_ =	shalt  }
0x62: {  	_ =	shalt  }
0x63: {  	_ =	shalt  }
0x64: {  	_ =	shalt  }
0x65: {  	_ =	shalt  }
0x66: {  	_ =	shalt  }
0x67: {  	_ =	shalt  }
0x68: {  	_ =	shalt  }
0x69: {  	_ =	shalt  }
0x6a: {  	_ =	shalt  }
0x6b: {  	_ =	shalt  }
0x6c: {  	_ =	shalt  }
0x6d: {  	_ =	shalt  }
0x6e: {  	_ =	shalt  }
0x6f: {  	_ =	shalt  }
0x70: {  	_ =	shalt  }
0x71: {  	_ =	shalt  }
0x72: {  	_ =	shalt  }
0x73: {  	_ =	shalt  }
0x74: {  	_ =	shalt  }
0x75: {  	_ =	shalt  }
0x76: {  	_ =	shalt  }
0x77: {  	_ =	shalt  }
0x78: {  	_ =	shalt  }
0x79: {  	_ =	shalt  }
0x7a: {  	_ =	shalt  }
0x7b: {  	_ =	shalt  }
0x7c: {  	_ =	shalt  }
0x7d: {  	_ =	shalt  }
0x7e: {  	_ =	shalt  }
0x7f: {  	_ =	shalt  }
0x80: {  	_ =	shalt  }
0x81: {  	_ =	shalt  }
0x82: {  	_ =	shalt  }
0x83: {  	_ =	shalt  }
0x84: {  	_ =	shalt  }
0x85: {  	_ =	shalt  }
0x86: {  	_ =	shalt  }
0x87: {  	_ =	shalt  }
.Lfunc_end0:
.L_simem_size_0:
called_computation_lowered:
.L_overlay_start_0:
0x88: {  	s2 =	sld [smem:$0x3FD9]  }
0x89: {  	s3 =	sld [smem:$0x3FFE];
	_ =	sdelay $0x1  }
0x8a: {  	s1 =	srdreg.scid  }
0x8b: {  	s0 =	sand.u32 $0x1, s1  }
0x8c: {  	s17 =	sshll.u32 s0, $0xA;
	s2 =	sadd.s32 s3, s2  }
0x8d: {  	s2 =	sadd.s32 s2, s17  }
0x8e: {  	[smem:$0x3FB8] =	sst s2  }
0x8f: {  	_ = 	snop  }
0x90: {  	s2 =	sld [smem:$0x3FD0];
	(tm) =	ssettm $0x1  }
0x91: {  	s18 =	sld [smem:$0x3FFB];
	_ =	sdelay $0x3  }
0x92: {  	_ =	strace s18  }
0x93: {  	s3 =	sld [smem:$0x3FFC];
	_ =	sdelay $0x3  }
0x94: {  	_ =	strace s3  }
0x95: {  	s3 =	sld [smem:$0x3FFD];
	_ =	sdelay $0x3  }
0x96: {  	_ =	strace s3  }
0x97: {  	_ =	strace $0x8FFFFFFF  }
0x98: {  	s19 =	sld [smem:$0x3FDB];
	_ =	sdelay $0x1  }
0x99: {  	s4 =	simm.s32 $_scs_section_size  }
0x9a: {  	s5 =	simm.s32 $_size__tile_overlayer_lowered;
	s6 =	simm.s32 $_tile_overlayer_lowered  }
0x9b: {  	s22 =	simm.s32 $0x1BFF;
	s21 =	sshll.u32 s6, $0x1;
	s3 =	sadd.s32 s4, s19  }
0x9c: {  	s7 =	simm.s32 $0x0;
	s20 =	sshll.u32 s5, $0x1;
	s5 =	sadd.s32 s21, s3  }
0x9d: {  	[timem:s7], [sflag:s22] =	dma.local [hbm:s5], s20  }
0x9e: {  	_ =	swait.ge [sflag:s22], s20  }
0x9f: {  	s4 =	ssub.s32 $0x0, s20;
	[sflag:s22] =	ssyncset.done $0x0  }
0xa0: {  	[sflag:s22] =	ssyncadd.s32 s4;
	_ =	sdelay $0x1  }
0xa1: {  	s23 =	simm.s32 $0x1B8B  }
0xa2: {  	_ =	swait.ge [sflag:s23], $0x1  }
0xa3: {  	[sflag:s23] =	ssyncset.done $0x0  }
0xa4: {  	s25 =	simm.s32 $0x1B8E;
	s24 =	sld [smem:$0x3FFE];
	[sflag:s23] =	ssyncadd.s32 $0xFFFFFFFF  }
0xa5: {  	s26 =	simm.s32 $execute0_lowered;
	[smem:$0x3FD2] =	sst s25  }
0xa6: {  	s5 =	sshll.u32 s26, $0x1;
	_ =	strace $0x80000046;
	[dreg:$0x1] =	wrdreg $0xFFFFFFFF  }
0xa7: {  	s28 =	simm.s32 $_size_execute0_lowered;
	s3 =	sadd.s32 s3, s5;
	[dreg:$0x0] =	wrdreg $0x0  }
0xa8: {  	s5 =	sshll.u32 s28, $0x1;
	[dreg:$0x2] =	wrdreg s3  }
0xa9: {  	[dreg:$0x3] =	wrdreg s5  }
0xaa: {  	[dreg:$0x4] =	wrdreg $0xC0  }
0xab: {  	_ =	task [dreg:s7], $0x5FFFF  }
0xac: {  	[dreg:$0x1] =	wrdreg $0xFFFFFFFF  }
0xad: {  	[dreg:$0x0] =	wrdreg $0x60  }
0xae: {  	[dreg:$0x2] =	wrdreg s2  }
0xaf: {  	[dreg:$0x3] =	wrdreg s24  }
0xb0: {  	[dreg:$0x4] =	wrdreg $0xAB000  }
0xb1: {  	[dreg:$0x5] =	wrdreg $0x9  }
0xb2: {  	_ =	task.clear_ibuf [dreg:s7], $0x6FFFF;
	_ =	strace $0x90000046  }
0xb3: {  	s29 =	simm.s32 $0x9;
	_ =	strace $0x80000048  }
0xb4: {  	_ =	swait.ge [sflag:s29], $0x1  }
0xb5: {  	[sflag:s29] =	ssyncadd.s32 $0xFFFFFFFF  }
0xb6: {  	_ =	strace $0x90000048  }
0xb7: {  	_ =	sfence  }
0xb8: {  	s30 =	sld [smem:$0x0];
	_ =	sdelay $0x2  }
0xb9: {  	s31 =	sshll.u32 s1, $0xD;
	s1 =	sshrl.u32 s1, $0x2  }
0xba: {  	s3 =	sand.u32 $0x4000, s31;
	s1 =	sadd.s32 s1, s30  }
0xbb: {  	s0 =	sor.u32 s3, s0;
	s1 =	sshll.u32 s1, $0x11  }
0xbc: {  	s0 =	sor.u32 s1, s0  }
0xbd: {  	s0 =	sadd.s32 $0x8F2B, s0  }
0xbe: {  	[sflag:s0] =	ssyncadd.remote.s32 $0x1  }
0xbf: {  	_ =	sfence.sel $0xFFFF  }
0xc0: {  	[dreg:$0x0] =	wrdreg $0xFFFFFFFF;
	(pc) =	sbr.abs _section_cstart, $3  }
0xc1: {  	[dreg:$0x1] =	wrdreg $0xFFFFFFFF  }
0xc2: {  	_ =	task.clear_ibuf [dreg:s7], $0x2FFFF;
	_ =	strace $0x9FFFFFFF  }
0xc3: {  	(tm) =	ssettm $0x7FFFFFFF  }
tec
execute0_lowered:
.L_overlay_start_1:
0x0: {  	(tag) =	ssettag $0x1  }
0x1: {  	s17 =	rddreg [dreg:$0x0]  }
0x2: {  	s0 =	srdreg.scid;
	s11 =	rddreg [dreg:$0x1]  }
0x3: {  	s8 =	stileid.u32;
	s4 =	rddreg [dreg:$0x2];
	s2 =	simm.s32 $0x0  }
0x4: {  	s28 =	simm.s32 $0x1;
	s29 =	simm.s32 $0x6B00;
	s30 =	simm.s32 $0x8B00  }
0x5: {  	s31 =	simm.s32 $0x2880;
	s10 =	sand.u32 $0x1, s0;
	[smem:$0x7FF] =	sst s2  }
0x6: {  	s7 =	sadd.s32 $0xB400, s11;
	s5 =	sadd.s32 $0x1A400, s11;
	s9 =	smul.u32 $0x50000, s8  }
0x7: {  	s1 =	sshll.u32 s10, $0x4;
	_ =	strace $0x80000047;
	[dreg:$0x5] =	wrdreg s5  }
0x8: {  	s3 =	ssub.s32 $0x2, s10;
	[dreg:$0x4] =	wrdreg s10;
	s19 =	sshrl.u32 s9, $0x2  }
0x9: {  	s1 =	sor.u32 s8, s1;
	s8 =	smul.u32 $0x14000, s8;
	s22 =	sadd.s32 s19, s4  }
0xa: {  	s21 =	smul.u32 $0x140000, s10;
	s13 =	sshrl.u32 s3, $0x1;
	[dreg:$0xb] =	wrdreg s22  }
0xb: {  	s6 =	smul.u32 $0x1400, s1;
	s14 =	ssub.s32 s3, s13;
	[dreg:$0x7] =	wrdreg s8  }
0xc: {  	s23 =	sadd.s32 s8, s21;
	s0 =	smax.u32 s14, $0x1;
	s21 =	simm.s32 $0x5  }
0xd: {  	s22 =	simm.s32 $0x2;
	s1 =	sshrl.u32 s6, $0x3;
	s15 =	sadd.s32 $0x28000, s6  }
0xe: {  	s16 =	sadd.s32 $0x50000, s6;
	[dreg:$0xf] =	wrdreg s0;
	s12 =	sadd.s32 s1, s11  }
0xf: {  	s11 =	sadd.s32 $0x1CC00, s11;
	s20 =	sadd.s32 s7, s1;
	s24 =	sshrl.u32 s15, $0x3  }
0x10: {  	s25 =	sshrl.u32 s16, $0x3;
	s1 =	sshrl.u32 s23, $0x3;
	[dreg:$0x6] =	wrdreg s11  }
0x11: {  	s23 =	simm.s32 $0x40;
	s18 =	sadd.s32 $0x1400, s12;
	[dreg:$0xa] =	wrdreg s20  }
0x12: {  	s2 =	sadd.s32 $0x6400, s12;
	s26 =	sadd.s32 s7, s25;
	[dreg:$0x8] =	wrdreg s18  }
0x13: {  	s1 =	sadd.s32 s11, s1;
	s11 =	simm.s32 $0x2800;
	[dreg:$0x9] =	wrdreg s2  }
0x14: {  	s25 =	simm.s32 $0x3;
	s2 =	sadd.s32 s7, s24;
	[dreg:$0xd] =	wrdreg s26  }
0x15: {  	v0 =	vimm.f32 $0.0e+00;
	s1 =	sadd.s32 $0x1E0000, s1;
	s24 =	simm.s32 $0x2B00;
	[dreg:$0xc] =	wrdreg s2  }
0x16: {  	vm0 =	vmmov $0x1;
	vm1 =	vcmask $0x30C;
	vm2 =	vcmask $0x70C;
	[dreg:$0xe] =	wrdreg s1;
	s2 =	simm.s32 $0x80;
	s1 =	simm.s32 $0x0  }
.LBB2_1:
0x17: {  	[dreg:$0x10] =	wrdreg s1  }
0x18: {  	s0 =	simm.s32 $0x0;
	s18 =	rddreg [dreg:$0x8]  }
0x19: {  	[tilespmem:s0], [sflag:$0x5] =	stream.linear.gather [hbm4b:s18+s0], $0x1400, $0x38;
	[tilespmem:$0x1EB00] =	vst v63  }
0x1a: {  	_ =	swait.ge [sflag:s21], $0x1400  }
0x1b: {  	[sflag:s21] =	ssyncset.done $0x0  }
0x1c: {  	s3 =	simm.s32 $0x1400;
	s19 =	rddreg [dreg:$0x9];
	[sflag:s21] =	ssyncadd.s32 $0xFFFFEC00  }
0x1d: {  	[tilespmem:s3], [sflag:$0x5] =	stream.linear.gather [hbm4b:s19+s0], $0x1400, $0x38;
	[tilespmem:$0x1EB00] =	vst v63  }
0x1e: {  	_ =	swait.ge [sflag:s21], $0x1400  }
0x1f: {  	[sflag:s21] =	ssyncset.done $0x0  }
0x20: {  	[sflag:s21] =	ssyncadd.s32 $0xFFFFEC00  }
0x21: {  	[tilespmem:s24], [sflag:$0x1] =	stream.indirect.gather [hbm4b:s17+s23], $0x80, s0, s23, $0xb8;
	[tilespmem:$0x1EB00] =	vst v63  }
0x22: {  	s26 =	simm.s32 $0x4B00  }
0x23: {  	[tilespmem:s26], [sflag:$0x1] =	stream.indirect.gather [hbm4b:s17+s23], $0x80, s23, s23, $0xb8;
	[tilespmem:$0x1EB00] =	vst v63  }
0x24: {  	_ = 	snop  }
0x25: {  	[tilespmem:s11], [sflag:$0x1] =	stream.linear.gather [hbm4b:s20+s0], $0x80, $0x38;
	[tilespmem:$0x1EB00] =	vst v63  }
0x26: {  	s20 =	simm.s32 $0x0  }
.LBB2_2:
0x27: {  	s0 =	stileid.u32;
	s14 =	smulhi.u32 $0xAAAAAAAB, s20  }
0x28: {  	[bflag:$0x0] =	sbarrier.arrive $0xFFFF;
	s0 =	sshll.u32 s0, $0x6  }
0x29: {  	s13 =	rddreg [dreg:$0xb];
	s18 =	sor.u32 $0x1C05, s0;
	s0 =	sshrl.u32 s14, $0x1  }
0x2a: {  	s1 =	rddreg [dreg:$0x5];
	s19 =	sshrl.u32 s13, $0x3;
	s26 =	smul.u32 $0xFFFFFFFD, s0  }
0x2b: {  	[spmem:s19], [sflag:s18] =	dma.local [hbm:s1], $0x2800  }
0x2c: {  	s0 =	smul.u32 $0x27100, s0;
	_ =	swait.ge [sflag:s21], $0x2800;
	s1 =	sadd.s32 s20, s26  }
0x2d: {  	s11 =	smov.u32 s17;
	[sflag:s21] =	ssyncset.done $0x0;
	s1 =	smul.u32 $0x28000, s1  }
0x2e: {  	s5 =	sadd.s32 s17, s0;
	s17 =	simm.s32 $0x0;
	[sflag:s21] =	ssyncadd.s32 $0xFFFFD800  }
0x2f: {  	s0 =	simm.s32 $0x0;
	[bflag:$0x0] =	sbarrier.arrive $0xFFFF;
	s13 =	sadd.s32 s6, s1  }
.LBB2_3:
0x30: {  	_ =	swait.ge [sflag:s28], $0x2000  }
0x31: {  	[sflag:s28] =	ssyncset.done $0x0  }
0x32: {  	[sflag:s28] =	ssyncadd.s32 $0xFFFFE000  }
0x33: {  	_ =	swait.ge [sflag:s28], $0x2000  }
0x34: {  	[sflag:s28] =	ssyncset.done $0x0  }
0x35: {  	[sflag:s28] =	ssyncadd.s32 $0xFFFFE000  }
0x36: {  	_ =	swait.ge [sflag:s28], $0x80  }
0x37: {  	p0 =	seq.s32 s0, $0x0;
	[sflag:s28] =	ssyncset.done $0x0  }
0x38: {  	s1 =	simm.s32 @!p0 $0x4;
	[sflag:s28] =	ssyncadd.s32 $0xFFFFFF80  }
0x39: {  	s26 =	sshll.u32 s0, $0x8;
	_ =	swait.ge @!p0 [sflag:s1], $0x4000  }
0x3a: {  	s12 =	sor.u32 $0x80, s26;
	s14 =	sand.u32 $0x1C00, s26;
	[sflag:s1] =	ssyncset.done @!p0 $0x0  }
0x3b: {  	s3 =	sand.u32 $0x380, s12;
	[sflag:s1] =	ssyncadd.s32 @!p0 $0xFFFFC000;
	s1 =	sadd.s32 s13, s14  }
0x3c: {  	[tilespmem:s29], [sflag:$0x2] =	stream.indirect.gather [hbm4b:s5+s23], $0x80, s12, s23, $0xb8;
	[tilespmem:$0x1EB00] =	vst v63  }
0x3d: {  	s1 =	sor.u32 s3, s1  }
0x3e: {  	s10 =	sadd.s32 $0xC0, s26;
	s1 =	sshrl.u32 s1, $0x3  }
0x3f: {  	[tilespmem:s30], [sflag:$0x2] =	stream.indirect.gather [hbm4b:s5+s23], $0x80, s10, s23, $0xb8;
	[tilespmem:$0x1EB00] =	vst v63  }
0x40: {  	s1 =	sadd.s32 s7, s1  }
0x41: {  	[tilespmem:s31], [sflag:$0x2] =	stream.linear.gather [hbm4b:s1+s17], $0x80, $0x38;
	[tilespmem:$0x1EB00] =	vst v63  }
0x42: {  	s9 =	simm.s32 $0x0;
	s1 =	simm.s32 $0x2C00  }
.LBB2_4:
0x43: {  	s3 =	sshll.u32 s9, $0x4  }
0x44: {  	v1 =	vld [tilespmem:s3+$0x2800];
	_ =	sdelay $0x1  }
0x45: {  	v2 =	vld [tilespmem:s1+$0xFFFFFF00]  }
0x46: {  	s14 =	simm.s32 $0x0;
	v3 =	vld [tilespmem:s1+$0xFFFFFF10]  }
0x47: {  	v5 =	vld [tilespmem:s1+$0xFFFFFF20];
	v4 =	vmov s14  }
0x48: {  	v6 =	vld [tilespmem:s1+$0xFFFFFF30];
	v4 =	vperm.xlane v1, v4  }
0x49: {  	v7 =	vld [tilespmem:s1+$0xFFFFFF40]  }
0x4a: {  	v8 =	vld [tilespmem:s1+$0xFFFFFF50];
	v2 =	vmul.f32 v2, v4  }
0x4b: {  	v9 =	vld [tilespmem:s1+$0xFFFFFF60];
	v3 =	vmul.f32 v3, v4  }
0x4c: {  	[tilespmem:s1+$0xFFFFFF00] =	vst v2;
	v2 =	vmul.f32 v5, v4;
	v5 =	vld [tilespmem:s1+$0xFFFFFF70]  }
0x4d: {  	[tilespmem:s1+$0xFFFFFF10] =	vst v3;
	v3 =	vmul.f32 v6, v4;
	v6 =	vld [tilespmem:s1+$0xFFFFFF80]  }
0x4e: {  	s8 =	simm.s32 $0x1;
	[tilespmem:s1+$0xFFFFFF20] =	vst v2;
	v2 =	vmul.f32 v7, v4;
	v7 =	vld [tilespmem:s1+$0xFFFFFF90]  }
0x4f: {  	v10 =	vld [tilespmem:s1+$0xFFFFFFA0];
	[tilespmem:s1+$0xFFFFFF30] =	vst v3;
	v3 =	vmul.f32 v8, v4;
	v8 =	vmov s8  }
0x50: {  	v9 =	vmul.f32 v9, v4;
	[tilespmem:s1+$0xFFFFFF40] =	vst v2;
	v2 =	vperm.xlane v1, v8;
	v8 =	vld [tilespmem:s1+$0xFFFFFFB0]  }
0x51: {  	[tilespmem:s1+$0xFFFFFF50] =	vst v3;
	v3 =	vmul.f32 v5, v4;
	v4 =	vld [tilespmem:s1+$0xFFFFFFC0]  }
0x52: {  	[tilespmem:s1+$0xFFFFFF60] =	vst v9;
	v5 =	vmul.f32 v6, v2;
	v6 =	vld [tilespmem:s1+$0xFFFFFFD0]  }
0x53: {  	[tilespmem:s1+$0xFFFFFF70] =	vst v3;
	v3 =	vmul.f32 v7, v2;
	v7 =	vld [tilespmem:s1+$0xFFFFFFE0]  }
0x54: {  	v9 =	vld [tilespmem:s1+$0x0];
	[tilespmem:s1+$0xFFFFFF80] =	vst v5;
	v5 =	vmul.f32 v10, v2  }
0x55: {  	s10 =	simm.s32 $0x2;
	[tilespmem:s1+$0xFFFFFF90] =	vst v3;
	v3 =	vmul.f32 v8, v2;
	v8 =	vld [tilespmem:s1+$0x10]  }
0x56: {  	v10 =	vld [tilespmem:s1+$0x20];
	[tilespmem:s1+$0xFFFFFFA0] =	vst v5;
	v4 =	vmul.f32 v4, v2;
	v5 =	vmov s10  }
0x57: {  	[tilespmem:s1+$0xFFFFFFB0] =	vst v3;
	v3 =	vmul.f32 v6, v2;
	v5 =	vperm.xlane v1, v5;
	v6 =	vld [tilespmem:s1+$0x30]  }
0x58: {  	[tilespmem:s1+$0xFFFFFFC0] =	vst v4;
	v4 =	vmul.f32 v7, v2;
	v7 =	vld [tilespmem:s1+$0x40]  }
0x59: {  	[tilespmem:s1+$0xFFFFFFD0] =	vst v3;
	v3 =	vmul.f32 v9, v5;
	v9 =	vld [tilespmem:s1+$0x50]  }
0x5a: {  	[tilespmem:s1+$0xFFFFFFE0] =	vst v4;
	v4 =	vmul.f32 v8, v5;
	v8 =	vld [tilespmem:s1+$0x60]  }
0x5b: {  	[tilespmem:s1+$0x0] =	vst v3;
	v3 =	vmul.f32 v10, v5;
	v10 =	vld [tilespmem:s1+$0x70]  }
0x5c: {  	[tilespmem:s1+$0x10] =	vst v4;
	v4 =	vmul.f32 v6, v5;
	v6 =	vld [tilespmem:s1+$0x80]  }
0x5d: {  	v11 =	vld [tilespmem:s1+$0x90];
	s14 =	simm.s32 $0x3;
	[tilespmem:s1+$0x20] =	vst v3;
	v3 =	vmul.f32 v7, v5  }
0x5e: {  	[tilespmem:s1+$0x30] =	vst v4;
	v7 =	vmul.f32 v9, v5;
	v4 =	vmov s14;
	v9 =	vld [tilespmem:s1+$0xA0]  }
0x5f: {  	[tilespmem:s1+$0x40] =	vst v3;
	v8 =	vmul.f32 v8, v5;
	v3 =	vperm.xlane v1, v4;
	v4 =	vld [tilespmem:s1+$0xB0]  }
0x60: {  	[tilespmem:s1+$0x50] =	vst v7;
	v10 =	vmul.f32 v10, v5;
	v5 =	vld [tilespmem:s1+$0xC0]  }
0x61: {  	v7 =	vld [tilespmem:s1+$0xD0];
	[tilespmem:s1+$0x60] =	vst v8;
	v8 =	vmul.f32 v6, v3  }
0x62: {  	v6 =	vld [tilespmem:s1+$0xE0];
	[tilespmem:s1+$0x70] =	vst v10;
	v10 =	vmul.f32 v11, v3  }
0x63: {  	s3 =	smov.u32 s1;
	s10 =	smov.u32 s1;
	s14 =	simm.s32 $0x4;
	[tilespmem:s1+$0x80] =	vst v8;
	v9 =	vmul.f32 v9, v3;
	v8 =	vld [tilespmem:s1+$0xF0]  }
.LBB2_5:
0x64: {  	p0 =	slt.u32 s14, $0xC;
	v11 =	vld [tilespmem:s3+$0xFFFFFFF0];
	[tilespmem:s3+$0x90] =	vst v10;
	v4 =	vmul.f32 v4, v3;
	s10 =	sadd.s32 $0x200, s10  }
0x65: {  	v10 =	vld [tilespmem:s10+$0xFFFFFF00];
	[tilespmem:s3+$0xA0] =	vst v9;
	v5 =	vmul.f32 v5, v3  }
0x66: {  	v9 =	vld [tilespmem:s10+$0xFFFFFF10];
	[tilespmem:s3+$0xB0] =	vst v4;
	v4 =	vmul.f32 v7, v3  }
0x67: {  	v7 =	vmov s14;
	v12 =	vld [tilespmem:s10+$0xFFFFFF20];
	[tilespmem:s3+$0xC0] =	vst v5;
	v5 =	vmul.f32 v6, v3  }
0x68: {  	v6 =	vperm.xlane v1, v7;
	v7 =	vld [tilespmem:s10+$0xFFFFFF30];
	[tilespmem:s3+$0xD0] =	vst v4;
	v3 =	vmul.f32 v8, v3  }
0x69: {  	v4 =	vld [tilespmem:s10+$0xFFFFFF40];
	v2 =	vmul.f32 v11, v2;
	[tilespmem:s3+$0xE0] =	vst v5  }
0x6a: {  	v5 =	vmul.f32 v10, v6;
	v8 =	vld [tilespmem:s10+$0xFFFFFF50];
	[tilespmem:s3+$0xF0] =	vst v3  }
0x6b: {  	v3 =	vmul.f32 v9, v6;
	v9 =	vld [tilespmem:s10+$0xFFFFFF60];
	[tilespmem:s3+$0xFFFFFFF0] =	vst v2;
	s3 =	smov.u32 s10  }
0x6c: {  	[tilespmem:s10+$0xFFFFFF00] =	vst v5;
	v2 =	vmul.f32 v12, v6;
	v5 =	vld [tilespmem:s10+$0xFFFFFF70]  }
0x6d: {  	[tilespmem:s10+$0xFFFFFF10] =	vst v3;
	v3 =	vmul.f32 v7, v6;
	v7 =	vld [tilespmem:s10+$0xFFFFFF80]  }
0x6e: {  	s8 =	sadd.s32 $0x1, s14;
	[tilespmem:s10+$0xFFFFFF20] =	vst v2;
	v2 =	vmul.f32 v4, v6;
	v4 =	vld [tilespmem:s10+$0xFFFFFF90]  }
0x6f: {  	[tilespmem:s10+$0xFFFFFF30] =	vst v3;
	v3 =	vmul.f32 v8, v6;
	v8 =	vmov s8;
	v10 =	vld [tilespmem:s10+$0xFFFFFFA0]  }
0x70: {  	[tilespmem:s10+$0xFFFFFF40] =	vst v2;
	v9 =	vmul.f32 v9, v6;
	v2 =	vperm.xlane v1, v8;
	v8 =	vld [tilespmem:s10+$0xFFFFFFB0]  }
0x71: {  	[tilespmem:s10+$0xFFFFFF50] =	vst v3;
	v3 =	vmul.f32 v5, v6;
	v5 =	vld [tilespmem:s10+$0xFFFFFFC0]  }
0x72: {  	[tilespmem:s10+$0xFFFFFF60] =	vst v9;
	v6 =	vmul.f32 v7, v2;
	v7 =	vld [tilespmem:s10+$0xFFFFFFD0]  }
0x73: {  	[tilespmem:s10+$0xFFFFFF70] =	vst v3;
	v3 =	vmul.f32 v4, v2;
	v4 =	vld [tilespmem:s10+$0xFFFFFFE0]  }
0x74: {  	[tilespmem:s10+$0xFFFFFF80] =	vst v6;
	v6 =	vmul.f32 v10, v2;
	v9 =	vld [tilespmem:s10+$0x0]  }
0x75: {  	s8 =	sadd.s32 $0x2, s14;
	[tilespmem:s10+$0xFFFFFF90] =	vst v3;
	v3 =	vmul.f32 v8, v2;
	v8 =	vld [tilespmem:s10+$0x10]  }
0x76: {  	[tilespmem:s10+$0xFFFFFFA0] =	vst v6;
	v5 =	vmul.f32 v5, v2;
	v6 =	vmov s8;
	v10 =	vld [tilespmem:s10+$0x20]  }
0x77: {  	[tilespmem:s10+$0xFFFFFFB0] =	vst v3;
	v3 =	vmul.f32 v7, v2;
	v6 =	vperm.xlane v1, v6;
	v7 =	vld [tilespmem:s10+$0x30]  }
0x78: {  	[tilespmem:s10+$0xFFFFFFC0] =	vst v5;
	v4 =	vmul.f32 v4, v2;
	v5 =	vld [tilespmem:s10+$0x40]  }
0x79: {  	[tilespmem:s10+$0xFFFFFFD0] =	vst v3;
	v3 =	vmul.f32 v9, v6;
	v9 =	vld [tilespmem:s10+$0x50]  }
0x7a: {  	[tilespmem:s10+$0xFFFFFFE0] =	vst v4;
	v4 =	vmul.f32 v8, v6;
	v8 =	vld [tilespmem:s10+$0x60]  }
0x7b: {  	[tilespmem:s10+$0x0] =	vst v3;
	v3 =	vmul.f32 v10, v6;
	v10 =	vld [tilespmem:s10+$0x70]  }
0x7c: {  	[tilespmem:s10+$0x10] =	vst v4;
	v4 =	vmul.f32 v7, v6;
	v7 =	vld [tilespmem:s10+$0x80]  }
0x7d: {  	s8 =	sadd.s32 $0x3, s14;
	[tilespmem:s10+$0x20] =	vst v3;
	v3 =	vmul.f32 v5, v6;
	v11 =	vld [tilespmem:s10+$0x90]  }
0x7e: {  	[tilespmem:s10+$0x30] =	vst v4;
	v5 =	vmul.f32 v9, v6;
	v4 =	vmov s8;
	v9 =	vld [tilespmem:s10+$0xA0]  }
.Ltmp0:
0x7f: {  	[tilespmem:s10+$0x40] =	vst v3;
	v8 =	vmul.f32 v8, v6;
	v3 =	vperm.xlane v1, v4;
	v4 =	vld [tilespmem:s10+$0xB0];
	(pc) =	sbr.rel @p0 .LBB2_5-.Ltmp0, $4  }
0x80: {  	[tilespmem:s10+$0x50] =	vst v5;
	v6 =	vmul.f32 v10, v6;
	v5 =	vld [tilespmem:s10+$0xC0]  }
0x81: {  	[tilespmem:s10+$0x60] =	vst v8;
	v8 =	vmul.f32 v7, v3;
	v7 =	vld [tilespmem:s10+$0xD0]  }
0x82: {  	[tilespmem:s10+$0x70] =	vst v6;
	v10 =	vmul.f32 v11, v3;
	v6 =	vld [tilespmem:s10+$0xE0]  }
0x83: {  	s14 =	sadd.s32 $0x4, s14;
	[tilespmem:s10+$0x80] =	vst v8;
	v9 =	vmul.f32 v9, v3;
	v8 =	vld [tilespmem:s10+$0xF0]  }
0x84: {  	v1 =	vld [tilespmem:s3+$0xFFFFFFF0];
	[tilespmem:s3+$0x90] =	vst v10;
	v4 =	vmul.f32 v4, v3  }
0x85: {  	s9 =	sadd.s32 $0x1, s9;
	[tilespmem:s3+$0xA0] =	vst v9;
	v5 =	vmul.f32 v5, v3  }
0x86: {  	p0 =	sne.s32 s9, $0x8;
	[tilespmem:s3+$0xB0] =	vst v4;
	v62 =	vmul.f32 v7, v3  }
.Ltmp1:
0x87: {  	[tilespmem:s3+$0xC0] =	vst v5;
	v63 =	vmul.f32 v6, v3;
	(pc) =	sbr.rel @p0 .LBB2_4-.Ltmp1, $4  }
0x88: {  	[tilespmem:s3+$0xD0] =	vst v62;
	v3 =	vmul.f32 v8, v3  }
0x89: {  	v1 =	vmul.f32 v1, v2;
	[tilespmem:s3+$0xE0] =	vst v63  }
0x8a: {  	[tilespmem:s3+$0xF0] =	vst v3  }
0x8b: {  	s1 =	sadd.s32 $0x800, s1;
	[tilespmem:s3+$0xFFFFFFF0] =	vst v1  }
0x8c: {  	s1 =	sand.u32 $0x3FFFFF00, s26  }
0x8d: {  	s1 =	sadd.s32 $0x1400, s1  }
0x8e: {  	[spmem:s4] =	stream.indirect.scatter.add.f32 [tilespmem:s24], [sflag:$0x3], $0x80, s1, s2, $0xb8;
	[tilespmem:$0x1EB00] =	vst v63  }
0x8f: {  	_ =	swait.ge [sflag:s22], $0x2000  }
0x90: {  	[sflag:s22] =	ssyncset.done $0x0  }
0x91: {  	[sflag:s22] =	ssyncadd.s32 $0xFFFFE000  }
0x92: {  	_ =	swait.ge [sflag:s22], $0x2000  }
0x93: {  	[sflag:s22] =	ssyncset.done $0x0  }
0x94: {  	[sflag:s22] =	ssyncadd.s32 $0xFFFFE000  }
0x95: {  	_ =	swait.ge [sflag:s22], $0x80  }
0x96: {  	[sflag:s22] =	ssyncset.done $0x0  }
0x97: {  	[sflag:s22] =	ssyncadd.s32 $0xFFFFFF80  }
0x98: {  	p0 =	seq.s32 s0, $0x13;
	_ =	swait.ge [sflag:s25], $0x4000  }
0x99: {  	s3 =	simm.s32 @!p0 $0x40;
	[sflag:s25] =	ssyncset.done $0x0  }
0x9a: {  	s8 =	simm.s32 @!p0 $0x2B00;
	s1 =	sadd.s32 @!p0 $0x100, s26;
	[sflag:s25] =	ssyncadd.s32 $0xFFFFC000  }
0x9b: {  	[tilespmem:s8], [sflag:$0x1] =	stream.indirect.gather @!p0 [hbm4b:s5+s3], $0x80, s1, s3, $0xb8;
	[tilespmem:$0x1EB00] =	vst v63  }
0x9c: {  	s9 =	simm.s32 @!p0 $0x4B00;
	s8 =	sadd.s32 @!p0 $0x140, s26  }
0x9d: {  	[tilespmem:s9], [sflag:$0x1] =	stream.indirect.gather @!p0 [hbm4b:s5+s3], $0x80, s8, s3, $0xb8;
	[tilespmem:$0x1EB00] =	vst v63  }
0x9e: {  	s3 =	sand.u32 @!p0 $0x3C00, s1  }
0x9f: {  	s1 =	sand.u32 @!p0 $0x300, s1;
	s3 =	sadd.s32 @!p0 s13, s3  }
0xa0: {  	s1 =	sor.u32 @!p0 s1, s3  }
0xa1: {  	s1 =	sshrl.u32 @!p0 s1, $0x3  }
0xa2: {  	s8 =	simm.s32 @!p0 $0x2800;
	s3 =	simm.s32 @!p0 $0x0;
	s1 =	sadd.s32 @!p0 s7, s1  }
0xa3: {  	[tilespmem:s8], [sflag:$0x1] =	stream.linear.gather @!p0 [hbm4b:s1+s3], $0x80, $0x38;
	[tilespmem:$0x1EB00] =	vst v63  }
0xa4: {  	s26 =	simm.s32 $0x0;
	s9 =	simm.s32 $0x0;
	s3 =	simm.s32 $0x6CF0  }
.LBB2_8:
0xa5: {  	s1 =	sshll.u32 s9, $0x4  }
0xa6: {  	v1 =	vld [tilespmem:s1+$0x2880];
	_ =	sdelay $0x1  }
0xa7: {  	v2 =	vld [tilespmem:s3+$0xFFFFFE10]  }
0xa8: {  	v3 =	vld [tilespmem:s3+$0xFFFFFE20]  }
0xa9: {  	v4 =	vmov s26;
	v5 =	vld [tilespmem:s3+$0xFFFFFE30]  }
0xaa: {  	v6 =	vld [tilespmem:s3+$0xFFFFFE40];
	v4 =	vperm.xlane v1, v4  }
0xab: {  	v7 =	vld [tilespmem:s3+$0xFFFFFE50]  }
0xac: {  	v8 =	vld [tilespmem:s3+$0xFFFFFE60];
	v2 =	vmul.f32 v2, v4  }
0xad: {  	v9 =	vld [tilespmem:s3+$0xFFFFFE70];
	v3 =	vmul.f32 v3, v4  }
0xae: {  	[tilespmem:s3+$0xFFFFFE10] =	vst v2;
	v2 =	vmul.f32 v5, v4;
	v5 =	vld [tilespmem:s3+$0xFFFFFE80]  }
0xaf: {  	[tilespmem:s3+$0xFFFFFE20] =	vst v3;
	v3 =	vmul.f32 v6, v4;
	v6 =	vld [tilespmem:s3+$0xFFFFFE90]  }
0xb0: {  	s8 =	simm.s32 $0x1;
	[tilespmem:s3+$0xFFFFFE30] =	vst v2;
	v2 =	vmul.f32 v7, v4;
	v7 =	vld [tilespmem:s3+$0xFFFFFEA0]  }
0xb1: {  	v10 =	vld [tilespmem:s3+$0xFFFFFEB0];
	[tilespmem:s3+$0xFFFFFE40] =	vst v3;
	v3 =	vmul.f32 v8, v4;
	v8 =	vmov s8  }
0xb2: {  	v8 =	vperm.xlane v1, v8;
	[tilespmem:s3+$0xFFFFFE50] =	vst v2;
	v2 =	vmul.f32 v9, v4;
	v9 =	vld [tilespmem:s3+$0xFFFFFEC0]  }
0xb3: {  	[tilespmem:s3+$0xFFFFFE60] =	vst v3;
	v3 =	vmul.f32 v5, v4;
	v4 =	vld [tilespmem:s3+$0xFFFFFED0]  }
0xb4: {  	v5 =	vld [tilespmem:s3+$0xFFFFFEE0];
	[tilespmem:s3+$0xFFFFFE70] =	vst v2;
	v2 =	vmul.f32 v6, v8  }
0xb5: {  	v6 =	vld [tilespmem:s3+$0xFFFFFEF0];
	[tilespmem:s3+$0xFFFFFE80] =	vst v3;
	v3 =	vmul.f32 v7, v8  }
0xb6: {  	v7 =	vld [tilespmem:s3+$0xFFFFFF00];
	[tilespmem:s3+$0xFFFFFE90] =	vst v2;
	v2 =	vmul.f32 v10, v8  }
0xb7: {  	[tilespmem:s3+$0xFFFFFEA0] =	vst v3;
	v3 =	vmul.f32 v9, v8;
	v9 =	vld [tilespmem:s3+$0xFFFFFF10]  }
0xb8: {  	s10 =	simm.s32 $0x2;
	[tilespmem:s3+$0xFFFFFEB0] =	vst v2;
	v2 =	vmul.f32 v4, v8;
	v4 =	vld [tilespmem:s3+$0xFFFFFF20]  }
0xb9: {  	v10 =	vld [tilespmem:s3+$0xFFFFFF30];
	[tilespmem:s3+$0xFFFFFEC0] =	vst v3;
	v3 =	vmul.f32 v5, v8;
	v5 =	vmov s10  }
0xba: {  	[tilespmem:s3+$0xFFFFFED0] =	vst v2;
	v2 =	vmul.f32 v6, v8;
	v5 =	vperm.xlane v1, v5;
	v6 =	vld [tilespmem:s3+$0xFFFFFF40]  }
0xbb: {  	[tilespmem:s3+$0xFFFFFEE0] =	vst v3;
	v3 =	vmul.f32 v7, v8;
	v7 =	vld [tilespmem:s3+$0xFFFFFF50]  }
0xbc: {  	v8 =	vld [tilespmem:s3+$0xFFFFFF60];
	[tilespmem:s3+$0xFFFFFEF0] =	vst v2;
	v2 =	vmul.f32 v9, v5  }
0xbd: {  	[tilespmem:s3+$0xFFFFFF00] =	vst v3;
	v3 =	vmul.f32 v4, v5;
	v4 =	vld [tilespmem:s3+$0xFFFFFF70]  }
0xbe: {  	v9 =	vld [tilespmem:s3+$0xFFFFFF80];
	[tilespmem:s3+$0xFFFFFF10] =	vst v2;
	v2 =	vmul.f32 v10, v5  }
0xbf: {  	v10 =	vld [tilespmem:s3+$0xFFFFFF90];
	[tilespmem:s3+$0xFFFFFF20] =	vst v3;
	v3 =	vmul.f32 v6, v5  }
0xc0: {  	s14 =	simm.s32 $0x3;
	[tilespmem:s3+$0xFFFFFF30] =	vst v2;
	v2 =	vmul.f32 v7, v5;
	v7 =	vld [tilespmem:s3+$0xFFFFFFA0]  }
0xc1: {  	v6 =	vmul.f32 v8, v5;
	v8 =	vmov s14;
	[tilespmem:s3+$0xFFFFFF40] =	vst v3;
	v3 =	vld [tilespmem:s3+$0xFFFFFFB0]  }
0xc2: {  	[tilespmem:s3+$0xFFFFFF50] =	vst v2;
	v11 =	vmul.f32 v4, v5;
	v4 =	vld [tilespmem:s3+$0xFFFFFFC0];
	v2 =	vperm.xlane v1, v8  }
0xc3: {  	[tilespmem:s3+$0xFFFFFF60] =	vst v6;
	v8 =	vmul.f32 v9, v5;
	v6 =	vld [tilespmem:s3+$0xFFFFFFD0]  }
0xc4: {  	v5 =	vld [tilespmem:s3+$0xFFFFFFE0];
	[tilespmem:s3+$0xFFFFFF70] =	vst v11;
	v9 =	vmul.f32 v10, v2  }
0xc5: {  	s1 =	smov.u32 s3;
	s10 =	smov.u32 s3;
	s14 =	simm.s32 $0x4;
	[tilespmem:s3+$0xFFFFFF80] =	vst v8;
	v8 =	vmul.f32 v7, v2;
	v7 =	vld [tilespmem:s3+$0x0]  }
.LBB2_9:
0xc6: {  	p0 =	slt.u32 s14, $0xC;
	[tilespmem:s10+$0xFFFFFF90] =	vst v9;
	v3 =	vmul.f32 v3, v2;
	v9 =	vld [tilespmem:s10+$0xFFFFFFF0];
	s1 =	sadd.s32 $0x200, s1  }
0xc7: {  	v10 =	vld [tilespmem:s1+$0xFFFFFE10];
	[tilespmem:s10+$0xFFFFFFA0] =	vst v8;
	v4 =	vmul.f32 v4, v2  }
0xc8: {  	v8 =	vld [tilespmem:s1+$0xFFFFFE20];
	[tilespmem:s10+$0xFFFFFFB0] =	vst v3;
	v3 =	vmul.f32 v6, v2  }
0xc9: {  	v6 =	vmov s14;
	v11 =	vld [tilespmem:s1+$0xFFFFFE30];
	[tilespmem:s10+$0xFFFFFFC0] =	vst v4;
	v4 =	vmul.f32 v5, v2  }
0xca: {  	v5 =	vperm.xlane v1, v6;
	v6 =	vld [tilespmem:s1+$0xFFFFFE40];
	[tilespmem:s10+$0xFFFFFFD0] =	vst v3;
	v3 =	vmul.f32 v7, v2  }
0xcb: {  	v7 =	vld [tilespmem:s1+$0xFFFFFE50];
	[tilespmem:s10+$0xFFFFFFE0] =	vst v4;
	v2 =	vmul.f32 v9, v2  }
0xcc: {  	v4 =	vmul.f32 v10, v5;
	v9 =	vld [tilespmem:s1+$0xFFFFFE60];
	[tilespmem:s10+$0x0] =	vst v3  }
0xcd: {  	v3 =	vmul.f32 v8, v5;
	v8 =	vld [tilespmem:s1+$0xFFFFFE70];
	[tilespmem:s10+$0xFFFFFFF0] =	vst v2;
	s10 =	smov.u32 s1  }
0xce: {  	[tilespmem:s1+$0xFFFFFE10] =	vst v4;
	v2 =	vmul.f32 v11, v5;
	v4 =	vld [tilespmem:s1+$0xFFFFFE80]  }
0xcf: {  	[tilespmem:s1+$0xFFFFFE20] =	vst v3;
	v3 =	vmul.f32 v6, v5;
	v6 =	vld [tilespmem:s1+$0xFFFFFE90]  }
0xd0: {  	s8 =	sadd.s32 $0x1, s14;
	[tilespmem:s1+$0xFFFFFE30] =	vst v2;
	v2 =	vmul.f32 v7, v5;
	v7 =	vld [tilespmem:s1+$0xFFFFFEA0]  }
0xd1: {  	[tilespmem:s1+$0xFFFFFE40] =	vst v3;
	v3 =	vmul.f32 v9, v5;
	v9 =	vmov s8;
	v10 =	vld [tilespmem:s1+$0xFFFFFEB0]  }
0xd2: {  	[tilespmem:s1+$0xFFFFFE50] =	vst v2;
	v2 =	vmul.f32 v8, v5;
	v8 =	vperm.xlane v1, v9;
	v9 =	vld [tilespmem:s1+$0xFFFFFEC0]  }
0xd3: {  	[tilespmem:s1+$0xFFFFFE60] =	vst v3;
	v3 =	vmul.f32 v4, v5;
	v4 =	vld [tilespmem:s1+$0xFFFFFED0]  }
0xd4: {  	[tilespmem:s1+$0xFFFFFE70] =	vst v2;
	v2 =	vmul.f32 v6, v8;
	v5 =	vld [tilespmem:s1+$0xFFFFFEE0]  }
0xd5: {  	[tilespmem:s1+$0xFFFFFE80] =	vst v3;
	v3 =	vmul.f32 v7, v8;
	v6 =	vld [tilespmem:s1+$0xFFFFFEF0]  }
0xd6: {  	[tilespmem:s1+$0xFFFFFE90] =	vst v2;
	v2 =	vmul.f32 v10, v8;
	v7 =	vld [tilespmem:s1+$0xFFFFFF00]  }
0xd7: {  	[tilespmem:s1+$0xFFFFFEA0] =	vst v3;
	v3 =	vmul.f32 v9, v8;
	v9 =	vld [tilespmem:s1+$0xFFFFFF10]  }
0xd8: {  	s8 =	sadd.s32 $0x2, s14;
	[tilespmem:s1+$0xFFFFFEB0] =	vst v2;
	v2 =	vmul.f32 v4, v8;
	v4 =	vld [tilespmem:s1+$0xFFFFFF20]  }
0xd9: {  	[tilespmem:s1+$0xFFFFFEC0] =	vst v3;
	v3 =	vmul.f32 v5, v8;
	v5 =	vmov s8;
	v10 =	vld [tilespmem:s1+$0xFFFFFF30]  }
0xda: {  	[tilespmem:s1+$0xFFFFFED0] =	vst v2;
	v2 =	vmul.f32 v6, v8;
	v5 =	vperm.xlane v1, v5;
	v6 =	vld [tilespmem:s1+$0xFFFFFF40]  }
0xdb: {  	[tilespmem:s1+$0xFFFFFEE0] =	vst v3;
	v3 =	vmul.f32 v7, v8;
	v7 =	vld [tilespmem:s1+$0xFFFFFF50]  }
0xdc: {  	[tilespmem:s1+$0xFFFFFEF0] =	vst v2;
	v2 =	vmul.f32 v9, v5;
	v8 =	vld [tilespmem:s1+$0xFFFFFF60]  }
0xdd: {  	[tilespmem:s1+$0xFFFFFF00] =	vst v3;
	v3 =	vmul.f32 v4, v5;
	v4 =	vld [tilespmem:s1+$0xFFFFFF70]  }
0xde: {  	[tilespmem:s1+$0xFFFFFF10] =	vst v2;
	v2 =	vmul.f32 v10, v5;
	v9 =	vld [tilespmem:s1+$0xFFFFFF80]  }
0xdf: {  	[tilespmem:s1+$0xFFFFFF20] =	vst v3;
	v3 =	vmul.f32 v6, v5;
	v10 =	vld [tilespmem:s1+$0xFFFFFF90]  }
0xe0: {  	s8 =	sadd.s32 $0x3, s14;
	[tilespmem:s1+$0xFFFFFF30] =	vst v2;
	v2 =	vmul.f32 v7, v5;
	v7 =	vld [tilespmem:s1+$0xFFFFFFA0]  }
.Ltmp2:
0xe1: {  	[tilespmem:s1+$0xFFFFFF40] =	vst v3;
	v6 =	vmul.f32 v8, v5;
	v8 =	vmov s8;
	v3 =	vld [tilespmem:s1+$0xFFFFFFB0];
	(pc) =	sbr.rel @p0 .LBB2_9-.Ltmp2, $4  }
0xe2: {  	[tilespmem:s1+$0xFFFFFF50] =	vst v2;
	v11 =	vmul.f32 v4, v5;
	v2 =	vperm.xlane v1, v8;
	v4 =	vld [tilespmem:s1+$0xFFFFFFC0]  }
0xe3: {  	[tilespmem:s1+$0xFFFFFF60] =	vst v6;
	v8 =	vmul.f32 v9, v5;
	v6 =	vld [tilespmem:s1+$0xFFFFFFD0]  }
0xe4: {  	[tilespmem:s1+$0xFFFFFF70] =	vst v11;
	v9 =	vmul.f32 v10, v2;
	v5 =	vld [tilespmem:s1+$0xFFFFFFE0]  }
0xe5: {  	s14 =	sadd.s32 $0x4, s14;
	[tilespmem:s1+$0xFFFFFF80] =	vst v8;
	v8 =	vmul.f32 v7, v2;
	v7 =	vld [tilespmem:s1+$0x0]  }
0xe6: {  	[tilespmem:s10+$0xFFFFFF90] =	vst v9;
	v1 =	vmul.f32 v3, v2;
	v3 =	vld [tilespmem:s10+$0xFFFFFFF0]  }
0xe7: {  	s9 =	sadd.s32 $0x1, s9;
	[tilespmem:s10+$0xFFFFFFA0] =	vst v8;
	v4 =	vmul.f32 v4, v2  }
0xe8: {  	p0 =	sne.s32 s9, $0x8;
	[tilespmem:s10+$0xFFFFFFB0] =	vst v1;
	v1 =	vmul.f32 v6, v2  }
.Ltmp3:
0xe9: {  	[tilespmem:s10+$0xFFFFFFC0] =	vst v4;
	v63 =	vmul.f32 v5, v2;
	(pc) =	sbr.rel @p0 .LBB2_8-.Ltmp3, $4  }
0xea: {  	[tilespmem:s10+$0xFFFFFFD0] =	vst v1;
	v1 =	vmul.f32 v7, v2  }
0xeb: {  	[tilespmem:s10+$0xFFFFFFE0] =	vst v63;
	v2 =	vmul.f32 v3, v2  }
0xec: {  	[tilespmem:s10+$0x0] =	vst v1  }
0xed: {  	s3 =	sadd.s32 $0x800, s3;
	[tilespmem:s10+$0xFFFFFFF0] =	vst v2  }
0xee: {  	s0 =	sadd.s32 $0x1, s0  }
0xef: {  	p0 =	sne.s32 s0, $0x14  }
.Ltmp4:
0xf0: {  	_ = 	snop;
	(pc) =	sbr.rel @p0 .LBB2_3-.Ltmp4, $3  }
0xf1: {  	_ =	sdelay $0x1  }
0xf2: {  	s1 =	sadd.s32 $0x1400, s12  }
0xf3: {  	[spmem:s4] =	stream.indirect.scatter.add.f32 [tilespmem:s29], [sflag:$0x4], $0x80, s1, s2, $0xb8;
	[tilespmem:$0x1EB00] =	vst v63  }
0xf4: {  	s0 =	sadd.s32 $0x1, s20;
	p0 =	seq.s32 s20, $0x5  }
0xf5: {  	s1 =	smulhi.u32 @!p0 $0xAAAAAAAB, s0;
	_ =	sdelay $0x1  }
0xf6: {  	s5 =	simm.s32 $0x4;
	s1 =	sshrl.u32 @!p0 s1, $0x1  }
0xf7: {  	_ =	swait.ge [sflag:s5], $0x4000;
	s3 =	smul.u32 @!p0 $0x27100, s1  }
0xf8: {  	[sflag:s5] =	ssyncset.done $0x0;
	s1 =	smul.u32 @!p0 $0xFFFFFFFD, s1  }
0xf9: {  	s8 =	simm.s32 @!p0 $0x0;
	s9 =	simm.s32 @!p0 $0x2B00;
	[sflag:s5] =	ssyncadd.s32 $0xFFFFC000  }
0xfa: {  	s5 =	simm.s32 @!p0 $0x40;
	s3 =	sadd.s32 @!p0 s11, s3;
	s1 =	sadd.s32 @!p0 s0, s1  }
0xfb: {  	[tilespmem:s9], [sflag:$0x1] =	stream.indirect.gather @!p0 [hbm4b:s3+s5], $0x80, s8, s5, $0xb8;
	[tilespmem:$0x1EB00] =	vst v63  }
0xfc: {  	s9 =	simm.s32 @!p0 $0x4B00;
	s1 =	smul.u32 @!p0 $0x28000, s1  }
0xfd: {  	[tilespmem:s9], [sflag:$0x1] =	stream.indirect.gather @!p0 [hbm4b:s3+s5], $0x80, s5, s5, $0xb8;
	[tilespmem:$0x1EB00] =	vst v63  }
0xfe: {  	s13 =	sshll.u32 s20, $0x1;
	s14 =	rddreg [dreg:$0x4];
	s1 =	sadd.s32 @!p0 s6, s1  }
0xff: {  	s20 =	rddreg [dreg:$0x7];
	s3 =	sor.u32 s14, s13;
	s1 =	sshrl.u32 @!p0 s1, $0x3  }
0x100: {  	s5 =	simm.s32 @!p0 $0x2800;
	s3 =	smul.u32 $0x140000, s3;
	s1 =	sadd.s32 @!p0 s7, s1  }
0x101: {  	[tilespmem:s5], [sflag:$0x1] =	stream.linear.gather @!p0 [hbm4b:s1+s8], $0x80, $0x38;
	[tilespmem:$0x1EB00] =	vst v63  }
0x102: {  	s1 =	sadd.s32 s20, s3;
	[bflag:$0x0] =	sbarrier.arrive $0xFFFF  }
0x103: {  	p0 =	sne.s32 s0, $0x6;
	s1 =	sshrl.u32 s1, $0x3;
	s26 =	rddreg [dreg:$0x6]  }
.Ltmp5:
0x104: {  	s1 =	sadd.s32 s26, s1;
	(pc) =	sbr.rel @p0 .LBB2_2-.Ltmp5, $4  }
0x105: {  	[hbm:s1], [sflag:s18] =	dma.local [spmem:s19], $0x2800  }
0x106: {  	_ =	swait.ge [sflag:s21], $0x2800  }
0x107: {  	[sflag:s21] =	ssyncset.done $0x0  }
0x108: {  	s17 =	smov.u32 s11;
	s20 =	smov.u32 s0;
	[sflag:s21] =	ssyncadd.s32 $0xFFFFD800  }
0x109: {  	[bflag:$0x0] =	sbarrier.arrive $0xFFFF  }
0x10a: {  	s0 =	rddreg [dreg:$0x5]  }
0x10b: {  	[spmem:s19], [sflag:s18] =	dma.local [hbm:s0], $0x2800  }
0x10c: {  	_ =	swait.ge [sflag:s21], $0x2800  }
0x10d: {  	[sflag:s21] =	ssyncset.done $0x0  }
0x10e: {  	[sflag:s21] =	ssyncadd.s32 $0xFFFFD800  }
0x10f: {  	s1 =	simm.s32 $0x200;
	s0 =	simm.s32 $0x0;
	[bflag:$0x0] =	sbarrier.arrive $0xFFFF  }
.LBB2_14:
0x110: {  	p0 =	sne.s32 s1, $0xFE00;
	[tilespmem:s0+$0x6B70] =	vst v0  }
0x111: {  	[tilespmem:s0+$0x2B00] =	vst v0  }
0x112: {  	[tilespmem:s0+$0x6B00] =	vst v0  }
0x113: {  	[tilespmem:s0+$0x2B10] =	vst v0  }
0x114: {  	[tilespmem:s0+$0x6B10] =	vst v0  }
0x115: {  	[tilespmem:s0+$0x2B20] =	vst v0  }
0x116: {  	[tilespmem:s0+$0x6B20] =	vst v0  }
0x117: {  	[tilespmem:s0+$0x2B30] =	vst v0  }
0x118: {  	[tilespmem:s0+$0x6B30] =	vst v0  }
0x119: {  	[tilespmem:s0+$0x2B40] =	vst v0  }
0x11a: {  	[tilespmem:s0+$0x6B40] =	vst v0  }
.Ltmp6:
0x11b: {  	[tilespmem:s0+$0x2B50] =	vst v0;
	(pc) =	sbr.rel @p0 .LBB2_14-.Ltmp6, $4  }
0x11c: {  	[tilespmem:s0+$0x6B50] =	vst v0  }
0x11d: {  	[tilespmem:s0+$0x2B60] =	vst v0  }
0x11e: {  	[tilespmem:s0+$0x6B60] =	vst v0  }
0x11f: {  	[tilespmem:s0+$0x2B70] =	vst v0;
	s0 =	sshra.s32 s1, $0x2;
	s1 =	sadd.s32 $0x200, s1  }
0x120: {  	[tilespmem:s0+$0x6B70] =	vst v0  }
0x121: {  	[tilespmem:s0+$0x2B00] =	vst v0  }
0x122: {  	[tilespmem:s0+$0x6B00] =	vst v0  }
0x123: {  	[tilespmem:s0+$0x2B10] =	vst v0  }
0x124: {  	[tilespmem:s0+$0x6B10] =	vst v0  }
0x125: {  	[tilespmem:s0+$0x2B20] =	vst v0  }
0x126: {  	[tilespmem:s0+$0x6B20] =	vst v0  }
0x127: {  	[tilespmem:s0+$0x2B30] =	vst v0  }
0x128: {  	[tilespmem:s0+$0x6B30] =	vst v0  }
0x129: {  	[tilespmem:s0+$0x2B40] =	vst v0  }
0x12a: {  	[tilespmem:s0+$0x6B40] =	vst v0  }
0x12b: {  	[tilespmem:s0+$0x2B50] =	vst v0  }
0x12c: {  	[tilespmem:s0+$0x6B50] =	vst v0  }
0x12d: {  	[tilespmem:s0+$0x2B60] =	vst v0  }
0x12e: {  	[tilespmem:s0+$0x6B60] =	vst v0  }
0x12f: {  	[tilespmem:s0+$0x2B70] =	vst v0;
	s0 =	simm.s32 $0x0;
	s20 =	rddreg [dreg:$0xa];
	s11 =	simm.s32 $0x2800  }
0x130: {  	[tilespmem:s11], [sflag:$0x1] =	stream.linear.gather [hbm4b:s20+s0], $0x80, $0x38;
	[tilespmem:$0x1EB00] =	vst v63  }
0x131: {  	s1 =	rddreg [dreg:$0xc];
	s3 =	simm.s32 $0x2900  }
0x132: {  	[tilespmem:s3], [sflag:$0x1] =	stream.linear.gather [hbm4b:s1+s0], $0x80, $0x38;
	[tilespmem:$0x1EB00] =	vst v63  }
0x133: {  	s14 =	rddreg [dreg:$0xd];
	s26 =	simm.s32 $0x2A00  }
0x134: {  	[tilespmem:s26], [sflag:$0x1] =	stream.linear.gather [hbm4b:s14+s0], $0x80, $0x38;
	[tilespmem:$0x1EB00] =	vst v63  }
0x135: {  	s5 =	simm.s32 $0x0;
	s26 =	simm.s32 $0x2980  }
.LBB2_16:
0x136: {  	_ =	swait.ge [sflag:s28], $0x80  }
0x137: {  	[sflag:s28] =	ssyncset.done $0x0  }
0x138: {  	[sflag:s28] =	ssyncadd.s32 $0xFFFFFF80  }
0x139: {  	_ =	swait.ge [sflag:s28], $0x80  }
0x13a: {  	s1 =	sshllo.u32 s5, $0x1;
	[sflag:s28] =	ssyncset.done $0x0  }
0x13b: {  	s3 =	sshll.u32 s5, $0x8;
	p0 =	seq.s32 s5, $0x0;
	[sflag:s28] =	ssyncadd.s32 $0xFFFFFF80  }
0x13c: {  	s8 =	sand.u32 $0x1C00, s3;
	s12 =	sshll.u32 s1, $0x7;
	_ =	swait.ge [sflag:s28], $0x80  }
0x13d: {  	s9 =	sand.u32 $0x380, s12;
	s10 =	sadd.s32 s6, s8;
	[sflag:s28] =	ssyncset.done $0x0  }
0x13e: {  	s1 =	simm.s32 @!p0 $0x4;
	s10 =	sor.u32 s10, s9;
	[sflag:s28] =	ssyncadd.s32 $0xFFFFFF80  }
0x13f: {  	s10 =	sshrl.u32 s10, $0x3;
	_ =	swait.ge @!p0 [sflag:s1], $0x4000  }
0x140: {  	s14 =	sadd.s32 s7, s10;
	s10 =	sadd.s32 s15, s8;
	[sflag:s1] =	ssyncset.done @!p0 $0x0  }
0x141: {  	[sflag:s1] =	ssyncadd.s32 @!p0 $0xFFFFC000;
	s1 =	sor.u32 s10, s9  }
0x142: {  	[tilespmem:s31], [sflag:$0x2] =	stream.linear.gather [hbm4b:s14+s0], $0x80, $0x38;
	[tilespmem:$0x1EB00] =	vst v63  }
0x143: {  	s1 =	sshrl.u32 s1, $0x3  }
0x144: {  	s13 =	sadd.s32 s16, s8;
	s1 =	sadd.s32 s7, s1  }
0x145: {  	[tilespmem:s26], [sflag:$0x2] =	stream.linear.gather [hbm4b:s1+s0], $0x80, $0x38;
	[tilespmem:$0x1EB00] =	vst v63  }
0x146: {  	s1 =	sor.u32 s13, s9  }
0x147: {  	s10 =	simm.s32 $0x0;
	s1 =	sshrl.u32 s1, $0x3  }
0x148: {  	s14 =	simm.s32 $0x2A80;
	s9 =	simm.s32 $0x2C00;
	s1 =	sadd.s32 s7, s1  }
0x149: {  	[tilespmem:s14], [sflag:$0x2] =	stream.linear.gather [hbm4b:s1+s0], $0x80, $0x38;
	[tilespmem:$0x1EB00] =	vst v63  }
.LBB2_17:
0x14a: {  	s1 =	sshll.u32 s10, $0x4  }
0x14b: {  	v1 =	vld [tilespmem:s1+$0x2900]  }
0x14c: {  	s8 =	simm.s32 $0x0;
	s13 =	simm.s32 $0x2;
	v3 =	vld [tilespmem:s1+$0x2A00]  }
0x14d: {  	s14 =	simm.s32 $0x3;
	v2 =	vld [tilespmem:s1+$0x2800];
	v4 =	vmov s8;
	s8 =	simm.s32 $0x1;
	v6 =	vmov s13  }
0x14e: {  	v7 =	vmov s14;
	v4 =	vand.u32 $0xF, v4;
	v5 =	vmov s8  }
0x14f: {  	v6 =	vand.u32 $0xF, v6;
	v7 =	vand.u32 $0xF, v7;
	v4 =	vbroadcast v4, $0x0  }
0x150: {  	v5 =	vand.u32 $0xF, v5;
	v6 =	vbroadcast v6, $0x0;
	v7 =	vbroadcast v7, $0x0  }
0x151: {  	s13 =	simm.s32 $0x5;
	v5 =	vbroadcast v5, $0x0;
	v8 =	vperm.xlane v1, v4  }
0x152: {  	s14 =	simm.s32 $0x6;
	v13 =	vmov s13;
	v9 =	vperm.xlane v3, v4;
	v4 =	vperm.xlane v2, v4  }
0x153: {  	s8 =	simm.s32 $0x4;
	v16 =	vmov s14;
	v11 =	vperm.xlane v3, v5;
	v12 =	vperm.xlane v3, v6  }
0x154: {  	v10 =	vmov s8;
	v14 =	vperm.xlane v1, v5;
	v15 =	vperm.xlane v2, v7  }
0x155: {  	v10 =	vand.u32 $0xF, v10;
	v5 =	vperm.xlane v2, v5;
	v17 =	vperm.xlane v1, v7  }
0x156: {  	v18 =	vperm.xlane v2, v6;
	v7 =	vperm.xlane v3, v7;
	v15 =	vnsel vm0, $0x0, v15  }
0x157: {  	v6 =	vperm.xlane v1, v6;
	v5 =	vnsel vm0, $0x0, v5;
	v15 =	vsel vm1, v15, v17  }
0x158: {  	v61 =	vnsel vm0, $0x0, v18;
	v5 =	vsel vm1, v5, v14;
	v7 =	vsel vm2, v15, v7  }
0x159: {  	v62 =	vnsel vm0, $0x0, v4;
	v6 =	vsel vm1, v61, v6;
	v5 =	vsel vm2, v5, v11;
	[tilespmem:s9+$0x80] =	vst v7  }
0x15a: {  	v4 =	vbroadcast v10, $0x0;
	v8 =	vsel vm1, v62, v8;
	v63 =	vsel vm2, v6, v12;
	[tilespmem:s9+$0xFFFFFF80] =	vst v5  }
0x15b: {  	s1 =	smov.u32 s9;
	s14 =	simm.s32 $0x7;
	s13 =	simm.s32 $0x8;
	v6 =	vand.u32 $0xF, v13;
	v7 =	vand.u32 $0xF, v16;
	v5 =	vsel vm2, v8, v9;
	[tilespmem:s9+$0x0] =	vst v63  }
.LBB2_18:
0x15c: {  	p0 =	slt.u32 s13, $0xC;
	v6 =	vbroadcast v6, $0x0;
	v7 =	vbroadcast v7, $0x0;
	v8 =	vmov s14;
	[tilespmem:s1+$0xFFFFFF00] =	vst v5  }
0x15d: {  	v5 =	vperm.xlane v1, v4;
	v9 =	vperm.xlane v3, v4;
	v8 =	vand.u32 $0xF, v8  }
0x15e: {  	v10 =	vmov s13;
	v4 =	vperm.xlane v2, v4;
	v8 =	vbroadcast v8, $0x0  }
0x15f: {  	s8 =	sadd.s32 $0x1, s13;
	v10 =	vand.u32 $0xF, v10;
	v11 =	vperm.xlane v3, v6;
	v12 =	vperm.xlane v3, v7  }
0x160: {  	v13 =	vmov s8;
	s8 =	sadd.s32 $0x2, s13;
	v14 =	vperm.xlane v1, v6;
	v15 =	vperm.xlane v2, v8  }
0x161: {  	v16 =	vmov s8;
	v6 =	vperm.xlane v2, v6;
	v17 =	vperm.xlane v1, v8  }
0x162: {  	v18 =	vperm.xlane v2, v7;
	v8 =	vperm.xlane v3, v8;
	v15 =	vnsel vm0, $0x0, v15  }
.Ltmp7:
0x163: {  	v7 =	vperm.xlane v1, v7;
	v6 =	vnsel vm0, $0x0, v6;
	v15 =	vsel vm1, v15, v17;
	(pc) =	sbr.rel @p0 .LBB2_18-.Ltmp7, $4  }
0x164: {  	s1 =	sadd.s32 $0x200, s1;
	v6 =	vsel vm1, v6, v14;
	v14 =	vnsel vm0, $0x0, v18;
	v8 =	vsel vm2, v15, v8  }
0x165: {  	v6 =	vsel vm2, v6, v11;
	v7 =	vsel vm1, v14, v7;
	v15 =	vnsel vm0, $0x0, v4;
	[tilespmem:s1+$0x80] =	vst v8  }
0x166: {  	v4 =	vbroadcast v10, $0x0;
	v5 =	vsel vm1, v15, v5;
	v8 =	vsel vm2, v7, v12;
	[tilespmem:s1+$0xFFFFFF80] =	vst v6  }
0x167: {  	s14 =	sadd.s32 $0x3, s13;
	s13 =	sadd.s32 $0x4, s13;
	v7 =	vand.u32 $0xF, v16;
	v6 =	vand.u32 $0xF, v13;
	v5 =	vsel vm2, v5, v9;
	[tilespmem:s1+$0x0] =	vst v8  }
0x168: {  	v6 =	vbroadcast v6, $0x0;
	v7 =	vbroadcast v7, $0x0;
	v8 =	vmov s14  }
0x169: {  	v9 =	vperm.xlane v1, v4;
	v10 =	vperm.xlane v3, v4;
	v8 =	vand.u32 $0xF, v8  }
0x16a: {  	v61 =	vperm.xlane v2, v4;
	v8 =	vbroadcast v8, $0x0  }
0x16b: {  	v11 =	vperm.xlane v3, v6;
	v12 =	vperm.xlane v3, v7  }
0x16c: {  	v14 =	vperm.xlane v2, v6;
	v6 =	vperm.xlane v1, v6  }
0x16d: {  	v13 =	vperm.xlane v2, v8;
	v3 =	vperm.xlane v3, v8  }
0x16e: {  	s10 =	sadd.s32 $0x1, s10;
	v8 =	vperm.xlane v1, v8;
	v2 =	vperm.xlane v2, v7;
	v14 =	vnsel vm0, $0x0, v14  }
0x16f: {  	p0 =	sne.s32 s10, $0x8;
	v1 =	vperm.xlane v1, v7;
	v63 =	vsel vm1, v14, v6;
	v13 =	vnsel vm0, $0x0, v13  }
.Ltmp8:
0x170: {  	[tilespmem:s1+$0xFFFFFF00] =	vst v5;
	s14 =	sadd.s32 $0x200, s1;
	v2 =	vnsel vm0, $0x0, v2;
	v5 =	vsel vm2, v63, v11;
	v62 =	vsel vm1, v13, v8;
	(pc) =	sbr.rel @p0 .LBB2_17-.Ltmp8, $4  }
0x171: {  	v4 =	vnsel vm0, $0x0, v61;
	v1 =	vsel vm1, v2, v1;
	[tilespmem:s14+$0xFFFFFF80] =	vst v5;
	v3 =	vsel vm2, v62, v3  }
0x172: {  	v2 =	vsel vm1, v4, v9;
	v1 =	vsel vm2, v1, v12;
	[tilespmem:s14+$0x80] =	vst v3  }
0x173: {  	v2 =	vsel vm2, v2, v10;
	[tilespmem:s14+$0x0] =	vst v1  }
0x174: {  	s9 =	sadd.s32 $0x800, s9;
	[tilespmem:s14+$0xFFFFFF00] =	vst v2  }
0x175: {  	s1 =	sand.u32 $0x3FFFFF00, s3  }
0x176: {  	s1 =	sadd.s32 $0x1400, s1  }
0x177: {  	[spmem:s4] =	stream.indirect.scatter.add.f32 [tilespmem:s24], [sflag:$0x3], $0x80, s1, s2, $0xb8;
	[tilespmem:$0x1EB00] =	vst v63  }
0x178: {  	_ =	swait.ge [sflag:s22], $0x80  }
0x179: {  	[sflag:s22] =	ssyncset.done $0x0  }
0x17a: {  	[sflag:s22] =	ssyncadd.s32 $0xFFFFFF80  }
0x17b: {  	_ =	swait.ge [sflag:s22], $0x80  }
0x17c: {  	[sflag:s22] =	ssyncset.done $0x0  }
0x17d: {  	p0 =	seq.s32 s5, $0x13;
	[sflag:s22] =	ssyncadd.s32 $0xFFFFFF80  }
0x17e: {  	s1 =	sadd.s32 @!p0 $0x100, s3;
	_ =	swait.ge [sflag:s22], $0x80  }
0x17f: {  	s3 =	sand.u32 @!p0 $0x3C00, s1;
	[sflag:s22] =	ssyncset.done $0x0  }
0x180: {  	s1 =	sand.u32 @!p0 $0x300, s1;
	s8 =	sadd.s32 @!p0 s6, s3;
	[sflag:s22] =	ssyncadd.s32 $0xFFFFFF80  }
0x181: {  	s8 =	sor.u32 @!p0 s1, s8;
	_ =	swait.ge [sflag:s25], $0x4000  }
0x182: {  	s9 =	simm.s32 @!p0 $0x0;
	s8 =	sshrl.u32 @!p0 s8, $0x3;
	[sflag:s25] =	ssyncset.done $0x0  }
0x183: {  	s10 =	simm.s32 @!p0 $0x2800;
	s8 =	sadd.s32 @!p0 s7, s8;
	[sflag:s25] =	ssyncadd.s32 $0xFFFFC000  }
0x184: {  	[tilespmem:s10], [sflag:$0x1] =	stream.linear.gather @!p0 [hbm4b:s8+s9], $0x80, $0x38;
	[tilespmem:$0x1EB00] =	vst v63  }
0x185: {  	s8 =	sadd.s32 @!p0 s15, s3  }
0x186: {  	s3 =	sadd.s32 @!p0 s16, s3;
	s8 =	sor.u32 @!p0 s1, s8  }
0x187: {  	s1 =	sor.u32 @!p0 s1, s3;
	s8 =	sshrl.u32 @!p0 s8, $0x3  }
0x188: {  	s10 =	simm.s32 @!p0 $0x2900;
	s1 =	sshrl.u32 @!p0 s1, $0x3;
	s8 =	sadd.s32 @!p0 s7, s8  }
0x189: {  	[tilespmem:s10], [sflag:$0x1] =	stream.linear.gather @!p0 [hbm4b:s8+s9], $0x80, $0x38;
	[tilespmem:$0x1EB00] =	vst v63  }
0x18a: {  	s3 =	simm.s32 @!p0 $0x2A00;
	s1 =	sadd.s32 @!p0 s7, s1  }
0x18b: {  	[tilespmem:s3], [sflag:$0x1] =	stream.linear.gather @!p0 [hbm4b:s1+s9], $0x80, $0x38;
	[tilespmem:$0x1EB00] =	vst v63  }
0x18c: {  	s10 =	simm.s32 $0x0;
	s3 =	simm.s32 $0x0;
	s9 =	simm.s32 $0x6C80  }
.LBB2_21:
0x18d: {  	s1 =	sshll.u32 s10, $0x4  }
0x18e: {  	v1 =	vld [tilespmem:s1+$0x2980]  }
0x18f: {  	v4 =	vmov s3;
	v3 =	vld [tilespmem:s1+$0x2A80]  }
0x190: {  	s13 =	simm.s32 $0x1;
	s8 =	simm.s32 $0x2;
	s14 =	simm.s32 $0x3;
	v2 =	vld [tilespmem:s1+$0x2880];
	v4 =	vand.u32 $0xF, v4  }
0x191: {  	v5 =	vmov s13;
	v6 =	vmov s8;
	v7 =	vmov s14  }
0x192: {  	v4 =	vbroadcast v4, $0x0;
	v5 =	vand.u32 $0xF, v5;
	v6 =	vand.u32 $0xF, v6  }
0x193: {  	v7 =	vand.u32 $0xF, v7;
	v5 =	vbroadcast v5, $0x0;
	v6 =	vbroadcast v6, $0x0  }
0x194: {  	s8 =	simm.s32 $0x4;
	v7 =	vbroadcast v7, $0x0;
	v8 =	vperm.xlane v1, v4  }
0x195: {  	s13 =	simm.s32 $0x5;
	v10 =	vmov s8;
	v9 =	vperm.xlane v3, v4;
	v4 =	vperm.xlane v2, v4  }
0x196: {  	s14 =	simm.s32 $0x6;
	v13 =	vmov s13;
	v11 =	vperm.xlane v3, v5;
	v12 =	vperm.xlane v3, v6  }
0x197: {  	v16 =	vmov s14;
	v14 =	vperm.xlane v1, v5;
	v15 =	vperm.xlane v2, v7  }
0x198: {  	v10 =	vand.u32 $0xF, v10;
	v5 =	vperm.xlane v2, v5;
	v17 =	vperm.xlane v1, v7  }
0x199: {  	v18 =	vperm.xlane v2, v6;
	v7 =	vperm.xlane v3, v7;
	v15 =	vnsel vm0, $0x0, v15  }
0x19a: {  	v6 =	vperm.xlane v1, v6;
	v5 =	vnsel vm0, $0x0, v5;
	v15 =	vsel vm1, v15, v17  }
0x19b: {  	v61 =	vnsel vm0, $0x0, v18;
	v5 =	vsel vm1, v5, v14;
	v7 =	vsel vm2, v15, v7  }
0x19c: {  	v62 =	vnsel vm0, $0x0, v4;
	v6 =	vsel vm1, v61, v6;
	v5 =	vsel vm2, v5, v11;
	[tilespmem:s9+$0x0] =	vst v7  }
0x19d: {  	v4 =	vbroadcast v10, $0x0;
	v8 =	vsel vm1, v62, v8;
	v63 =	vsel vm2, v6, v12;
	[tilespmem:s9+$0xFFFFFF00] =	vst v5  }
0x19e: {  	s1 =	smov.u32 s9;
	s14 =	simm.s32 $0x7;
	s13 =	simm.s32 $0x8;
	v6 =	vand.u32 $0xF, v13;
	v7 =	vand.u32 $0xF, v16;
	v5 =	vsel vm2, v8, v9;
	[tilespmem:s9+$0xFFFFFF80] =	vst v63  }
.LBB2_22:
0x19f: {  	p0 =	slt.u32 s13, $0xC;
	v6 =	vbroadcast v6, $0x0;
	v7 =	vbroadcast v7, $0x0;
	v8 =	vmov s14;
	[tilespmem:s1+$0xFFFFFE80] =	vst v5  }
0x1a0: {  	v5 =	vperm.xlane v1, v4;
	v9 =	vperm.xlane v3, v4;
	v8 =	vand.u32 $0xF, v8  }
0x1a1: {  	v10 =	vmov s13;
	v4 =	vperm.xlane v2, v4;
	v8 =	vbroadcast v8, $0x0  }
0x1a2: {  	s8 =	sadd.s32 $0x1, s13;
	v10 =	vand.u32 $0xF, v10;
	v11 =	vperm.xlane v3, v6;
	v12 =	vperm.xlane v3, v7  }
0x1a3: {  	v13 =	vmov s8;
	s8 =	sadd.s32 $0x2, s13;
	v14 =	vperm.xlane v1, v6;
	v15 =	vperm.xlane v2, v8  }
0x1a4: {  	v16 =	vmov s8;
	v6 =	vperm.xlane v2, v6;
	v17 =	vperm.xlane v1, v8  }
0x1a5: {  	v18 =	vperm.xlane v2, v7;
	v8 =	vperm.xlane v3, v8;
	v15 =	vnsel vm0, $0x0, v15  }
.Ltmp9:
0x1a6: {  	v7 =	vperm.xlane v1, v7;
	v6 =	vnsel vm0, $0x0, v6;
	v15 =	vsel vm1, v15, v17;
	(pc) =	sbr.rel @p0 .LBB2_22-.Ltmp9, $4  }
0x1a7: {  	s1 =	sadd.s32 $0x200, s1;
	v6 =	vsel vm1, v6, v14;
	v14 =	vnsel vm0, $0x0, v18;
	v8 =	vsel vm2, v15, v8  }
0x1a8: {  	v6 =	vsel vm2, v6, v11;
	v7 =	vsel vm1, v14, v7;
	v15 =	vnsel vm0, $0x0, v4;
	[tilespmem:s1+$0x0] =	vst v8  }
0x1a9: {  	v4 =	vbroadcast v10, $0x0;
	v5 =	vsel vm1, v15, v5;
	v8 =	vsel vm2, v7, v12;
	[tilespmem:s1+$0xFFFFFF00] =	vst v6  }
0x1aa: {  	s14 =	sadd.s32 $0x3, s13;
	s13 =	sadd.s32 $0x4, s13;
	v7 =	vand.u32 $0xF, v16;
	v6 =	vand.u32 $0xF, v13;
	v5 =	vsel vm2, v5, v9;
	[tilespmem:s1+$0xFFFFFF80] =	vst v8  }
0x1ab: {  	v6 =	vbroadcast v6, $0x0;
	v7 =	vbroadcast v7, $0x0;
	v8 =	vmov s14  }
0x1ac: {  	v9 =	vperm.xlane v1, v4;
	v10 =	vperm.xlane v3, v4;
	v8 =	vand.u32 $0xF, v8  }
0x1ad: {  	v61 =	vperm.xlane v2, v4;
	v8 =	vbroadcast v8, $0x0  }
0x1ae: {  	v11 =	vperm.xlane v3, v6;
	v12 =	vperm.xlane v3, v7  }
0x1af: {  	v14 =	vperm.xlane v2, v6;
	v6 =	vperm.xlane v1, v6  }
0x1b0: {  	v13 =	vperm.xlane v2, v8;
	v3 =	vperm.xlane v3, v8  }
0x1b1: {  	s10 =	sadd.s32 $0x1, s10;
	v8 =	vperm.xlane v1, v8;
	v2 =	vperm.xlane v2, v7;
	v14 =	vnsel vm0, $0x0, v14  }
0x1b2: {  	p0 =	sne.s32 s10, $0x8;
	v1 =	vperm.xlane v1, v7;
	v63 =	vsel vm1, v14, v6;
	v13 =	vnsel vm0, $0x0, v13  }
.Ltmp10:
0x1b3: {  	[tilespmem:s1+$0xFFFFFE80] =	vst v5;
	s14 =	sadd.s32 $0x200, s1;
	v2 =	vnsel vm0, $0x0, v2;
	v5 =	vsel vm2, v63, v11;
	v62 =	vsel vm1, v13, v8;
	(pc) =	sbr.rel @p0 .LBB2_21-.Ltmp10, $4  }
0x1b4: {  	v4 =	vnsel vm0, $0x0, v61;
	v1 =	vsel vm1, v2, v1;
	[tilespmem:s14+$0xFFFFFF00] =	vst v5;
	v3 =	vsel vm2, v62, v3  }
0x1b5: {  	v2 =	vsel vm1, v4, v9;
	v1 =	vsel vm2, v1, v12;
	[tilespmem:s14+$0x0] =	vst v3  }
0x1b6: {  	v2 =	vsel vm2, v2, v10;
	[tilespmem:s14+$0xFFFFFF80] =	vst v1  }
0x1b7: {  	s9 =	sadd.s32 $0x800, s9;
	[tilespmem:s14+$0xFFFFFE80] =	vst v2  }
0x1b8: {  	s5 =	sadd.s32 $0x1, s5  }
0x1b9: {  	p0 =	sne.s32 s5, $0x14  }
.Ltmp11:
0x1ba: {  	_ = 	snop;
	(pc) =	sbr.rel @p0 .LBB2_16-.Ltmp11, $4  }
0x1bb: {  	_ = 	snop  }
0x1bc: {  	s1 =	sand.u32 $0x3FFFFF80, s12  }
0x1bd: {  	s1 =	sadd.s32 $0x1400, s1  }
0x1be: {  	[spmem:s4] =	stream.indirect.scatter.add.f32 [tilespmem:s29], [sflag:$0x4], $0x80, s1, s2, $0xb8;
	[tilespmem:$0x1EB00] =	vst v63  }
0x1bf: {  	s0 =	simm.s32 $0x4  }
0x1c0: {  	_ =	swait.ge [sflag:s0], $0x4000  }
0x1c1: {  	[sflag:s0] =	ssyncset.done $0x0  }
0x1c2: {  	[sflag:s0] =	ssyncadd.s32 $0xFFFFC000  }
0x1c3: {  	[bflag:$0x0] =	sbarrier.arrive $0xFFFF  }
0x1c4: {  	s14 =	rddreg [dreg:$0xe]  }
0x1c5: {  	[hbm:s14], [sflag:s18] =	dma.local [spmem:s19], $0x2800  }
0x1c6: {  	_ =	swait.ge [sflag:s21], $0x2800  }
0x1c7: {  	s1 =	rddreg [dreg:$0x10]  }
0x1c8: {  	s26 =	rddreg [dreg:$0xf];
	s1 =	sadd.s32 $0x1, s1  }
0x1c9: {  	p0 =	sne.s32 s1, s26  }
.Ltmp12:
0x1ca: {  	_ = 	snop;
	(pc) =	sbr.rel @p0 .LBB2_1-.Ltmp12, $3  }
0x1cb: {  	_ =	sdelay $0x1  }
0x1cc: {  	[sflag:s21] =	ssyncset.done $0x0  }
0x1cd: {  	[sflag:s21] =	ssyncadd.s32 $0xFFFFD800  }
0x1ce: {  	_ =	sfence.sel $0x180000  }
0x1cf: {  	[bflag:$0x0] =	sbarrier.arrive $0xFFFF  }
0x1d0: {  	_ =	strace $0x90000047  }
0x1d1: {  	s0 =	stileid.u32;
	[bflag:$0x2] =	sbarrier.arrive $0xFFFF  }
0x1d2: {  	p0 =	sne.s32 s0, $0x0;
	s0 =	rddreg [dreg:$0x3]  }
0x1d3: {  	s0 =	sadd.s32 @!p0 $0x100000, s0  }
0x1d4: {  	[sflag:s0] =	ssyncadd.tile.s32 @!p0 $0x1;
	_ =	shalt  }
.Lfunc_end2:
_tile_overlayer_lowered:
.L_overlay_start_2:
0x1d5: {  	(tag) =	ssettag $0x2  }
0x1d6: {  	s0 =	rddreg [dreg:$0x0];
	s2 =	stileid.u32  }
0x1d7: {  	s1 =	rddreg [dreg:$0x1];
	p0 =	sne.s32 s2, $0x0  }
0x1d8: {  	s3 =	rddreg [dreg:$0x2];
	[bflag:$0x3] =	sbarrier.arrive $0xFFFF;
	s2 =	simm.s32 @!p0 $0x1C05  }
0x1d9: {  	[timem:s3], [sflag:s2] =	dma.local @!p0 [hbm:s0], s1  }
0x1da: {  	s0 =	simm.s32 @!p0 $0x5  }
0x1db: {  	_ =	swait.ge @!p0 [sflag:s0], s1  }
0x1dc: {  	s1 =	ssub.s32 @!p0 $0x0, s1;
	[sflag:s0] =	ssyncset.done @!p0 $0x0  }
0x1dd: {  	[sflag:s0] =	ssyncadd.s32 @!p0 s1  }
0x1de: {  	[bflag:$0x3] =	sbarrier.arrive $0xFFFF  }
0x1df: {  	_ =	shalt  }

</sc_bundles>
